<compile_context>
chip_gen: v7x
topology: tpu7x:2x2x1
jax: 0.10.2.dev20260603
libtpu: 0.0.44.dev20260713+nightly
codegen_flags: <defaults>
</compile_context>

<pallas_src>
import jax
import jax.numpy as jnp
from jax import lax
from jax.experimental import pallas as pl
from jax.experimental.pallas import tpu as pltpu
from jax.experimental.pallas import tpu_sc as plsc

B, C, H, W = 16, 384, 56, 56
HALF = C // 2
NPOS = B * H * W
NW = 32
PR = NPOS // NW
CR = 32
NCHUNK = PR // CR
NSLOT = 2
NITER = NCHUNK // NSLOT
NVEC = C // 16


def _body(a_hbm, b_hbm, out_hbm, abuf, bbuf, obuf, *sems):
    asems = sems[0:NSLOT]
    bsems = sems[NSLOT:2 * NSLOT]
    wsems = sems[2 * NSLOT:3 * NSLOT]
    cid = lax.axis_index("c")
    sid = lax.axis_index("s")
    wid = cid * 16 + sid
    row0 = wid * PR

    lane2 = 2 * lax.iota(jnp.int32, 16)
    cols_a = [32 * j + lane2 for j in range(NVEC // 2)]
    cols_b = [32 * j + lane2 + 1 for j in range(NVEC // 2)]

    def in_copies(k, s):
        base = row0 + k * CR
        return (
            pltpu.make_async_copy(a_hbm.at[pl.ds(base, CR)], abuf.at[s], asems[s]),
            pltpu.make_async_copy(b_hbm.at[pl.ds(base, CR)], bbuf.at[s], bsems[s]),
        )

    def out_copy(k, s):
        base = row0 + k * CR
        return pltpu.make_async_copy(
            obuf.at[s], out_hbm.at[pl.ds(base, CR)], wsems[s])

    def compute(s):
        av = abuf.at[s]
        bv = bbuf.at[s]
        ov = obuf.at[s]

        def row_body(r, carry):
            for u in range(2):
                rr = 2 * r + u
                rsplat = jnp.full((16,), rr, jnp.int32)
                for j in range(NVEC // 2):
                    ov[rr, pl.ds(16 * j, 16)] = plsc.load_gather(
                        av, [rsplat, cols_a[j]])
                for j in range(NVEC // 2):
                    ov[rr, pl.ds(HALF + 16 * j, 16)] = plsc.load_gather(
                        bv, [rsplat, cols_b[j]])
            return carry

        lax.fori_loop(0, CR // 2, row_body, 0)

    for cp in in_copies(0, 0):
        cp.start()

    def ring_body(i, carry):
        k0 = i * NSLOT
        for s in range(NSLOT):
            k = k0 + s
            for cp in in_copies(k, s):
                cp.wait()

            nxt = k + NSLOT - 1
            @pl.when(nxt < NCHUNK)
            def _():
                for cp in in_copies(nxt, (s + NSLOT - 1) % NSLOT):
                    cp.start()

            @pl.when(i > 0)
            def _():
                out_copy(k - NSLOT, s).wait()

            compute(s)
            out_copy(k, s).start()
        return carry

    lax.fori_loop(0, NITER, ring_body, 0)
    for cp in in_copies(NCHUNK - 1, 0):
        cp.wait()
    out_copy(NCHUNK - 3, 0).wait()
    compute(0)
    out_copy(NCHUNK - 1, 0).start()
    out_copy(NCHUNK - 2, 1).wait()
    out_copy(NCHUNK - 1, 0).wait()


@jax.jit
def _frozen_adder(a2, b2):
    mesh = plsc.VectorSubcoreMesh(core_axis_name="c", subcore_axis_name="s")
    return pl.kernel(
        _body,
        out_type=jax.ShapeDtypeStruct((NPOS, C), jnp.float32),
        mesh=mesh,
        scratch_types=[
            pltpu.VMEM((NSLOT, CR, C), jnp.float32),
            pltpu.VMEM((NSLOT, CR, C), jnp.float32),
            pltpu.VMEM((NSLOT, CR, C), jnp.float32),
        ] + [pltpu.SemaphoreType.DMA] * (3 * NSLOT),
        compiler_params=pltpu.CompilerParams(
            use_tc_tiling_on_sc=True, needs_layout_passes=False),
    )(a2, b2)


def kernel(input_a, input_b):
    a2 = input_a.transpose(0, 2, 3, 1).reshape(NPOS, C)
    b2 = input_b.transpose(0, 2, 3, 1).reshape(NPOS, C)
    out = _frozen_adder(a2, b2)
    return out.reshape(B, H, W, C).transpose(0, 3, 1, 2)

# --- scband reference (transcript-rebuilt; emitter-appended) ---
"""Pipeline reference for scband-frozen-adder-23733989278344 (READ-ONLY COPY).

The authoritative reference and input builder live on the scoring server;
editing this copy changes nothing except your own understanding.
"""

import jax, jax.numpy as jnp
import numpy as np

B, C, H, W = 16, 384, 56, 56
IN_A = np.arange(0, 384, 2)   # 192 even source channels for branch a
OUT_A = np.arange(0, 192)     # destination channels for branch a
IN_B = np.arange(1, 384, 2)   # 192 odd source channels for branch b
OUT_B = np.arange(192, 384)   # destination channels for branch b


def setup_inputs(seed: int = 0) -> dict:
    key = jax.random.key(seed)
    k1, k2 = jax.random.split(key)
    input_a = jax.random.normal(k1, (B, C, H, W), dtype=jnp.float32)
    input_b = jax.random.normal(k2, (B, C, H, W), dtype=jnp.float32)
    return {"input_a": input_a, "input_b": input_b}


def reference(input_a, input_b):
    idx_in_a = jnp.asarray(IN_A)
    idx_out_a = jnp.asarray(OUT_A)
    idx_in_b = jnp.asarray(IN_B)
    idx_out_b = jnp.asarray(OUT_B)
    # branch a: gather selected channels, scatter into zero canvas
    ga = jnp.take(input_a, idx_in_a, axis=1)
    za = jnp.zeros((B, C, H, W), dtype=input_a.dtype).at[:, idx_out_a, :, :].set(ga)
    # branch b: gather selected channels, scatter into zero canvas
    gb = jnp.take(input_b, idx_in_b, axis=1)
    zb = jnp.zeros((B, C, H, W), dtype=input_b.dtype).at[:, idx_out_b, :, :].set(gb)
    # add() with both inputs non-empty reduces to elementwise sum
    return za + zb

if __name__ == "__main__":
    import jax
    _d = setup_inputs()
    print(jax.jit(kernel)(*tuple(_d.values())))

</pallas_src>

<mosaic_0001>
#map = affine_map<(d0, d1) -> (0, 0)>
module attributes {stable_mosaic.version = 14 : i64} {
  func.func @_body(%arg0: i32, %arg1: i32, %arg2: memref<50176x384xf32, #tpu.memory_space<hbm>>, %arg3: memref<50176x384xf32, #tpu.memory_space<hbm>>, %arg4: memref<50176x384xf32, #tpu.memory_space<hbm>>, %arg5: memref<2x32x384xf32, #tpu.memory_space<vmem>>, %arg6: memref<2x32x384xf32, #tpu.memory_space<vmem>>, %arg7: memref<2x32x384xf32, #tpu.memory_space<vmem>>, %arg8: memref<!tpu.dma_semaphore, #tpu.memory_space<semaphore_mem>>, %arg9: memref<!tpu.dma_semaphore, #tpu.memory_space<semaphore_mem>>, %arg10: memref<!tpu.dma_semaphore, #tpu.memory_space<semaphore_mem>>, %arg11: memref<!tpu.dma_semaphore, #tpu.memory_space<semaphore_mem>>, %arg12: memref<!tpu.dma_semaphore, #tpu.memory_space<semaphore_mem>>, %arg13: memref<!tpu.dma_semaphore, #tpu.memory_space<semaphore_mem>>) attributes {dimension_semantics = [#tpu.dimension_semantics<core_parallel>, #tpu.dimension_semantics<subcore_parallel>], iteration_bounds = array<i64: 2, 16>, scalar_prefetch = 0 : i64, scratch_operands = 9 : i64, tpu.core_type = #tpu.core_type<sc_vector_subcore>, window_params = [{transform_indices = #map}, {transform_indices = #map}, {transform_indices = #map}]} {
    %mul3A = arith.constant 16 : i32
    %mul3A_0 = arith.muli %arg0, %mul3A : i32
    %add3A = arith.addi %mul3A_0, %arg1 : i32
    %mul3A_1 = arith.constant 1568 : i32
    %mul3A_2 = arith.muli %add3A, %mul3A_1 : i32
    %iota3A = tpu.iota {dimensions = array<i32: 0>} : vector<16xi32>
    %mul3A_3 = arith.constant 2 : i32
    %mul3A_4 = vector.broadcast %mul3A_3 : i32 to vector<16xi32>
    %mul3A_5 = arith.muli %mul3A_4, %iota3A : vector<16xi32>
    %add3A_6 = arith.constant 0 : i32
    %add3A_7 = vector.broadcast %add3A_6 : i32 to vector<16xi32>
    %add3A_8 = arith.addi %add3A_7, %mul3A_5 : vector<16xi32>
    %add3A_9 = arith.constant 32 : i32
    %add3A_10 = vector.broadcast %add3A_9 : i32 to vector<16xi32>
    %add3A_11 = arith.addi %add3A_10, %mul3A_5 : vector<16xi32>
    %add3A_12 = arith.constant 64 : i32
    %add3A_13 = vector.broadcast %add3A_12 : i32 to vector<16xi32>
    %add3A_14 = arith.addi %add3A_13, %mul3A_5 : vector<16xi32>
    %add3A_15 = arith.constant 96 : i32
    %add3A_16 = vector.broadcast %add3A_15 : i32 to vector<16xi32>
    %add3A_17 = arith.addi %add3A_16, %mul3A_5 : vector<16xi32>
    %add3A_18 = arith.constant 128 : i32
    %add3A_19 = vector.broadcast %add3A_18 : i32 to vector<16xi32>
    %add3A_20 = arith.addi %add3A_19, %mul3A_5 : vector<16xi32>
    %add3A_21 = arith.constant 160 : i32
    %add3A_22 = vector.broadcast %add3A_21 : i32 to vector<16xi32>
    %add3A_23 = arith.addi %add3A_22, %mul3A_5 : vector<16xi32>
    %add3A_24 = arith.constant 192 : i32
    %add3A_25 = vector.broadcast %add3A_24 : i32 to vector<16xi32>
    %add3A_26 = arith.addi %add3A_25, %mul3A_5 : vector<16xi32>
    %add3A_27 = arith.constant 224 : i32
    %add3A_28 = vector.broadcast %add3A_27 : i32 to vector<16xi32>
    %add3A_29 = arith.addi %add3A_28, %mul3A_5 : vector<16xi32>
    %add3A_30 = arith.constant 256 : i32
    %add3A_31 = vector.broadcast %add3A_30 : i32 to vector<16xi32>
    %add3A_32 = arith.addi %add3A_31, %mul3A_5 : vector<16xi32>
    %add3A_33 = arith.constant 288 : i32
    %add3A_34 = vector.broadcast %add3A_33 : i32 to vector<16xi32>
    %add3A_35 = arith.addi %add3A_34, %mul3A_5 : vector<16xi32>
    %add3A_36 = arith.constant 320 : i32
    %add3A_37 = vector.broadcast %add3A_36 : i32 to vector<16xi32>
    %add3A_38 = arith.addi %add3A_37, %mul3A_5 : vector<16xi32>
    %add3A_39 = arith.constant 352 : i32
    %add3A_40 = vector.broadcast %add3A_39 : i32 to vector<16xi32>
    %add3A_41 = arith.addi %add3A_40, %mul3A_5 : vector<16xi32>
    %add3A_42 = arith.constant 0 : i32
    %add3A_43 = vector.broadcast %add3A_42 : i32 to vector<16xi32>
    %add3A_44 = arith.addi %add3A_43, %mul3A_5 : vector<16xi32>
    %add3A_45 = arith.constant 1 : i32
    %add3A_46 = vector.broadcast %add3A_45 : i32 to vector<16xi32>
    %add3A_47 = arith.addi %add3A_44, %add3A_46 : vector<16xi32>
    %add3A_48 = arith.constant 32 : i32
    %add3A_49 = vector.broadcast %add3A_48 : i32 to vector<16xi32>
    %add3A_50 = arith.addi %add3A_49, %mul3A_5 : vector<16xi32>
    %add3A_51 = arith.constant 1 : i32
    %add3A_52 = vector.broadcast %add3A_51 : i32 to vector<16xi32>
    %add3A_53 = arith.addi %add3A_50, %add3A_52 : vector<16xi32>
    %add3A_54 = arith.constant 64 : i32
    %add3A_55 = vector.broadcast %add3A_54 : i32 to vector<16xi32>
    %add3A_56 = arith.addi %add3A_55, %mul3A_5 : vector<16xi32>
    %add3A_57 = arith.constant 1 : i32
    %add3A_58 = vector.broadcast %add3A_57 : i32 to vector<16xi32>
    %add3A_59 = arith.addi %add3A_56, %add3A_58 : vector<16xi32>
    %add3A_60 = arith.constant 96 : i32
    %add3A_61 = vector.broadcast %add3A_60 : i32 to vector<16xi32>
    %add3A_62 = arith.addi %add3A_61, %mul3A_5 : vector<16xi32>
    %add3A_63 = arith.constant 1 : i32
    %add3A_64 = vector.broadcast %add3A_63 : i32 to vector<16xi32>
    %add3A_65 = arith.addi %add3A_62, %add3A_64 : vector<16xi32>
    %add3A_66 = arith.constant 128 : i32
    %add3A_67 = vector.broadcast %add3A_66 : i32 to vector<16xi32>
    %add3A_68 = arith.addi %add3A_67, %mul3A_5 : vector<16xi32>
    %add3A_69 = arith.constant 1 : i32
    %add3A_70 = vector.broadcast %add3A_69 : i32 to vector<16xi32>
    %add3A_71 = arith.addi %add3A_68, %add3A_70 : vector<16xi32>
    %add3A_72 = arith.constant 160 : i32
    %add3A_73 = vector.broadcast %add3A_72 : i32 to vector<16xi32>
    %add3A_74 = arith.addi %add3A_73, %mul3A_5 : vector<16xi32>
    %add3A_75 = arith.constant 1 : i32
    %add3A_76 = vector.broadcast %add3A_75 : i32 to vector<16xi32>
    %add3A_77 = arith.addi %add3A_74, %add3A_76 : vector<16xi32>
    %add3A_78 = arith.constant 192 : i32
    %add3A_79 = vector.broadcast %add3A_78 : i32 to vector<16xi32>
    %add3A_80 = arith.addi %add3A_79, %mul3A_5 : vector<16xi32>
    %add3A_81 = arith.constant 1 : i32
    %add3A_82 = vector.broadcast %add3A_81 : i32 to vector<16xi32>
    %add3A_83 = arith.addi %add3A_80, %add3A_82 : vector<16xi32>
    %add3A_84 = arith.constant 224 : i32
    %add3A_85 = vector.broadcast %add3A_84 : i32 to vector<16xi32>
    %add3A_86 = arith.addi %add3A_85, %mul3A_5 : vector<16xi32>
    %add3A_87 = arith.constant 1 : i32
    %add3A_88 = vector.broadcast %add3A_87 : i32 to vector<16xi32>
    %add3A_89 = arith.addi %add3A_86, %add3A_88 : vector<16xi32>
    %add3A_90 = arith.constant 256 : i32
    %add3A_91 = vector.broadcast %add3A_90 : i32 to vector<16xi32>
    %add3A_92 = arith.addi %add3A_91, %mul3A_5 : vector<16xi32>
    %add3A_93 = arith.constant 1 : i32
    %add3A_94 = vector.broadcast %add3A_93 : i32 to vector<16xi32>
    %add3A_95 = arith.addi %add3A_92, %add3A_94 : vector<16xi32>
    %add3A_96 = arith.constant 288 : i32
    %add3A_97 = vector.broadcast %add3A_96 : i32 to vector<16xi32>
    %add3A_98 = arith.addi %add3A_97, %mul3A_5 : vector<16xi32>
    %add3A_99 = arith.constant 1 : i32
    %add3A_100 = vector.broadcast %add3A_99 : i32 to vector<16xi32>
    %add3A_101 = arith.addi %add3A_98, %add3A_100 : vector<16xi32>
    %add3A_102 = arith.constant 320 : i32
    %add3A_103 = vector.broadcast %add3A_102 : i32 to vector<16xi32>
    %add3A_104 = arith.addi %add3A_103, %mul3A_5 : vector<16xi32>
    %add3A_105 = arith.constant 1 : i32
    %add3A_106 = vector.broadcast %add3A_105 : i32 to vector<16xi32>
    %add3A_107 = arith.addi %add3A_104, %add3A_106 : vector<16xi32>
    %add3A_108 = arith.constant 352 : i32
    %add3A_109 = vector.broadcast %add3A_108 : i32 to vector<16xi32>
    %add3A_110 = arith.addi %add3A_109, %mul3A_5 : vector<16xi32>
    %add3A_111 = arith.constant 1 : i32
    %add3A_112 = vector.broadcast %add3A_111 : i32 to vector<16xi32>
    %add3A_113 = arith.addi %add3A_110, %add3A_112 : vector<16xi32>
    %add3A_114 = arith.constant 0 : i32
    %add3A_115 = arith.addi %mul3A_2, %add3A_114 : i32
    %dma_start3A = arith.constant 0 : i32
    %dma_start3A_116 = arith.constant 0 : i32
    %dma_start3A_117 = arith.constant 0 : i32
    %dma_start3A_118 = tpu.memref_slice %arg5[%dma_start3A, %dma_start3A_116, %dma_start3A_117] : memref<2x32x384xf32, #tpu.memory_space<vmem>> -> memref<1x32x384xf32, #tpu.memory_space<vmem>>
    %dma_start3A_119 = tpu.memref_squeeze %dma_start3A_118 : memref<1x32x384xf32, #tpu.memory_space<vmem>> -> memref<32x384xf32, #tpu.memory_space<vmem>>
    %dma_start3A_120 = arith.constant 0 : i32
    %dma_start3A_121 = tpu.memref_slice %arg2[%add3A_115, %dma_start3A_120] : memref<50176x384xf32, #tpu.memory_space<hbm>> -> memref<32x384xf32, #tpu.memory_space<hbm>>
    %dma_start3A_122 = arith.constant 0 : i32
    %dma_start3A_123 = arith.constant 0 : i32
    %dma_start3A_124 = tpu.memref_slice %arg5[%dma_start3A, %dma_start3A_122, %dma_start3A_123] : memref<2x32x384xf32, #tpu.memory_space<vmem>> -> memref<1x32x384xf32, #tpu.memory_space<vmem>>
    %dma_start3A_125 = tpu.memref_squeeze %dma_start3A_124 : memref<1x32x384xf32, #tpu.memory_space<vmem>> -> memref<32x384xf32, #tpu.memory_space<vmem>>
    %dma_start3A_126 = arith.constant 0 : i32
    %dma_start3A_127 = tpu.memref_slice %arg2[%add3A_115, %dma_start3A_126] : memref<50176x384xf32, #tpu.memory_space<hbm>> -> memref<32x384xf32, #tpu.memory_space<hbm>>
    tpu.enqueue_dma source(%dma_start3A_127 : memref<32x384xf32, #tpu.memory_space<hbm>>) target(%dma_start3A_125 : memref<32x384xf32, #tpu.memory_space<vmem>>) target_semaphore(%arg8 : memref<!tpu.dma_semaphore, #tpu.memory_space<semaphore_mem>>)
    %dma_start3A_128 = arith.constant 0 : i32
    %dma_start3A_129 = arith.constant 0 : i32
    %dma_start3A_130 = arith.constant 0 : i32
    %dma_start3A_131 = tpu.memref_slice %arg6[%dma_start3A_128, %dma_start3A_129, %dma_start3A_130] : memref<2x32x384xf32, #tpu.memory_space<vmem>> -> memref<1x32x384xf32, #tpu.memory_space<vmem>>
    %dma_start3A_132 = tpu.memref_squeeze %dma_start3A_131 : memref<1x32x384xf32, #tpu.memory_space<vmem>> -> memref<32x384xf32, #tpu.memory_space<vmem>>
    %dma_start3A_133 = arith.constant 0 : i32
    %dma_start3A_134 = tpu.memref_slice %arg3[%add3A_115, %dma_start3A_133] : memref<50176x384xf32, #tpu.memory_space<hbm>> -> memref<32x384xf32, #tpu.memory_space<hbm>>
    %dma_start3A_135 = arith.constant 0 : i32
    %dma_start3A_136 = arith.constant 0 : i32
    %dma_start3A_137 = tpu.memref_slice %arg6[%dma_start3A_128, %dma_start3A_135, %dma_start3A_136] : memref<2x32x384xf32, #tpu.memory_space<vmem>> -> memref<1x32x384xf32, #tpu.memory_space<vmem>>
    %dma_start3A_138 = tpu.memref_squeeze %dma_start3A_137 : memref<1x32x384xf32, #tpu.memory_space<vmem>> -> memref<32x384xf32, #tpu.memory_space<vmem>>
    %dma_start3A_139 = arith.constant 0 : i32
    %dma_start3A_140 = tpu.memref_slice %arg3[%add3A_115, %dma_start3A_139] : memref<50176x384xf32, #tpu.memory_space<hbm>> -> memref<32x384xf32, #tpu.memory_space<hbm>>
    tpu.enqueue_dma source(%dma_start3A_140 : memref<32x384xf32, #tpu.memory_space<hbm>>) target(%dma_start3A_138 : memref<32x384xf32, #tpu.memory_space<vmem>>) target_semaphore(%arg10 : memref<!tpu.dma_semaphore, #tpu.memory_space<semaphore_mem>>)
    %scan3A = arith.constant 0 : i32
    %scan3A_141 = arith.constant 0 : i32
    %scan3A_142 = arith.constant 24 : i32
    %scan3A_143 = arith.addi %scan3A_141, %scan3A_142 : i32
    %scan3A_144 = arith.constant 1 : i32
    scf.for %scan3A_242 = %scan3A_141 to %scan3A_143 step %scan3A_144  : i32 {
      %mul3A_243 = arith.constant 2 : i32
      %mul3A_244 = arith.muli %scan3A_242, %mul3A_243 : i32
      %add3A_245 = arith.constant 0 : i32
      %add3A_246 = arith.addi %mul3A_244, %add3A_245 : i32
      %mul3A_247 = arith.constant 32 : i32
      %mul3A_248 = arith.muli %add3A_246, %mul3A_247 : i32
      %add3A_249 = arith.addi %mul3A_2, %mul3A_248 : i32
      %dma_wait3A_250 = arith.constant 0 : i32
      %dma_wait3A_251 = arith.constant 0 : i32
      %dma_wait3A_252 = arith.constant 0 : i32
      %dma_wait3A_253 = tpu.memref_slice %arg5[%dma_wait3A_250, %dma_wait3A_251, %dma_wait3A_252] : memref<2x32x384xf32, #tpu.memory_space<vmem>> -> memref<1x32x384xf32, #tpu.memory_space<vmem>>
      %dma_wait3A_254 = tpu.memref_squeeze %dma_wait3A_253 : memref<1x32x384xf32, #tpu.memory_space<vmem>> -> memref<32x384xf32, #tpu.memory_space<vmem>>
      %dma_wait3A_255 = arith.constant 0 : i32
      %dma_wait3A_256 = tpu.memref_slice %arg2[%add3A_249, %dma_wait3A_255] : memref<50176x384xf32, #tpu.memory_space<hbm>> -> memref<32x384xf32, #tpu.memory_space<hbm>>
      %dma_wait3A_257 = arith.constant 0 : i32
      %dma_wait3A_258 = arith.constant 0 : i32
      %dma_wait3A_259 = tpu.memref_slice %arg5[%dma_wait3A_250, %dma_wait3A_257, %dma_wait3A_258] : memref<2x32x384xf32, #tpu.memory_space<vmem>> -> memref<1x32x384xf32, #tpu.memory_space<vmem>>
      %dma_wait3A_260 = tpu.memref_squeeze %dma_wait3A_259 : memref<1x32x384xf32, #tpu.memory_space<vmem>> -> memref<32x384xf32, #tpu.memory_space<vmem>>
      %dma_wait3A_261 = arith.constant 0 : i32
      %dma_wait3A_262 = tpu.memref_slice %arg2[%add3A_249, %dma_wait3A_261] : memref<50176x384xf32, #tpu.memory_space<hbm>> -> memref<32x384xf32, #tpu.memory_space<hbm>>
      tpu.wait_dma2 semaphore(%arg8 : memref<!tpu.dma_semaphore, #tpu.memory_space<semaphore_mem>>) src(%dma_wait3A_262 : memref<32x384xf32, #tpu.memory_space<hbm>>) dst(%dma_wait3A_260 : memref<32x384xf32, #tpu.memory_space<vmem>>)
      %dma_wait3A_263 = arith.constant 0 : i32
      %dma_wait3A_264 = arith.constant 0 : i32
      %dma_wait3A_265 = arith.constant 0 : i32
      %dma_wait3A_266 = tpu.memref_slice %arg6[%dma_wait3A_263, %dma_wait3A_264, %dma_wait3A_265] : memref<2x32x384xf32, #tpu.memory_space<vmem>> -> memref<1x32x384xf32, #tpu.memory_space<vmem>>
      %dma_wait3A_267 = tpu.memref_squeeze %dma_wait3A_266 : memref<1x32x384xf32, #tpu.memory_space<vmem>> -> memref<32x384xf32, #tpu.memory_space<vmem>>
      %dma_wait3A_268 = arith.constant 0 : i32
      %dma_wait3A_269 = tpu.memref_slice %arg3[%add3A_249, %dma_wait3A_268] : memref<50176x384xf32, #tpu.memory_space<hbm>> -> memref<32x384xf32, #tpu.memory_space<hbm>>
      %dma_wait3A_270 = arith.constant 0 : i32
      %dma_wait3A_271 = arith.constant 0 : i32
      %dma_wait3A_272 = tpu.memref_slice %arg6[%dma_wait3A_263, %dma_wait3A_270, %dma_wait3A_271] : memref<2x32x384xf32, #tpu.memory_space<vmem>> -> memref<1x32x384xf32, #tpu.memory_space<vmem>>
      %dma_wait3A_273 = tpu.memref_squeeze %dma_wait3A_272 : memref<1x32x384xf32, #tpu.memory_space<vmem>> -> memref<32x384xf32, #tpu.memory_space<vmem>>
      %dma_wait3A_274 = arith.constant 0 : i32
      %dma_wait3A_275 = tpu.memref_slice %arg3[%add3A_249, %dma_wait3A_274] : memref<50176x384xf32, #tpu.memory_space<hbm>> -> memref<32x384xf32, #tpu.memory_space<hbm>>
      tpu.wait_dma2 semaphore(%arg10 : memref<!tpu.dma_semaphore, #tpu.memory_space<semaphore_mem>>) src(%dma_wait3A_275 : memref<32x384xf32, #tpu.memory_space<hbm>>) dst(%dma_wait3A_273 : memref<32x384xf32, #tpu.memory_space<vmem>>)
      %add3A_276 = arith.constant 2 : i32
      %add3A_277 = arith.addi %add3A_246, %add3A_276 : i32
      %sub3A = arith.constant 1 : i32
      %sub3A_278 = arith.subi %add3A_277, %sub3A : i32
      %lt3A = arith.constant 49 : i32
      %lt3A_279 = arith.cmpi slt, %sub3A_278, %lt3A : i32
      %convert_element_type3A = arith.extui %lt3A_279 : i1 to i32
      %cond3A = arith.constant 0 : i32
      %cond3A_280 = arith.cmpi ne, %convert_element_type3A, %cond3A : i32
      scf.if %cond3A_280 {
        %mul3A_380 = arith.constant 32 : i32
        %mul3A_381 = arith.muli %sub3A_278, %mul3A_380 : i32
        %add3A_382 = arith.addi %mul3A_2, %mul3A_381 : i32
        %dma_start3A_383 = arith.constant 1 : i32
        %dma_start3A_384 = arith.constant 0 : i32
        %dma_start3A_385 = arith.constant 0 : i32
        %dma_start3A_386 = tpu.memref_slice %arg5[%dma_start3A_383, %dma_start3A_384, %dma_start3A_385] : memref<2x32x384xf32, #tpu.memory_space<vmem>> -> memref<1x32x384xf32, #tpu.memory_space<vmem>>
        %dma_start3A_387 = tpu.memref_squeeze %dma_start3A_386 : memref<1x32x384xf32, #tpu.memory_space<vmem>> -> memref<32x384xf32, #tpu.memory_space<vmem>>
        %dma_start3A_388 = arith.constant 0 : i32
        %dma_start3A_389 = tpu.memref_slice %arg2[%add3A_382, %dma_start3A_388] : memref<50176x384xf32, #tpu.memory_space<hbm>> -> memref<32x384xf32, #tpu.memory_space<hbm>>
        %dma_start3A_390 = arith.constant 0 : i32
        %dma_start3A_391 = arith.constant 0 : i32
        %dma_start3A_392 = tpu.memref_slice %arg5[%dma_start3A_383, %dma_start3A_390, %dma_start3A_391] : memref<2x32x384xf32, #tpu.memory_space<vmem>> -> memref<1x32x384xf32, #tpu.memory_space<vmem>>
        %dma_start3A_393 = tpu.memref_squeeze %dma_start3A_392 : memref<1x32x384xf32, #tpu.memory_space<vmem>> -> memref<32x384xf32, #tpu.memory_space<vmem>>
        %dma_start3A_394 = arith.constant 0 : i32
        %dma_start3A_395 = tpu.memref_slice %arg2[%add3A_382, %dma_start3A_394] : memref<50176x384xf32, #tpu.memory_space<hbm>> -> memref<32x384xf32, #tpu.memory_space<hbm>>
        tpu.enqueue_dma source(%dma_start3A_395 : memref<32x384xf32, #tpu.memory_space<hbm>>) target(%dma_start3A_393 : memref<32x384xf32, #tpu.memory_space<vmem>>) target_semaphore(%arg9 : memref<!tpu.dma_semaphore, #tpu.memory_space<semaphore_mem>>)
        %dma_start3A_396 = arith.constant 1 : i32
        %dma_start3A_397 = arith.constant 0 : i32
        %dma_start3A_398 = arith.constant 0 : i32
        %dma_start3A_399 = tpu.memref_slice %arg6[%dma_start3A_396, %dma_start3A_397, %dma_start3A_398] : memref<2x32x384xf32, #tpu.memory_space<vmem>> -> memref<1x32x384xf32, #tpu.memory_space<vmem>>
        %dma_start3A_400 = tpu.memref_squeeze %dma_start3A_399 : memref<1x32x384xf32, #tpu.memory_space<vmem>> -> memref<32x384xf32, #tpu.memory_space<vmem>>
        %dma_start3A_401 = arith.constant 0 : i32
        %dma_start3A_402 = tpu.memref_slice %arg3[%add3A_382, %dma_start3A_401] : memref<50176x384xf32, #tpu.memory_space<hbm>> -> memref<32x384xf32, #tpu.memory_space<hbm>>
        %dma_start3A_403 = arith.constant 0 : i32
        %dma_start3A_404 = arith.constant 0 : i32
        %dma_start3A_405 = tpu.memref_slice %arg6[%dma_start3A_396, %dma_start3A_403, %dma_start3A_404] : memref<2x32x384xf32, #tpu.memory_space<vmem>> -> memref<1x32x384xf32, #tpu.memory_space<vmem>>
        %dma_start3A_406 = tpu.memref_squeeze %dma_start3A_405 : memref<1x32x384xf32, #tpu.memory_space<vmem>> -> memref<32x384xf32, #tpu.memory_space<vmem>>
        %dma_start3A_407 = arith.constant 0 : i32
        %dma_start3A_408 = tpu.memref_slice %arg3[%add3A_382, %dma_start3A_407] : memref<50176x384xf32, #tpu.memory_space<hbm>> -> memref<32x384xf32, #tpu.memory_space<hbm>>
        tpu.enqueue_dma source(%dma_start3A_408 : memref<32x384xf32, #tpu.memory_space<hbm>>) target(%dma_start3A_406 : memref<32x384xf32, #tpu.memory_space<vmem>>) target_semaphore(%arg11 : memref<!tpu.dma_semaphore, #tpu.memory_space<semaphore_mem>>)
      } else {
      }
      %gt3A = arith.constant 0 : i32
      %gt3A_281 = arith.cmpi sgt, %scan3A_242, %gt3A : i32
      %convert_element_type3A_282 = arith.extui %gt3A_281 : i1 to i32
      %cond3A_283 = arith.constant 0 : i32
      %cond3A_284 = arith.cmpi ne, %convert_element_type3A_282, %cond3A_283 : i32
      scf.if %cond3A_284 {
        %sub3A_380 = arith.constant 2 : i32
        %sub3A_381 = arith.subi %add3A_246, %sub3A_380 : i32
        %mul3A_382 = arith.constant 32 : i32
        %mul3A_383 = arith.muli %sub3A_381, %mul3A_382 : i32
        %add3A_384 = arith.addi %mul3A_2, %mul3A_383 : i32
        %dma_wait3A_385 = arith.constant 0 : i32
        %dma_wait3A_386 = arith.constant 0 : i32
        %dma_wait3A_387 = arith.constant 0 : i32
        %dma_wait3A_388 = tpu.memref_slice %arg7[%dma_wait3A_385, %dma_wait3A_386, %dma_wait3A_387] : memref<2x32x384xf32, #tpu.memory_space<vmem>> -> memref<1x32x384xf32, #tpu.memory_space<vmem>>
        %dma_wait3A_389 = tpu.memref_squeeze %dma_wait3A_388 : memref<1x32x384xf32, #tpu.memory_space<vmem>> -> memref<32x384xf32, #tpu.memory_space<vmem>>
        %dma_wait3A_390 = arith.constant 0 : i32
        %dma_wait3A_391 = tpu.memref_slice %arg4[%add3A_384, %dma_wait3A_390] : memref<50176x384xf32, #tpu.memory_space<hbm>> -> memref<32x384xf32, #tpu.memory_space<hbm>>
        %dma_wait3A_392 = arith.constant 0 : i32
        %dma_wait3A_393 = tpu.memref_slice %arg4[%add3A_384, %dma_wait3A_392] : memref<50176x384xf32, #tpu.memory_space<hbm>> -> memref<32x384xf32, #tpu.memory_space<hbm>>
        %dma_wait3A_394 = arith.constant 0 : i32
        %dma_wait3A_395 = arith.constant 0 : i32
        %dma_wait3A_396 = tpu.memref_slice %arg7[%dma_wait3A_385, %dma_wait3A_394, %dma_wait3A_395] : memref<2x32x384xf32, #tpu.memory_space<vmem>> -> memref<1x32x384xf32, #tpu.memory_space<vmem>>
        %dma_wait3A_397 = tpu.memref_squeeze %dma_wait3A_396 : memref<1x32x384xf32, #tpu.memory_space<vmem>> -> memref<32x384xf32, #tpu.memory_space<vmem>>
        tpu.wait_dma2 semaphore(%arg12 : memref<!tpu.dma_semaphore, #tpu.memory_space<semaphore_mem>>) src(%dma_wait3A_397 : memref<32x384xf32, #tpu.memory_space<vmem>>) dst(%dma_wait3A_393 : memref<32x384xf32, #tpu.memory_space<hbm>>)
      } else {
      }
      %scan3A_285 = arith.constant 0 : i32
      %scan3A_286 = arith.constant 0 : i32
      %scan3A_287 = arith.constant 0 : i32
      %scan3A_288 = arith.constant 0 : i32
      %scan3A_289 = arith.constant 0 : i32
      %scan3A_290 = arith.constant 16 : i32
      %scan3A_291 = arith.addi %scan3A_289, %scan3A_290 : i32
      %scan3A_292 = arith.constant 1 : i32
      scf.for %scan3A_380 = %scan3A_289 to %scan3A_291 step %scan3A_292  : i32 {
        %mul3A_381 = arith.constant 2 : i32
        %mul3A_382 = arith.muli %mul3A_381, %scan3A_380 : i32
        %add3A_383 = arith.constant 0 : i32
        %add3A_384 = arith.addi %mul3A_382, %add3A_383 : i32
        %broadcast_in_dim3A = vector.broadcast %add3A_384 : i32 to vector<16xi32>
        %gather3A = arith.constant 0 : i32
        %gather3A_385 = arith.constant 0 : i32
        %gather3A_386 = tpu.memref_slice %arg5[%scan3A_286, %gather3A, %gather3A_385] : memref<2x32x384xf32, #tpu.memory_space<vmem>> -> memref<1x32x384xf32, #tpu.memory_space<vmem>>
        %gather3A_387 = tpu.memref_squeeze %gather3A_386 : memref<1x32x384xf32, #tpu.memory_space<vmem>> -> memref<32x384xf32, #tpu.memory_space<vmem>>
        %gather3A_388 = tpu.vector_load_idx %gather3A_387[%broadcast_in_dim3A, %add3A_8] : memref<32x384xf32, #tpu.memory_space<vmem>>[vector<16xi32>, vector<16xi32>], vector<16xf32>,
        %swap3A = arith.constant 0 : i32
        %swap3A_389 = arith.constant 0 : i32
        %swap3A_390 = tpu.memref_slice %arg7[%scan3A_287, %swap3A, %swap3A_389] : memref<2x32x384xf32, #tpu.memory_space<vmem>> -> memref<1x32x384xf32, #tpu.memory_space<vmem>>
        %swap3A_391 = tpu.memref_squeeze %swap3A_390 : memref<1x32x384xf32, #tpu.memory_space<vmem>> -> memref<32x384xf32, #tpu.memory_space<vmem>>
        %swap3A_392 = arith.index_cast %add3A_384 : i32 to index
        %swap3A_393 = arith.constant 0 : index
        %swap3A_394 = tpu.vector_load %swap3A_391[%swap3A_392, %swap3A_393] {strides = array<i32>} : memref<32x384xf32, #tpu.memory_space<vmem>>, vector<16xf32>,
        tpu.vector_store %swap3A_391[%swap3A_392, %swap3A_393], %gather3A_388 {strides = array<i32>} : memref<32x384xf32, #tpu.memory_space<vmem>>, vector<16xf32>,
        %gather3A_395 = arith.constant 0 : i32
        %gather3A_396 = arith.constant 0 : i32
        %gather3A_397 = tpu.memref_slice %arg5[%scan3A_286, %gather3A_395, %gather3A_396] : memref<2x32x384xf32, #tpu.memory_space<vmem>> -> memref<1x32x384xf32, #tpu.memory_space<vmem>>
        %gather3A_398 = tpu.memref_squeeze %gather3A_397 : memref<1x32x384xf32, #tpu.memory_space<vmem>> -> memref<32x384xf32, #tpu.memory_space<vmem>>
        %gather3A_399 = tpu.vector_load_idx %gather3A_398[%broadcast_in_dim3A, %add3A_11] : memref<32x384xf32, #tpu.memory_space<vmem>>[vector<16xi32>, vector<16xi32>], vector<16xf32>,
        %swap3A_400 = arith.constant 0 : i32
        %swap3A_401 = arith.constant 0 : i32
        %swap3A_402 = tpu.memref_slice %arg7[%scan3A_287, %swap3A_400, %swap3A_401] : memref<2x32x384xf32, #tpu.memory_space<vmem>> -> memref<1x32x384xf32, #tpu.memory_space<vmem>>
        %swap3A_403 = tpu.memref_squeeze %swap3A_402 : memref<1x32x384xf32, #tpu.memory_space<vmem>> -> memref<32x384xf32, #tpu.memory_space<vmem>>
        %swap3A_404 = arith.index_cast %add3A_384 : i32 to index
        %swap3A_405 = arith.constant 16 : index
        %swap3A_406 = tpu.vector_load %swap3A_403[%swap3A_404, %swap3A_405] {strides = array<i32>} : memref<32x384xf32, #tpu.memory_space<vmem>>, vector<16xf32>,
        tpu.vector_store %swap3A_403[%swap3A_404, %swap3A_405], %gather3A_399 {strides = array<i32>} : memref<32x384xf32, #tpu.memory_space<vmem>>, vector<16xf32>,
        %gather3A_407 = arith.constant 0 : i32
        %gather3A_408 = arith.constant 0 : i32
        %gather3A_409 = tpu.memref_slice %arg5[%scan3A_286, %gather3A_407, %gather3A_408] : memref<2x32x384xf32, #tpu.memory_space<vmem>> -> memref<1x32x384xf32, #tpu.memory_space<vmem>>
        %gather3A_410 = tpu.memref_squeeze %gather3A_409 : memref<1x32x384xf32, #tpu.memory_space<vmem>> -> memref<32x384xf32, #tpu.memory_space<vmem>>
        %gather3A_411 = tpu.vector_load_idx %gather3A_410[%broadcast_in_dim3A, %add3A_14] : memref<32x384xf32, #tpu.memory_space<vmem>>[vector<16xi32>, vector<16xi32>], vector<16xf32>,
        %swap3A_412 = arith.constant 0 : i32
        %swap3A_413 = arith.constant 0 : i32
        %swap3A_414 = tpu.memref_slice %arg7[%scan3A_287, %swap3A_412, %swap3A_413] : memref<2x32x384xf32, #tpu.memory_space<vmem>> -> memref<1x32x384xf32, #tpu.memory_space<vmem>>
        %swap3A_415 = tpu.memref_squeeze %swap3A_414 : memref<1x32x384xf32, #tpu.memory_space<vmem>> -> memref<32x384xf32, #tpu.memory_space<vmem>>
        %swap3A_416 = arith.index_cast %add3A_384 : i32 to index
        %swap3A_417 = arith.constant 32 : index
        %swap3A_418 = tpu.vector_load %swap3A_415[%swap3A_416, %swap3A_417] {strides = array<i32>} : memref<32x384xf32, #tpu.memory_space<vmem>>, vector<16xf32>,
        tpu.vector_store %swap3A_415[%swap3A_416, %swap3A_417], %gather3A_411 {strides = array<i32>} : memref<32x384xf32, #tpu.memory_space<vmem>>, vector<16xf32>,
        %gather3A_419 = arith.constant 0 : i32
        %gather3A_420 = arith.constant 0 : i32
        %gather3A_421 = tpu.memref_slice %arg5[%scan3A_286, %gather3A_419, %gather3A_420] : memref<2x32x384xf32, #tpu.memory_space<vmem>> -> memref<1x32x384xf32, #tpu.memory_space<vmem>>
        %gather3A_422 = tpu.memref_squeeze %gather3A_421 : memref<1x32x384xf32, #tpu.memory_space<vmem>> -> memref<32x384xf32, #tpu.memory_space<vmem>>
        %gather3A_423 = tpu.vector_load_idx %gather3A_422[%broadcast_in_dim3A, %add3A_17] : memref<32x384xf32, #tpu.memory_space<vmem>>[vector<16xi32>, vector<16xi32>], vector<16xf32>,
        %swap3A_424 = arith.constant 0 : i32
        %swap3A_425 = arith.constant 0 : i32
        %swap3A_426 = tpu.memref_slice %arg7[%scan3A_287, %swap3A_424, %swap3A_425] : memref<2x32x384xf32, #tpu.memory_space<vmem>> -> memref<1x32x384xf32, #tpu.memory_space<vmem>>
        %swap3A_427 = tpu.memref_squeeze %swap3A_426 : memref<1x32x384xf32, #tpu.memory_space<vmem>> -> memref<32x384xf32, #tpu.memory_space<vmem>>
        %swap3A_428 = arith.index_cast %add3A_384 : i32 to index
        %swap3A_429 = arith.constant 48 : index
        %swap3A_430 = tpu.vector_load %swap3A_427[%swap3A_428, %swap3A_429] {strides = array<i32>} : memref<32x384xf32, #tpu.memory_space<vmem>>, vector<16xf32>,
        tpu.vector_store %swap3A_427[%swap3A_428, %swap3A_429], %gather3A_423 {strides = array<i32>} : memref<32x384xf32, #tpu.memory_space<vmem>>, vector<16xf32>,
        %gather3A_431 = arith.constant 0 : i32
        %gather3A_432 = arith.constant 0 : i32
        %gather3A_433 = tpu.memref_slice %arg5[%scan3A_286, %gather3A_431, %gather3A_432] : memref<2x32x384xf32, #tpu.memory_space<vmem>> -> memref<1x32x384xf32, #tpu.memory_space<vmem>>
        %gather3A_434 = tpu.memref_squeeze %gather3A_433 : memref<1x32x384xf32, #tpu.memory_space<vmem>> -> memref<32x384xf32, #tpu.memory_space<vmem>>
        %gather3A_435 = tpu.vector_load_idx %gather3A_434[%broadcast_in_dim3A, %add3A_20] : memref<32x384xf32, #tpu.memory_space<vmem>>[vector<16xi32>, vector<16xi32>], vector<16xf32>,
        %swap3A_436 = arith.constant 0 : i32
        %swap3A_437 = arith.constant 0 : i32
        %swap3A_438 = tpu.memref_slice %arg7[%scan3A_287, %swap3A_436, %swap3A_437] : memref<2x32x384xf32, #tpu.memory_space<vmem>> -> memref<1x32x384xf32, #tpu.memory_space<vmem>>
        %swap3A_439 = tpu.memref_squeeze %swap3A_438 : memref<1x32x384xf32, #tpu.memory_space<vmem>> -> memref<32x384xf32, #tpu.memory_space<vmem>>
        %swap3A_440 = arith.index_cast %add3A_384 : i32 to index
        %swap3A_441 = arith.constant 64 : index
        %swap3A_442 = tpu.vector_load %swap3A_439[%swap3A_440, %swap3A_441] {strides = array<i32>} : memref<32x384xf32, #tpu.memory_space<vmem>>, vector<16xf32>,
        tpu.vector_store %swap3A_439[%swap3A_440, %swap3A_441], %gather3A_435 {strides = array<i32>} : memref<32x384xf32, #tpu.memory_space<vmem>>, vector<16xf32>,
        %gather3A_443 = arith.constant 0 : i32
        %gather3A_444 = arith.constant 0 : i32
        %gather3A_445 = tpu.memref_slice %arg5[%scan3A_286, %gather3A_443, %gather3A_444] : memref<2x32x384xf32, #tpu.memory_space<vmem>> -> memref<1x32x384xf32, #tpu.memory_space<vmem>>
        %gather3A_446 = tpu.memref_squeeze %gather3A_445 : memref<1x32x384xf32, #tpu.memory_space<vmem>> -> memref<32x384xf32, #tpu.memory_space<vmem>>
        %gather3A_447 = tpu.vector_load_idx %gather3A_446[%broadcast_in_dim3A, %add3A_23] : memref<32x384xf32, #tpu.memory_space<vmem>>[vector<16xi32>, vector<16xi32>], vector<16xf32>,
        %swap3A_448 = arith.constant 0 : i32
        %swap3A_449 = arith.constant 0 : i32
        %swap3A_450 = tpu.memref_slice %arg7[%scan3A_287, %swap3A_448, %swap3A_449] : memref<2x32x384xf32, #tpu.memory_space<vmem>> -> memref<1x32x384xf32, #tpu.memory_space<vmem>>
        %swap3A_451 = tpu.memref_squeeze %swap3A_450 : memref<1x32x384xf32, #tpu.memory_space<vmem>> -> memref<32x384xf32, #tpu.memory_space<vmem>>
        %swap3A_452 = arith.index_cast %add3A_384 : i32 to index
        %swap3A_453 = arith.constant 80 : index
        %swap3A_454 = tpu.vector_load %swap3A_451[%swap3A_452, %swap3A_453] {strides = array<i32>} : memref<32x384xf32, #tpu.memory_space<vmem>>, vector<16xf32>,
        tpu.vector_store %swap3A_451[%swap3A_452, %swap3A_453], %gather3A_447 {strides = array<i32>} : memref<32x384xf32, #tpu.memory_space<vmem>>, vector<16xf32>,
        %gather3A_455 = arith.constant 0 : i32
        %gather3A_456 = arith.constant 0 : i32
        %gather3A_457 = tpu.memref_slice %arg5[%scan3A_286, %gather3A_455, %gather3A_456] : memref<2x32x384xf32, #tpu.memory_space<vmem>> -> memref<1x32x384xf32, #tpu.memory_space<vmem>>
        %gather3A_458 = tpu.memref_squeeze %gather3A_457 : memref<1x32x384xf32, #tpu.memory_space<vmem>> -> memref<32x384xf32, #tpu.memory_space<vmem>>
        %gather3A_459 = tpu.vector_load_idx %gather3A_458[%broadcast_in_dim3A, %add3A_26] : memref<32x384xf32, #tpu.memory_space<vmem>>[vector<16xi32>, vector<16xi32>], vector<16xf32>,
        %swap3A_460 = arith.constant 0 : i32
        %swap3A_461 = arith.constant 0 : i32
        %swap3A_462 = tpu.memref_slice %arg7[%scan3A_287, %swap3A_460, %swap3A_461] : memref<2x32x384xf32, #tpu.memory_space<vmem>> -> memref<1x32x384xf32, #tpu.memory_space<vmem>>
        %swap3A_463 = tpu.memref_squeeze %swap3A_462 : memref<1x32x384xf32, #tpu.memory_space<vmem>> -> memref<32x384xf32, #tpu.memory_space<vmem>>
        %swap3A_464 = arith.index_cast %add3A_384 : i32 to index
        %swap3A_465 = arith.constant 96 : index
        %swap3A_466 = tpu.vector_load %swap3A_463[%swap3A_464, %swap3A_465] {strides = array<i32>} : memref<32x384xf32, #tpu.memory_space<vmem>>, vector<16xf32>,
        tpu.vector_store %swap3A_463[%swap3A_464, %swap3A_465], %gather3A_459 {strides = array<i32>} : memref<32x384xf32, #tpu.memory_space<vmem>>, vector<16xf32>,
        %gather3A_467 = arith.constant 0 : i32
        %gather3A_468 = arith.constant 0 : i32
        %gather3A_469 = tpu.memref_slice %arg5[%scan3A_286, %gather3A_467, %gather3A_468] : memref<2x32x384xf32, #tpu.memory_space<vmem>> -> memref<1x32x384xf32, #tpu.memory_space<vmem>>
        %gather3A_470 = tpu.memref_squeeze %gather3A_469 : memref<1x32x384xf32, #tpu.memory_space<vmem>> -> memref<32x384xf32, #tpu.memory_space<vmem>>
        %gather3A_471 = tpu.vector_load_idx %gather3A_470[%broadcast_in_dim3A, %add3A_29] : memref<32x384xf32, #tpu.memory_space<vmem>>[vector<16xi32>, vector<16xi32>], vector<16xf32>,
        %swap3A_472 = arith.constant 0 : i32
        %swap3A_473 = arith.constant 0 : i32
        %swap3A_474 = tpu.memref_slice %arg7[%scan3A_287, %swap3A_472, %swap3A_473] : memref<2x32x384xf32, #tpu.memory_space<vmem>> -> memref<1x32x384xf32, #tpu.memory_space<vmem>>
        %swap3A_475 = tpu.memref_squeeze %swap3A_474 : memref<1x32x384xf32, #tpu.memory_space<vmem>> -> memref<32x384xf32, #tpu.memory_space<vmem>>
        %swap3A_476 = arith.index_cast %add3A_384 : i32 to index
        %swap3A_477 = arith.constant 112 : index
        %swap3A_478 = tpu.vector_load %swap3A_475[%swap3A_476, %swap3A_477] {strides = array<i32>} : memref<32x384xf32, #tpu.memory_space<vmem>>, vector<16xf32>,
        tpu.vector_store %swap3A_475[%swap3A_476, %swap3A_477], %gather3A_471 {strides = array<i32>} : memref<32x384xf32, #tpu.memory_space<vmem>>, vector<16xf32>,
        %gather3A_479 = arith.constant 0 : i32
        %gather3A_480 = arith.constant 0 : i32
        %gather3A_481 = tpu.memref_slice %arg5[%scan3A_286, %gather3A_479, %gather3A_480] : memref<2x32x384xf32, #tpu.memory_space<vmem>> -> memref<1x32x384xf32, #tpu.memory_space<vmem>>
        %gather3A_482 = tpu.memref_squeeze %gather3A_481 : memref<1x32x384xf32, #tpu.memory_space<vmem>> -> memref<32x384xf32, #tpu.memory_space<vmem>>
        %gather3A_483 = tpu.vector_load_idx %gather3A_482[%broadcast_in_dim3A, %add3A_32] : memref<32x384xf32, #tpu.memory_space<vmem>>[vector<16xi32>, vector<16xi32>], vector<16xf32>,
        %swap3A_484 = arith.constant 0 : i32
        %swap3A_485 = arith.constant 0 : i32
        %swap3A_486 = tpu.memref_slice %arg7[%scan3A_287, %swap3A_484, %swap3A_485] : memref<2x32x384xf32, #tpu.memory_space<vmem>> -> memref<1x32x384xf32, #tpu.memory_space<vmem>>
        %swap3A_487 = tpu.memref_squeeze %swap3A_486 : memref<1x32x384xf32, #tpu.memory_space<vmem>> -> memref<32x384xf32, #tpu.memory_space<vmem>>
        %swap3A_488 = arith.index_cast %add3A_384 : i32 to index
        %swap3A_489 = arith.constant 128 : index
        %swap3A_490 = tpu.vector_load %swap3A_487[%swap3A_488, %swap3A_489] {strides = array<i32>} : memref<32x384xf32, #tpu.memory_space<vmem>>, vector<16xf32>,
        tpu.vector_store %swap3A_487[%swap3A_488, %swap3A_489], %gather3A_483 {strides = array<i32>} : memref<32x384xf32, #tpu.memory_space<vmem>>, vector<16xf32>,
        %gather3A_491 = arith.constant 0 : i32
        %gather3A_492 = arith.constant 0 : i32
        %gather3A_493 = tpu.memref_slice %arg5[%scan3A_286, %gather3A_491, %gather3A_492] : memref<2x32x384xf32, #tpu.memory_space<vmem>> -> memref<1x32x384xf32, #tpu.memory_space<vmem>>
        %gather3A_494 = tpu.memref_squeeze %gather3A_493 : memref<1x32x384xf32, #tpu.memory_space<vmem>> -> memref<32x384xf32, #tpu.memory_space<vmem>>
        %gather3A_495 = tpu.vector_load_idx %gather3A_494[%broadcast_in_dim3A, %add3A_35] : memref<32x384xf32, #tpu.memory_space<vmem>>[vector<16xi32>, vector<16xi32>], vector<16xf32>,
        %swap3A_496 = arith.constant 0 : i32
        %swap3A_497 = arith.constant 0 : i32
        %swap3A_498 = tpu.memref_slice %arg7[%scan3A_287, %swap3A_496, %swap3A_497] : memref<2x32x384xf32, #tpu.memory_space<vmem>> -> memref<1x32x384xf32, #tpu.memory_space<vmem>>
        %swap3A_499 = tpu.memref_squeeze %swap3A_498 : memref<1x32x384xf32, #tpu.memory_space<vmem>> -> memref<32x384xf32, #tpu.memory_space<vmem>>
        %swap3A_500 = arith.index_cast %add3A_384 : i32 to index
        %swap3A_501 = arith.constant 144 : index
        %swap3A_502 = tpu.vector_load %swap3A_499[%swap3A_500, %swap3A_501] {strides = array<i32>} : memref<32x384xf32, #tpu.memory_space<vmem>>, vector<16xf32>,
        tpu.vector_store %swap3A_499[%swap3A_500, %swap3A_501], %gather3A_495 {strides = array<i32>} : memref<32x384xf32, #tpu.memory_space<vmem>>, vector<16xf32>,
        %gather3A_503 = arith.constant 0 : i32
        %gather3A_504 = arith.constant 0 : i32
        %gather3A_505 = tpu.memref_slice %arg5[%scan3A_286, %gather3A_503, %gather3A_504] : memref<2x32x384xf32, #tpu.memory_space<vmem>> -> memref<1x32x384xf32, #tpu.memory_space<vmem>>
        %gather3A_506 = tpu.memref_squeeze %gather3A_505 : memref<1x32x384xf32, #tpu.memory_space<vmem>> -> memref<32x384xf32, #tpu.memory_space<vmem>>
        %gather3A_507 = tpu.vector_load_idx %gather3A_506[%broadcast_in_dim3A, %add3A_38] : memref<32x384xf32, #tpu.memory_space<vmem>>[vector<16xi32>, vector<16xi32>], vector<16xf32>,
        %swap3A_508 = arith.constant 0 : i32
        %swap3A_509 = arith.constant 0 : i32
        %swap3A_510 = tpu.memref_slice %arg7[%scan3A_287, %swap3A_508, %swap3A_509] : memref<2x32x384xf32, #tpu.memory_space<vmem>> -> memref<1x32x384xf32, #tpu.memory_space<vmem>>
        %swap3A_511 = tpu.memref_squeeze %swap3A_510 : memref<1x32x384xf32, #tpu.memory_space<vmem>> -> memref<32x384xf32, #tpu.memory_space<vmem>>
        %swap3A_512 = arith.index_cast %add3A_384 : i32 to index
        %swap3A_513 = arith.constant 160 : index
        %swap3A_514 = tpu.vector_load %swap3A_511[%swap3A_512, %swap3A_513] {strides = array<i32>} : memref<32x384xf32, #tpu.memory_space<vmem>>, vector<16xf32>,
        tpu.vector_store %swap3A_511[%swap3A_512, %swap3A_513], %gather3A_507 {strides = array<i32>} : memref<32x384xf32, #tpu.memory_space<vmem>>, vector<16xf32>,
        %gather3A_515 = arith.constant 0 : i32
        %gather3A_516 = arith.constant 0 : i32
        %gather3A_517 = tpu.memref_slice %arg5[%scan3A_286, %gather3A_515, %gather3A_516] : memref<2x32x384xf32, #tpu.memory_space<vmem>> -> memref<1x32x384xf32, #tpu.memory_space<vmem>>
        %gather3A_518 = tpu.memref_squeeze %gather3A_517 : memref<1x32x384xf32, #tpu.memory_space<vmem>> -> memref<32x384xf32, #tpu.memory_space<vmem>>
        %gather3A_519 = tpu.vector_load_idx %gather3A_518[%broadcast_in_dim3A, %add3A_41] : memref<32x384xf32, #tpu.memory_space<vmem>>[vector<16xi32>, vector<16xi32>], vector<16xf32>,
        %swap3A_520 = arith.constant 0 : i32
        %swap3A_521 = arith.constant 0 : i32
        %swap3A_522 = tpu.memref_slice %arg7[%scan3A_287, %swap3A_520, %swap3A_521] : memref<2x32x384xf32, #tpu.memory_space<vmem>> -> memref<1x32x384xf32, #tpu.memory_space<vmem>>
        %swap3A_523 = tpu.memref_squeeze %swap3A_522 : memref<1x32x384xf32, #tpu.memory_space<vmem>> -> memref<32x384xf32, #tpu.memory_space<vmem>>
        %swap3A_524 = arith.index_cast %add3A_384 : i32 to index
        %swap3A_525 = arith.constant 176 : index
        %swap3A_526 = tpu.vector_load %swap3A_523[%swap3A_524, %swap3A_525] {strides = array<i32>} : memref<32x384xf32, #tpu.memory_space<vmem>>, vector<16xf32>,
        tpu.vector_store %swap3A_523[%swap3A_524, %swap3A_525], %gather3A_519 {strides = array<i32>} : memref<32x384xf32, #tpu.memory_space<vmem>>, vector<16xf32>,
        %gather3A_527 = arith.constant 0 : i32
        %gather3A_528 = arith.constant 0 : i32
        %gather3A_529 = tpu.memref_slice %arg6[%scan3A_288, %gather3A_527, %gather3A_528] : memref<2x32x384xf32, #tpu.memory_space<vmem>> -> memref<1x32x384xf32, #tpu.memory_space<vmem>>
        %gather3A_530 = tpu.memref_squeeze %gather3A_529 : memref<1x32x384xf32, #tpu.memory_space<vmem>> -> memref<32x384xf32, #tpu.memory_space<vmem>>
        %gather3A_531 = tpu.vector_load_idx %gather3A_530[%broadcast_in_dim3A, %add3A_47] : memref<32x384xf32, #tpu.memory_space<vmem>>[vector<16xi32>, vector<16xi32>], vector<16xf32>,
        %swap3A_532 = arith.constant 0 : i32
        %swap3A_533 = arith.constant 0 : i32
        %swap3A_534 = tpu.memref_slice %arg7[%scan3A_287, %swap3A_532, %swap3A_533] : memref<2x32x384xf32, #tpu.memory_space<vmem>> -> memref<1x32x384xf32, #tpu.memory_space<vmem>>
        %swap3A_535 = tpu.memref_squeeze %swap3A_534 : memref<1x32x384xf32, #tpu.memory_space<vmem>> -> memref<32x384xf32, #tpu.memory_space<vmem>>
        %swap3A_536 = arith.index_cast %add3A_384 : i32 to index
        %swap3A_537 = arith.constant 192 : index
        %swap3A_538 = tpu.vector_load %swap3A_535[%swap3A_536, %swap3A_537] {strides = array<i32>} : memref<32x384xf32, #tpu.memory_space<vmem>>, vector<16xf32>,
        tpu.vector_store %swap3A_535[%swap3A_536, %swap3A_537], %gather3A_531 {strides = array<i32>} : memref<32x384xf32, #tpu.memory_space<vmem>>, vector<16xf32>,
        %gather3A_539 = arith.constant 0 : i32
        %gather3A_540 = arith.constant 0 : i32
        %gather3A_541 = tpu.memref_slice %arg6[%scan3A_288, %gather3A_539, %gather3A_540] : memref<2x32x384xf32, #tpu.memory_space<vmem>> -> memref<1x32x384xf32, #tpu.memory_space<vmem>>
        %gather3A_542 = tpu.memref_squeeze %gather3A_541 : memref<1x32x384xf32, #tpu.memory_space<vmem>> -> memref<32x384xf32, #tpu.memory_space<vmem>>
        %gather3A_543 = tpu.vector_load_idx %gather3A_542[%broadcast_in_dim3A, %add3A_53] : memref<32x384xf32, #tpu.memory_space<vmem>>[vector<16xi32>, vector<16xi32>], vector<16xf32>,
        %swap3A_544 = arith.constant 0 : i32
        %swap3A_545 = arith.constant 0 : i32
        %swap3A_546 = tpu.memref_slice %arg7[%scan3A_287, %swap3A_544, %swap3A_545] : memref<2x32x384xf32, #tpu.memory_space<vmem>> -> memref<1x32x384xf32, #tpu.memory_space<vmem>>
        %swap3A_547 = tpu.memref_squeeze %swap3A_546 : memref<1x32x384xf32, #tpu.memory_space<vmem>> -> memref<32x384xf32, #tpu.memory_space<vmem>>
        %swap3A_548 = arith.index_cast %add3A_384 : i32 to index
        %swap3A_549 = arith.constant 208 : index
        %swap3A_550 = tpu.vector_load %swap3A_547[%swap3A_548, %swap3A_549] {strides = array<i32>} : memref<32x384xf32, #tpu.memory_space<vmem>>, vector<16xf32>,
        tpu.vector_store %swap3A_547[%swap3A_548, %swap3A_549], %gather3A_543 {strides = array<i32>} : memref<32x384xf32, #tpu.memory_space<vmem>>, vector<16xf32>,
        %gather3A_551 = arith.constant 0 : i32
        %gather3A_552 = arith.constant 0 : i32
        %gather3A_553 = tpu.memref_slice %arg6[%scan3A_288, %gather3A_551, %gather3A_552] : memref<2x32x384xf32, #tpu.memory_space<vmem>> -> memref<1x32x384xf32, #tpu.memory_space<vmem>>
        %gather3A_554 = tpu.memref_squeeze %gather3A_553 : memref<1x32x384xf32, #tpu.memory_space<vmem>> -> memref<32x384xf32, #tpu.memory_space<vmem>>
        %gather3A_555 = tpu.vector_load_idx %gather3A_554[%broadcast_in_dim3A, %add3A_59] : memref<32x384xf32, #tpu.memory_space<vmem>>[vector<16xi32>, vector<16xi32>], vector<16xf32>,
        %swap3A_556 = arith.constant 0 : i32
        %swap3A_557 = arith.constant 0 : i32
        %swap3A_558 = tpu.memref_slice %arg7[%scan3A_287, %swap3A_556, %swap3A_557] : memref<2x32x384xf32, #tpu.memory_space<vmem>> -> memref<1x32x384xf32, #tpu.memory_space<vmem>>
        %swap3A_559 = tpu.memref_squeeze %swap3A_558 : memref<1x32x384xf32, #tpu.memory_space<vmem>> -> memref<32x384xf32, #tpu.memory_space<vmem>>
        %swap3A_560 = arith.index_cast %add3A_384 : i32 to index
        %swap3A_561 = arith.constant 224 : index
        %swap3A_562 = tpu.vector_load %swap3A_559[%swap3A_560, %swap3A_561] {strides = array<i32>} : memref<32x384xf32, #tpu.memory_space<vmem>>, vector<16xf32>,
        tpu.vector_store %swap3A_559[%swap3A_560, %swap3A_561], %gather3A_555 {strides = array<i32>} : memref<32x384xf32, #tpu.memory_space<vmem>>, vector<16xf32>,
        %gather3A_563 = arith.constant 0 : i32
        %gather3A_564 = arith.constant 0 : i32
        %gather3A_565 = tpu.memref_slice %arg6[%scan3A_288, %gather3A_563, %gather3A_564] : memref<2x32x384xf32, #tpu.memory_space<vmem>> -> memref<1x32x384xf32, #tpu.memory_space<vmem>>
        %gather3A_566 = tpu.memref_squeeze %gather3A_565 : memref<1x32x384xf32, #tpu.memory_space<vmem>> -> memref<32x384xf32, #tpu.memory_space<vmem>>
        %gather3A_567 = tpu.vector_load_idx %gather3A_566[%broadcast_in_dim3A, %add3A_65] : memref<32x384xf32, #tpu.memory_space<vmem>>[vector<16xi32>, vector<16xi32>], vector<16xf32>,
        %swap3A_568 = arith.constant 0 : i32
        %swap3A_569 = arith.constant 0 : i32
        %swap3A_570 = tpu.memref_slice %arg7[%scan3A_287, %swap3A_568, %swap3A_569] : memref<2x32x384xf32, #tpu.memory_space<vmem>> -> memref<1x32x384xf32, #tpu.memory_space<vmem>>
        %swap3A_571 = tpu.memref_squeeze %swap3A_570 : memref<1x32x384xf32, #tpu.memory_space<vmem>> -> memref<32x384xf32, #tpu.memory_space<vmem>>
        %swap3A_572 = arith.index_cast %add3A_384 : i32 to index
        %swap3A_573 = arith.constant 240 : index
        %swap3A_574 = tpu.vector_load %swap3A_571[%swap3A_572, %swap3A_573] {strides = array<i32>} : memref<32x384xf32, #tpu.memory_space<vmem>>, vector<16xf32>,
        tpu.vector_store %swap3A_571[%swap3A_572, %swap3A_573], %gather3A_567 {strides = array<i32>} : memref<32x384xf32, #tpu.memory_space<vmem>>, vector<16xf32>,
        %gather3A_575 = arith.constant 0 : i32
        %gather3A_576 = arith.constant 0 : i32
        %gather3A_577 = tpu.memref_slice %arg6[%scan3A_288, %gather3A_575, %gather3A_576] : memref<2x32x384xf32, #tpu.memory_space<vmem>> -> memref<1x32x384xf32, #tpu.memory_space<vmem>>
        %gather3A_578 = tpu.memref_squeeze %gather3A_577 : memref<1x32x384xf32, #tpu.memory_space<vmem>> -> memref<32x384xf32, #tpu.memory_space<vmem>>
        %gather3A_579 = tpu.vector_load_idx %gather3A_578[%broadcast_in_dim3A, %add3A_71] : memref<32x384xf32, #tpu.memory_space<vmem>>[vector<16xi32>, vector<16xi32>], vector<16xf32>,
        %swap3A_580 = arith.constant 0 : i32
        %swap3A_581 = arith.constant 0 : i32
        %swap3A_582 = tpu.memref_slice %arg7[%scan3A_287, %swap3A_580, %swap3A_581] : memref<2x32x384xf32, #tpu.memory_space<vmem>> -> memref<1x32x384xf32, #tpu.memory_space<vmem>>
        %swap3A_583 = tpu.memref_squeeze %swap3A_582 : memref<1x32x384xf32, #tpu.memory_space<vmem>> -> memref<32x384xf32, #tpu.memory_space<vmem>>
        %swap3A_584 = arith.index_cast %add3A_384 : i32 to index
        %swap3A_585 = arith.constant 256 : index
        %swap3A_586 = tpu.vector_load %swap3A_583[%swap3A_584, %swap3A_585] {strides = array<i32>} : memref<32x384xf32, #tpu.memory_space<vmem>>, vector<16xf32>,
        tpu.vector_store %swap3A_583[%swap3A_584, %swap3A_585], %gather3A_579 {strides = array<i32>} : memref<32x384xf32, #tpu.memory_space<vmem>>, vector<16xf32>,
        %gather3A_587 = arith.constant 0 : i32
        %gather3A_588 = arith.constant 0 : i32
        %gather3A_589 = tpu.memref_slice %arg6[%scan3A_288, %gather3A_587, %gather3A_588] : memref<2x32x384xf32, #tpu.memory_space<vmem>> -> memref<1x32x384xf32, #tpu.memory_space<vmem>>
        %gather3A_590 = tpu.memref_squeeze %gather3A_589 : memref<1x32x384xf32, #tpu.memory_space<vmem>> -> memref<32x384xf32, #tpu.memory_space<vmem>>
        %gather3A_591 = tpu.vector_load_idx %gather3A_590[%broadcast_in_dim3A, %add3A_77] : memref<32x384xf32, #tpu.memory_space<vmem>>[vector<16xi32>, vector<16xi32>], vector<16xf32>,
        %swap3A_592 = arith.constant 0 : i32
        %swap3A_593 = arith.constant 0 : i32
        %swap3A_594 = tpu.memref_slice %arg7[%scan3A_287, %swap3A_592, %swap3A_593] : memref<2x32x384xf32, #tpu.memory_space<vmem>> -> memref<1x32x384xf32, #tpu.memory_space<vmem>>
        %swap3A_595 = tpu.memref_squeeze %swap3A_594 : memref<1x32x384xf32, #tpu.memory_space<vmem>> -> memref<32x384xf32, #tpu.memory_space<vmem>>
        %swap3A_596 = arith.index_cast %add3A_384 : i32 to index
        %swap3A_597 = arith.constant 272 : index
        %swap3A_598 = tpu.vector_load %swap3A_595[%swap3A_596, %swap3A_597] {strides = array<i32>} : memref<32x384xf32, #tpu.memory_space<vmem>>, vector<16xf32>,
        tpu.vector_store %swap3A_595[%swap3A_596, %swap3A_597], %gather3A_591 {strides = array<i32>} : memref<32x384xf32, #tpu.memory_space<vmem>>, vector<16xf32>,
        %gather3A_599 = arith.constant 0 : i32
        %gather3A_600 = arith.constant 0 : i32
        %gather3A_601 = tpu.memref_slice %arg6[%scan3A_288, %gather3A_599, %gather3A_600] : memref<2x32x384xf32, #tpu.memory_space<vmem>> -> memref<1x32x384xf32, #tpu.memory_space<vmem>>
        %gather3A_602 = tpu.memref_squeeze %gather3A_601 : memref<1x32x384xf32, #tpu.memory_space<vmem>> -> memref<32x384xf32, #tpu.memory_space<vmem>>
        %gather3A_603 = tpu.vector_load_idx %gather3A_602[%broadcast_in_dim3A, %add3A_83] : memref<32x384xf32, #tpu.memory_space<vmem>>[vector<16xi32>, vector<16xi32>], vector<16xf32>,
        %swap3A_604 = arith.constant 0 : i32
        %swap3A_605 = arith.constant 0 : i32
        %swap3A_606 = tpu.memref_slice %arg7[%scan3A_287, %swap3A_604, %swap3A_605] : memref<2x32x384xf32, #tpu.memory_space<vmem>> -> memref<1x32x384xf32, #tpu.memory_space<vmem>>
        %swap3A_607 = tpu.memref_squeeze %swap3A_606 : memref<1x32x384xf32, #tpu.memory_space<vmem>> -> memref<32x384xf32, #tpu.memory_space<vmem>>
        %swap3A_608 = arith.index_cast %add3A_384 : i32 to index
        %swap3A_609 = arith.constant 288 : index
        %swap3A_610 = tpu.vector_load %swap3A_607[%swap3A_608, %swap3A_609] {strides = array<i32>} : memref<32x384xf32, #tpu.memory_space<vmem>>, vector<16xf32>,
        tpu.vector_store %swap3A_607[%swap3A_608, %swap3A_609], %gather3A_603 {strides = array<i32>} : memref<32x384xf32, #tpu.memory_space<vmem>>, vector<16xf32>,
        %gather3A_611 = arith.constant 0 : i32
        %gather3A_612 = arith.constant 0 : i32
        %gather3A_613 = tpu.memref_slice %arg6[%scan3A_288, %gather3A_611, %gather3A_612] : memref<2x32x384xf32, #tpu.memory_space<vmem>> -> memref<1x32x384xf32, #tpu.memory_space<vmem>>
        %gather3A_614 = tpu.memref_squeeze %gather3A_613 : memref<1x32x384xf32, #tpu.memory_space<vmem>> -> memref<32x384xf32, #tpu.memory_space<vmem>>
        %gather3A_615 = tpu.vector_load_idx %gather3A_614[%broadcast_in_dim3A, %add3A_89] : memref<32x384xf32, #tpu.memory_space<vmem>>[vector<16xi32>, vector<16xi32>], vector<16xf32>,
        %swap3A_616 = arith.constant 0 : i32
        %swap3A_617 = arith.constant 0 : i32
        %swap3A_618 = tpu.memref_slice %arg7[%scan3A_287, %swap3A_616, %swap3A_617] : memref<2x32x384xf32, #tpu.memory_space<vmem>> -> memref<1x32x384xf32, #tpu.memory_space<vmem>>
        %swap3A_619 = tpu.memref_squeeze %swap3A_618 : memref<1x32x384xf32, #tpu.memory_space<vmem>> -> memref<32x384xf32, #tpu.memory_space<vmem>>
        %swap3A_620 = arith.index_cast %add3A_384 : i32 to index
        %swap3A_621 = arith.constant 304 : index
        %swap3A_622 = tpu.vector_load %swap3A_619[%swap3A_620, %swap3A_621] {strides = array<i32>} : memref<32x384xf32, #tpu.memory_space<vmem>>, vector<16xf32>,
        tpu.vector_store %swap3A_619[%swap3A_620, %swap3A_621], %gather3A_615 {strides = array<i32>} : memref<32x384xf32, #tpu.memory_space<vmem>>, vector<16xf32>,
        %gather3A_623 = arith.constant 0 : i32
        %gather3A_624 = arith.constant 0 : i32
        %gather3A_625 = tpu.memref_slice %arg6[%scan3A_288, %gather3A_623, %gather3A_624] : memref<2x32x384xf32, #tpu.memory_space<vmem>> -> memref<1x32x384xf32, #tpu.memory_space<vmem>>
        %gather3A_626 = tpu.memref_squeeze %gather3A_625 : memref<1x32x384xf32, #tpu.memory_space<vmem>> -> memref<32x384xf32, #tpu.memory_space<vmem>>
        %gather3A_627 = tpu.vector_load_idx %gather3A_626[%broadcast_in_dim3A, %add3A_95] : memref<32x384xf32, #tpu.memory_space<vmem>>[vector<16xi32>, vector<16xi32>], vector<16xf32>,
        %swap3A_628 = arith.constant 0 : i32
        %swap3A_629 = arith.constant 0 : i32
        %swap3A_630 = tpu.memref_slice %arg7[%scan3A_287, %swap3A_628, %swap3A_629] : memref<2x32x384xf32, #tpu.memory_space<vmem>> -> memref<1x32x384xf32, #tpu.memory_space<vmem>>
        %swap3A_631 = tpu.memref_squeeze %swap3A_630 : memref<1x32x384xf32, #tpu.memory_space<vmem>> -> memref<32x384xf32, #tpu.memory_space<vmem>>
        %swap3A_632 = arith.index_cast %add3A_384 : i32 to index
        %swap3A_633 = arith.constant 320 : index
        %swap3A_634 = tpu.vector_load %swap3A_631[%swap3A_632, %swap3A_633] {strides = array<i32>} : memref<32x384xf32, #tpu.memory_space<vmem>>, vector<16xf32>,
        tpu.vector_store %swap3A_631[%swap3A_632, %swap3A_633], %gather3A_627 {strides = array<i32>} : memref<32x384xf32, #tpu.memory_space<vmem>>, vector<16xf32>,
        %gather3A_635 = arith.constant 0 : i32
        %gather3A_636 = arith.constant 0 : i32
        %gather3A_637 = tpu.memref_slice %arg6[%scan3A_288, %gather3A_635, %gather3A_636] : memref<2x32x384xf32, #tpu.memory_space<vmem>> -> memref<1x32x384xf32, #tpu.memory_space<vmem>>
        %gather3A_638 = tpu.memref_squeeze %gather3A_637 : memref<1x32x384xf32, #tpu.memory_space<vmem>> -> memref<32x384xf32, #tpu.memory_space<vmem>>
        %gather3A_639 = tpu.vector_load_idx %gather3A_638[%broadcast_in_dim3A, %add3A_101] : memref<32x384xf32, #tpu.memory_space<vmem>>[vector<16xi32>, vector<16xi32>], vector<16xf32>,
        %swap3A_640 = arith.constant 0 : i32
        %swap3A_641 = arith.constant 0 : i32
        %swap3A_642 = tpu.memref_slice %arg7[%scan3A_287, %swap3A_640, %swap3A_641] : memref<2x32x384xf32, #tpu.memory_space<vmem>> -> memref<1x32x384xf32, #tpu.memory_space<vmem>>
        %swap3A_643 = tpu.memref_squeeze %swap3A_642 : memref<1x32x384xf32, #tpu.memory_space<vmem>> -> memref<32x384xf32, #tpu.memory_space<vmem>>
        %swap3A_644 = arith.index_cast %add3A_384 : i32 to index
        %swap3A_645 = arith.constant 336 : index
        %swap3A_646 = tpu.vector_load %swap3A_643[%swap3A_644, %swap3A_645] {strides = array<i32>} : memref<32x384xf32, #tpu.memory_space<vmem>>, vector<16xf32>,
        tpu.vector_store %swap3A_643[%swap3A_644, %swap3A_645], %gather3A_639 {strides = array<i32>} : memref<32x384xf32, #tpu.memory_space<vmem>>, vector<16xf32>,
        %gather3A_647 = arith.constant 0 : i32
        %gather3A_648 = arith.constant 0 : i32
        %gather3A_649 = tpu.memref_slice %arg6[%scan3A_288, %gather3A_647, %gather3A_648] : memref<2x32x384xf32, #tpu.memory_space<vmem>> -> memref<1x32x384xf32, #tpu.memory_space<vmem>>
        %gather3A_650 = tpu.memref_squeeze %gather3A_649 : memref<1x32x384xf32, #tpu.memory_space<vmem>> -> memref<32x384xf32, #tpu.memory_space<vmem>>
        %gather3A_651 = tpu.vector_load_idx %gather3A_650[%broadcast_in_dim3A, %add3A_107] : memref<32x384xf32, #tpu.memory_space<vmem>>[vector<16xi32>, vector<16xi32>], vector<16xf32>,
        %swap3A_652 = arith.constant 0 : i32
        %swap3A_653 = arith.constant 0 : i32
        %swap3A_654 = tpu.memref_slice %arg7[%scan3A_287, %swap3A_652, %swap3A_653] : memref<2x32x384xf32, #tpu.memory_space<vmem>> -> memref<1x32x384xf32, #tpu.memory_space<vmem>>
        %swap3A_655 = tpu.memref_squeeze %swap3A_654 : memref<1x32x384xf32, #tpu.memory_space<vmem>> -> memref<32x384xf32, #tpu.memory_space<vmem>>
        %swap3A_656 = arith.index_cast %add3A_384 : i32 to index
        %swap3A_657 = arith.constant 352 : index
        %swap3A_658 = tpu.vector_load %swap3A_655[%swap3A_656, %swap3A_657] {strides = array<i32>} : memref<32x384xf32, #tpu.memory_space<vmem>>, vector<16xf32>,
        tpu.vector_store %swap3A_655[%swap3A_656, %swap3A_657], %gather3A_651 {strides = array<i32>} : memref<32x384xf32, #tpu.memory_space<vmem>>, vector<16xf32>,
        %gather3A_659 = arith.constant 0 : i32
        %gather3A_660 = arith.constant 0 : i32
        %gather3A_661 = tpu.memref_slice %arg6[%scan3A_288, %gather3A_659, %gather3A_660] : memref<2x32x384xf32, #tpu.memory_space<vmem>> -> memref<1x32x384xf32, #tpu.memory_space<vmem>>
        %gather3A_662 = tpu.memref_squeeze %gather3A_661 : memref<1x32x384xf32, #tpu.memory_space<vmem>> -> memref<32x384xf32, #tpu.memory_space<vmem>>
        %gather3A_663 = tpu.vector_load_idx %gather3A_662[%broadcast_in_dim3A, %add3A_113] : memref<32x384xf32, #tpu.memory_space<vmem>>[vector<16xi32>, vector<16xi32>], vector<16xf32>,
        %swap3A_664 = arith.constant 0 : i32
        %swap3A_665 = arith.constant 0 : i32
        %swap3A_666 = tpu.memref_slice %arg7[%scan3A_287, %swap3A_664, %swap3A_665] : memref<2x32x384xf32, #tpu.memory_space<vmem>> -> memref<1x32x384xf32, #tpu.memory_space<vmem>>
        %swap3A_667 = tpu.memref_squeeze %swap3A_666 : memref<1x32x384xf32, #tpu.memory_space<vmem>> -> memref<32x384xf32, #tpu.memory_space<vmem>>
        %swap3A_668 = arith.index_cast %add3A_384 : i32 to index
        %swap3A_669 = arith.constant 368 : index
        %swap3A_670 = tpu.vector_load %swap3A_667[%swap3A_668, %swap3A_669] {strides = array<i32>} : memref<32x384xf32, #tpu.memory_space<vmem>>, vector<16xf32>,
        tpu.vector_store %swap3A_667[%swap3A_668, %swap3A_669], %gather3A_663 {strides = array<i32>} : memref<32x384xf32, #tpu.memory_space<vmem>>, vector<16xf32>,
        %mul3A_671 = arith.constant 2 : i32
        %mul3A_672 = arith.muli %mul3A_671, %scan3A_380 : i32
        %add3A_673 = arith.constant 1 : i32
        %add3A_674 = arith.addi %mul3A_672, %add3A_673 : i32
        %broadcast_in_dim3A_675 = vector.broadcast %add3A_674 : i32 to vector<16xi32>
        %gather3A_676 = arith.constant 0 : i32
        %gather3A_677 = arith.constant 0 : i32
        %gather3A_678 = tpu.memref_slice %arg5[%scan3A_286, %gather3A_676, %gather3A_677] : memref<2x32x384xf32, #tpu.memory_space<vmem>> -> memref<1x32x384xf32, #tpu.memory_space<vmem>>
        %gather3A_679 = tpu.memref_squeeze %gather3A_678 : memref<1x32x384xf32, #tpu.memory_space<vmem>> -> memref<32x384xf32, #tpu.memory_space<vmem>>
        %gather3A_680 = tpu.vector_load_idx %gather3A_679[%broadcast_in_dim3A_675, %add3A_8] : memref<32x384xf32, #tpu.memory_space<vmem>>[vector<16xi32>, vector<16xi32>], vector<16xf32>,
        %swap3A_681 = arith.constant 0 : i32
        %swap3A_682 = arith.constant 0 : i32
        %swap3A_683 = tpu.memref_slice %arg7[%scan3A_287, %swap3A_681, %swap3A_682] : memref<2x32x384xf32, #tpu.memory_space<vmem>> -> memref<1x32x384xf32, #tpu.memory_space<vmem>>
        %swap3A_684 = tpu.memref_squeeze %swap3A_683 : memref<1x32x384xf32, #tpu.memory_space<vmem>> -> memref<32x384xf32, #tpu.memory_space<vmem>>
        %swap3A_685 = arith.index_cast %add3A_674 : i32 to index
        %swap3A_686 = arith.constant 0 : index
        %swap3A_687 = tpu.vector_load %swap3A_684[%swap3A_685, %swap3A_686] {strides = array<i32>} : memref<32x384xf32, #tpu.memory_space<vmem>>, vector<16xf32>,
        tpu.vector_store %swap3A_684[%swap3A_685, %swap3A_686], %gather3A_680 {strides = array<i32>} : memref<32x384xf32, #tpu.memory_space<vmem>>, vector<16xf32>,
        %gather3A_688 = arith.constant 0 : i32
        %gather3A_689 = arith.constant 0 : i32
        %gather3A_690 = tpu.memref_slice %arg5[%scan3A_286, %gather3A_688, %gather3A_689] : memref<2x32x384xf32, #tpu.memory_space<vmem>> -> memref<1x32x384xf32, #tpu.memory_space<vmem>>
        %gather3A_691 = tpu.memref_squeeze %gather3A_690 : memref<1x32x384xf32, #tpu.memory_space<vmem>> -> memref<32x384xf32, #tpu.memory_space<vmem>>
        %gather3A_692 = tpu.vector_load_idx %gather3A_691[%broadcast_in_dim3A_675, %add3A_11] : memref<32x384xf32, #tpu.memory_space<vmem>>[vector<16xi32>, vector<16xi32>], vector<16xf32>,
        %swap3A_693 = arith.constant 0 : i32
        %swap3A_694 = arith.constant 0 : i32
        %swap3A_695 = tpu.memref_slice %arg7[%scan3A_287, %swap3A_693, %swap3A_694] : memref<2x32x384xf32, #tpu.memory_space<vmem>> -> memref<1x32x384xf32, #tpu.memory_space<vmem>>
        %swap3A_696 = tpu.memref_squeeze %swap3A_695 : memref<1x32x384xf32, #tpu.memory_space<vmem>> -> memref<32x384xf32, #tpu.memory_space<vmem>>
        %swap3A_697 = arith.index_cast %add3A_674 : i32 to index
        %swap3A_698 = arith.constant 16 : index
        %swap3A_699 = tpu.vector_load %swap3A_696[%swap3A_697, %swap3A_698] {strides = array<i32>} : memref<32x384xf32, #tpu.memory_space<vmem>>, vector<16xf32>,
        tpu.vector_store %swap3A_696[%swap3A_697, %swap3A_698], %gather3A_692 {strides = array<i32>} : memref<32x384xf32, #tpu.memory_space<vmem>>, vector<16xf32>,
        %gather3A_700 = arith.constant 0 : i32
        %gather3A_701 = arith.constant 0 : i32
        %gather3A_702 = tpu.memref_slice %arg5[%scan3A_286, %gather3A_700, %gather3A_701] : memref<2x32x384xf32, #tpu.memory_space<vmem>> -> memref<1x32x384xf32, #tpu.memory_space<vmem>>
        %gather3A_703 = tpu.memref_squeeze %gather3A_702 : memref<1x32x384xf32, #tpu.memory_space<vmem>> -> memref<32x384xf32, #tpu.memory_space<vmem>>
        %gather3A_704 = tpu.vector_load_idx %gather3A_703[%broadcast_in_dim3A_675, %add3A_14] : memref<32x384xf32, #tpu.memory_space<vmem>>[vector<16xi32>, vector<16xi32>], vector<16xf32>,
        %swap3A_705 = arith.constant 0 : i32
        %swap3A_706 = arith.constant 0 : i32
        %swap3A_707 = tpu.memref_slice %arg7[%scan3A_287, %swap3A_705, %swap3A_706] : memref<2x32x384xf32, #tpu.memory_space<vmem>> -> memref<1x32x384xf32, #tpu.memory_space<vmem>>
        %swap3A_708 = tpu.memref_squeeze %swap3A_707 : memref<1x32x384xf32, #tpu.memory_space<vmem>> -> memref<32x384xf32, #tpu.memory_space<vmem>>
        %swap3A_709 = arith.index_cast %add3A_674 : i32 to index
        %swap3A_710 = arith.constant 32 : index
        %swap3A_711 = tpu.vector_load %swap3A_708[%swap3A_709, %swap3A_710] {strides = array<i32>} : memref<32x384xf32, #tpu.memory_space<vmem>>, vector<16xf32>,
        tpu.vector_store %swap3A_708[%swap3A_709, %swap3A_710], %gather3A_704 {strides = array<i32>} : memref<32x384xf32, #tpu.memory_space<vmem>>, vector<16xf32>,
        %gather3A_712 = arith.constant 0 : i32
        %gather3A_713 = arith.constant 0 : i32
        %gather3A_714 = tpu.memref_slice %arg5[%scan3A_286, %gather3A_712, %gather3A_713] : memref<2x32x384xf32, #tpu.memory_space<vmem>> -> memref<1x32x384xf32, #tpu.memory_space<vmem>>
        %gather3A_715 = tpu.memref_squeeze %gather3A_714 : memref<1x32x384xf32, #tpu.memory_space<vmem>> -> memref<32x384xf32, #tpu.memory_space<vmem>>
        %gather3A_716 = tpu.vector_load_idx %gather3A_715[%broadcast_in_dim3A_675, %add3A_17] : memref<32x384xf32, #tpu.memory_space<vmem>>[vector<16xi32>, vector<16xi32>], vector<16xf32>,
        %swap3A_717 = arith.constant 0 : i32
        %swap3A_718 = arith.constant 0 : i32
        %swap3A_719 = tpu.memref_slice %arg7[%scan3A_287, %swap3A_717, %swap3A_718] : memref<2x32x384xf32, #tpu.memory_space<vmem>> -> memref<1x32x384xf32, #tpu.memory_space<vmem>>
        %swap3A_720 = tpu.memref_squeeze %swap3A_719 : memref<1x32x384xf32, #tpu.memory_space<vmem>> -> memref<32x384xf32, #tpu.memory_space<vmem>>
        %swap3A_721 = arith.index_cast %add3A_674 : i32 to index
        %swap3A_722 = arith.constant 48 : index
        %swap3A_723 = tpu.vector_load %swap3A_720[%swap3A_721, %swap3A_722] {strides = array<i32>} : memref<32x384xf32, #tpu.memory_space<vmem>>, vector<16xf32>,
        tpu.vector_store %swap3A_720[%swap3A_721, %swap3A_722], %gather3A_716 {strides = array<i32>} : memref<32x384xf32, #tpu.memory_space<vmem>>, vector<16xf32>,
        %gather3A_724 = arith.constant 0 : i32
        %gather3A_725 = arith.constant 0 : i32
        %gather3A_726 = tpu.memref_slice %arg5[%scan3A_286, %gather3A_724, %gather3A_725] : memref<2x32x384xf32, #tpu.memory_space<vmem>> -> memref<1x32x384xf32, #tpu.memory_space<vmem>>
        %gather3A_727 = tpu.memref_squeeze %gather3A_726 : memref<1x32x384xf32, #tpu.memory_space<vmem>> -> memref<32x384xf32, #tpu.memory_space<vmem>>
        %gather3A_728 = tpu.vector_load_idx %gather3A_727[%broadcast_in_dim3A_675, %add3A_20] : memref<32x384xf32, #tpu.memory_space<vmem>>[vector<16xi32>, vector<16xi32>], vector<16xf32>,
        %swap3A_729 = arith.constant 0 : i32
        %swap3A_730 = arith.constant 0 : i32
        %swap3A_731 = tpu.memref_slice %arg7[%scan3A_287, %swap3A_729, %swap3A_730] : memref<2x32x384xf32, #tpu.memory_space<vmem>> -> memref<1x32x384xf32, #tpu.memory_space<vmem>>
        %swap3A_732 = tpu.memref_squeeze %swap3A_731 : memref<1x32x384xf32, #tpu.memory_space<vmem>> -> memref<32x384xf32, #tpu.memory_space<vmem>>
        %swap3A_733 = arith.index_cast %add3A_674 : i32 to index
        %swap3A_734 = arith.constant 64 : index
        %swap3A_735 = tpu.vector_load %swap3A_732[%swap3A_733, %swap3A_734] {strides = array<i32>} : memref<32x384xf32, #tpu.memory_space<vmem>>, vector<16xf32>,
        tpu.vector_store %swap3A_732[%swap3A_733, %swap3A_734], %gather3A_728 {strides = array<i32>} : memref<32x384xf32, #tpu.memory_space<vmem>>, vector<16xf32>,
        %gather3A_736 = arith.constant 0 : i32
        %gather3A_737 = arith.constant 0 : i32
        %gather3A_738 = tpu.memref_slice %arg5[%scan3A_286, %gather3A_736, %gather3A_737] : memref<2x32x384xf32, #tpu.memory_space<vmem>> -> memref<1x32x384xf32, #tpu.memory_space<vmem>>
        %gather3A_739 = tpu.memref_squeeze %gather3A_738 : memref<1x32x384xf32, #tpu.memory_space<vmem>> -> memref<32x384xf32, #tpu.memory_space<vmem>>
        %gather3A_740 = tpu.vector_load_idx %gather3A_739[%broadcast_in_dim3A_675, %add3A_23] : memref<32x384xf32, #tpu.memory_space<vmem>>[vector<16xi32>, vector<16xi32>], vector<16xf32>,
        %swap3A_741 = arith.constant 0 : i32
        %swap3A_742 = arith.constant 0 : i32
        %swap3A_743 = tpu.memref_slice %arg7[%scan3A_287, %swap3A_741, %swap3A_742] : memref<2x32x384xf32, #tpu.memory_space<vmem>> -> memref<1x32x384xf32, #tpu.memory_space<vmem>>
        %swap3A_744 = tpu.memref_squeeze %swap3A_743 : memref<1x32x384xf32, #tpu.memory_space<vmem>> -> memref<32x384xf32, #tpu.memory_space<vmem>>
        %swap3A_745 = arith.index_cast %add3A_674 : i32 to index
        %swap3A_746 = arith.constant 80 : index
        %swap3A_747 = tpu.vector_load %swap3A_744[%swap3A_745, %swap3A_746] {strides = array<i32>} : memref<32x384xf32, #tpu.memory_space<vmem>>, vector<16xf32>,
        tpu.vector_store %swap3A_744[%swap3A_745, %swap3A_746], %gather3A_740 {strides = array<i32>} : memref<32x384xf32, #tpu.memory_space<vmem>>, vector<16xf32>,
        %gather3A_748 = arith.constant 0 : i32
        %gather3A_749 = arith.constant 0 : i32
        %gather3A_750 = tpu.memref_slice %arg5[%scan3A_286, %gather3A_748, %gather3A_749] : memref<2x32x384xf32, #tpu.memory_space<vmem>> -> memref<1x32x384xf32, #tpu.memory_space<vmem>>
        %gather3A_751 = tpu.memref_squeeze %gather3A_750 : memref<1x32x384xf32, #tpu.memory_space<vmem>> -> memref<32x384xf32, #tpu.memory_space<vmem>>
        %gather3A_752 = tpu.vector_load_idx %gather3A_751[%broadcast_in_dim3A_675, %add3A_26] : memref<32x384xf32, #tpu.memory_space<vmem>>[vector<16xi32>, vector<16xi32>], vector<16xf32>,
        %swap3A_753 = arith.constant 0 : i32
        %swap3A_754 = arith.constant 0 : i32
        %swap3A_755 = tpu.memref_slice %arg7[%scan3A_287, %swap3A_753, %swap3A_754] : memref<2x32x384xf32, #tpu.memory_space<vmem>> -> memref<1x32x384xf32, #tpu.memory_space<vmem>>
        %swap3A_756 = tpu.memref_squeeze %swap3A_755 : memref<1x32x384xf32, #tpu.memory_space<vmem>> -> memref<32x384xf32, #tpu.memory_space<vmem>>
        %swap3A_757 = arith.index_cast %add3A_674 : i32 to index
        %swap3A_758 = arith.constant 96 : index
        %swap3A_759 = tpu.vector_load %swap3A_756[%swap3A_757, %swap3A_758] {strides = array<i32>} : memref<32x384xf32, #tpu.memory_space<vmem>>, vector<16xf32>,
        tpu.vector_store %swap3A_756[%swap3A_757, %swap3A_758], %gather3A_752 {strides = array<i32>} : memref<32x384xf32, #tpu.memory_space<vmem>>, vector<16xf32>,
        %gather3A_760 = arith.constant 0 : i32
        %gather3A_761 = arith.constant 0 : i32
        %gather3A_762 = tpu.memref_slice %arg5[%scan3A_286, %gather3A_760, %gather3A_761] : memref<2x32x384xf32, #tpu.memory_space<vmem>> -> memref<1x32x384xf32, #tpu.memory_space<vmem>>
        %gather3A_763 = tpu.memref_squeeze %gather3A_762 : memref<1x32x384xf32, #tpu.memory_space<vmem>> -> memref<32x384xf32, #tpu.memory_space<vmem>>
        %gather3A_764 = tpu.vector_load_idx %gather3A_763[%broadcast_in_dim3A_675, %add3A_29] : memref<32x384xf32, #tpu.memory_space<vmem>>[vector<16xi32>, vector<16xi32>], vector<16xf32>,
        %swap3A_765 = arith.constant 0 : i32
        %swap3A_766 = arith.constant 0 : i32
        %swap3A_767 = tpu.memref_slice %arg7[%scan3A_287, %swap3A_765, %swap3A_766] : memref<2x32x384xf32, #tpu.memory_space<vmem>> -> memref<1x32x384xf32, #tpu.memory_space<vmem>>
        %swap3A_768 = tpu.memref_squeeze %swap3A_767 : memref<1x32x384xf32, #tpu.memory_space<vmem>> -> memref<32x384xf32, #tpu.memory_space<vmem>>
        %swap3A_769 = arith.index_cast %add3A_674 : i32 to index
        %swap3A_770 = arith.constant 112 : index
        %swap3A_771 = tpu.vector_load %swap3A_768[%swap3A_769, %swap3A_770] {strides = array<i32>} : memref<32x384xf32, #tpu.memory_space<vmem>>, vector<16xf32>,
        tpu.vector_store %swap3A_768[%swap3A_769, %swap3A_770], %gather3A_764 {strides = array<i32>} : memref<32x384xf32, #tpu.memory_space<vmem>>, vector<16xf32>,
        %gather3A_772 = arith.constant 0 : i32
        %gather3A_773 = arith.constant 0 : i32
        %gather3A_774 = tpu.memref_slice %arg5[%scan3A_286, %gather3A_772, %gather3A_773] : memref<2x32x384xf32, #tpu.memory_space<vmem>> -> memref<1x32x384xf32, #tpu.memory_space<vmem>>
        %gather3A_775 = tpu.memref_squeeze %gather3A_774 : memref<1x32x384xf32, #tpu.memory_space<vmem>> -> memref<32x384xf32, #tpu.memory_space<vmem>>
        %gather3A_776 = tpu.vector_load_idx %gather3A_775[%broadcast_in_dim3A_675, %add3A_32] : memref<32x384xf32, #tpu.memory_space<vmem>>[vector<16xi32>, vector<16xi32>], vector<16xf32>,
        %swap3A_777 = arith.constant 0 : i32
        %swap3A_778 = arith.constant 0 : i32
        %swap3A_779 = tpu.memref_slice %arg7[%scan3A_287, %swap3A_777, %swap3A_778] : memref<2x32x384xf32, #tpu.memory_space<vmem>> -> memref<1x32x384xf32, #tpu.memory_space<vmem>>
        %swap3A_780 = tpu.memref_squeeze %swap3A_779 : memref<1x32x384xf32, #tpu.memory_space<vmem>> -> memref<32x384xf32, #tpu.memory_space<vmem>>
        %swap3A_781 = arith.index_cast %add3A_674 : i32 to index
        %swap3A_782 = arith.constant 128 : index
        %swap3A_783 = tpu.vector_load %swap3A_780[%swap3A_781, %swap3A_782] {strides = array<i32>} : memref<32x384xf32, #tpu.memory_space<vmem>>, vector<16xf32>,
        tpu.vector_store %swap3A_780[%swap3A_781, %swap3A_782], %gather3A_776 {strides = array<i32>} : memref<32x384xf32, #tpu.memory_space<vmem>>, vector<16xf32>,
        %gather3A_784 = arith.constant 0 : i32
        %gather3A_785 = arith.constant 0 : i32
        %gather3A_786 = tpu.memref_slice %arg5[%scan3A_286, %gather3A_784, %gather3A_785] : memref<2x32x384xf32, #tpu.memory_space<vmem>> -> memref<1x32x384xf32, #tpu.memory_space<vmem>>
        %gather3A_787 = tpu.memref_squeeze %gather3A_786 : memref<1x32x384xf32, #tpu.memory_space<vmem>> -> memref<32x384xf32, #tpu.memory_space<vmem>>
        %gather3A_788 = tpu.vector_load_idx %gather3A_787[%broadcast_in_dim3A_675, %add3A_35] : memref<32x384xf32, #tpu.memory_space<vmem>>[vector<16xi32>, vector<16xi32>], vector<16xf32>,
        %swap3A_789 = arith.constant 0 : i32
        %swap3A_790 = arith.constant 0 : i32
        %swap3A_791 = tpu.memref_slice %arg7[%scan3A_287, %swap3A_789, %swap3A_790] : memref<2x32x384xf32, #tpu.memory_space<vmem>> -> memref<1x32x384xf32, #tpu.memory_space<vmem>>
        %swap3A_792 = tpu.memref_squeeze %swap3A_791 : memref<1x32x384xf32, #tpu.memory_space<vmem>> -> memref<32x384xf32, #tpu.memory_space<vmem>>
        %swap3A_793 = arith.index_cast %add3A_674 : i32 to index
        %swap3A_794 = arith.constant 144 : index
        %swap3A_795 = tpu.vector_load %swap3A_792[%swap3A_793, %swap3A_794] {strides = array<i32>} : memref<32x384xf32, #tpu.memory_space<vmem>>, vector<16xf32>,
        tpu.vector_store %swap3A_792[%swap3A_793, %swap3A_794], %gather3A_788 {strides = array<i32>} : memref<32x384xf32, #tpu.memory_space<vmem>>, vector<16xf32>,
        %gather3A_796 = arith.constant 0 : i32
        %gather3A_797 = arith.constant 0 : i32
        %gather3A_798 = tpu.memref_slice %arg5[%scan3A_286, %gather3A_796, %gather3A_797] : memref<2x32x384xf32, #tpu.memory_space<vmem>> -> memref<1x32x384xf32, #tpu.memory_space<vmem>>
        %gather3A_799 = tpu.memref_squeeze %gather3A_798 : memref<1x32x384xf32, #tpu.memory_space<vmem>> -> memref<32x384xf32, #tpu.memory_space<vmem>>
        %gather3A_800 = tpu.vector_load_idx %gather3A_799[%broadcast_in_dim3A_675, %add3A_38] : memref<32x384xf32, #tpu.memory_space<vmem>>[vector<16xi32>, vector<16xi32>], vector<16xf32>,
        %swap3A_801 = arith.constant 0 : i32
        %swap3A_802 = arith.constant 0 : i32
        %swap3A_803 = tpu.memref_slice %arg7[%scan3A_287, %swap3A_801, %swap3A_802] : memref<2x32x384xf32, #tpu.memory_space<vmem>> -> memref<1x32x384xf32, #tpu.memory_space<vmem>>
        %swap3A_804 = tpu.memref_squeeze %swap3A_803 : memref<1x32x384xf32, #tpu.memory_space<vmem>> -> memref<32x384xf32, #tpu.memory_space<vmem>>
        %swap3A_805 = arith.index_cast %add3A_674 : i32 to index
        %swap3A_806 = arith.constant 160 : index
        %swap3A_807 = tpu.vector_load %swap3A_804[%swap3A_805, %swap3A_806] {strides = array<i32>} : memref<32x384xf32, #tpu.memory_space<vmem>>, vector<16xf32>,
        tpu.vector_store %swap3A_804[%swap3A_805, %swap3A_806], %gather3A_800 {strides = array<i32>} : memref<32x384xf32, #tpu.memory_space<vmem>>, vector<16xf32>,
        %gather3A_808 = arith.constant 0 : i32
        %gather3A_809 = arith.constant 0 : i32
        %gather3A_810 = tpu.memref_slice %arg5[%scan3A_286, %gather3A_808, %gather3A_809] : memref<2x32x384xf32, #tpu.memory_space<vmem>> -> memref<1x32x384xf32, #tpu.memory_space<vmem>>
        %gather3A_811 = tpu.memref_squeeze %gather3A_810 : memref<1x32x384xf32, #tpu.memory_space<vmem>> -> memref<32x384xf32, #tpu.memory_space<vmem>>
        %gather3A_812 = tpu.vector_load_idx %gather3A_811[%broadcast_in_dim3A_675, %add3A_41] : memref<32x384xf32, #tpu.memory_space<vmem>>[vector<16xi32>, vector<16xi32>], vector<16xf32>,
        %swap3A_813 = arith.constant 0 : i32
        %swap3A_814 = arith.constant 0 : i32
        %swap3A_815 = tpu.memref_slice %arg7[%scan3A_287, %swap3A_813, %swap3A_814] : memref<2x32x384xf32, #tpu.memory_space<vmem>> -> memref<1x32x384xf32, #tpu.memory_space<vmem>>
        %swap3A_816 = tpu.memref_squeeze %swap3A_815 : memref<1x32x384xf32, #tpu.memory_space<vmem>> -> memref<32x384xf32, #tpu.memory_space<vmem>>
        %swap3A_817 = arith.index_cast %add3A_674 : i32 to index
        %swap3A_818 = arith.constant 176 : index
        %swap3A_819 = tpu.vector_load %swap3A_816[%swap3A_817, %swap3A_818] {strides = array<i32>} : memref<32x384xf32, #tpu.memory_space<vmem>>, vector<16xf32>,
        tpu.vector_store %swap3A_816[%swap3A_817, %swap3A_818], %gather3A_812 {strides = array<i32>} : memref<32x384xf32, #tpu.memory_space<vmem>>, vector<16xf32>,
        %gather3A_820 = arith.constant 0 : i32
        %gather3A_821 = arith.constant 0 : i32
        %gather3A_822 = tpu.memref_slice %arg6[%scan3A_288, %gather3A_820, %gather3A_821] : memref<2x32x384xf32, #tpu.memory_space<vmem>> -> memref<1x32x384xf32, #tpu.memory_space<vmem>>
        %gather3A_823 = tpu.memref_squeeze %gather3A_822 : memref<1x32x384xf32, #tpu.memory_space<vmem>> -> memref<32x384xf32, #tpu.memory_space<vmem>>
        %gather3A_824 = tpu.vector_load_idx %gather3A_823[%broadcast_in_dim3A_675, %add3A_47] : memref<32x384xf32, #tpu.memory_space<vmem>>[vector<16xi32>, vector<16xi32>], vector<16xf32>,
        %swap3A_825 = arith.constant 0 : i32
        %swap3A_826 = arith.constant 0 : i32
        %swap3A_827 = tpu.memref_slice %arg7[%scan3A_287, %swap3A_825, %swap3A_826] : memref<2x32x384xf32, #tpu.memory_space<vmem>> -> memref<1x32x384xf32, #tpu.memory_space<vmem>>
        %swap3A_828 = tpu.memref_squeeze %swap3A_827 : memref<1x32x384xf32, #tpu.memory_space<vmem>> -> memref<32x384xf32, #tpu.memory_space<vmem>>
        %swap3A_829 = arith.index_cast %add3A_674 : i32 to index
        %swap3A_830 = arith.constant 192 : index
        %swap3A_831 = tpu.vector_load %swap3A_828[%swap3A_829, %swap3A_830] {strides = array<i32>} : memref<32x384xf32, #tpu.memory_space<vmem>>, vector<16xf32>,
        tpu.vector_store %swap3A_828[%swap3A_829, %swap3A_830], %gather3A_824 {strides = array<i32>} : memref<32x384xf32, #tpu.memory_space<vmem>>, vector<16xf32>,
        %gather3A_832 = arith.constant 0 : i32
        %gather3A_833 = arith.constant 0 : i32
        %gather3A_834 = tpu.memref_slice %arg6[%scan3A_288, %gather3A_832, %gather3A_833] : memref<2x32x384xf32, #tpu.memory_space<vmem>> -> memref<1x32x384xf32, #tpu.memory_space<vmem>>
        %gather3A_835 = tpu.memref_squeeze %gather3A_834 : memref<1x32x384xf32, #tpu.memory_space<vmem>> -> memref<32x384xf32, #tpu.memory_space<vmem>>
        %gather3A_836 = tpu.vector_load_idx %gather3A_835[%broadcast_in_dim3A_675, %add3A_53] : memref<32x384xf32, #tpu.memory_space<vmem>>[vector<16xi32>, vector<16xi32>], vector<16xf32>,
        %swap3A_837 = arith.constant 0 : i32
        %swap3A_838 = arith.constant 0 : i32
        %swap3A_839 = tpu.memref_slice %arg7[%scan3A_287, %swap3A_837, %swap3A_838] : memref<2x32x384xf32, #tpu.memory_space<vmem>> -> memref<1x32x384xf32, #tpu.memory_space<vmem>>
        %swap3A_840 = tpu.memref_squeeze %swap3A_839 : memref<1x32x384xf32, #tpu.memory_space<vmem>> -> memref<32x384xf32, #tpu.memory_space<vmem>>
        %swap3A_841 = arith.index_cast %add3A_674 : i32 to index
        %swap3A_842 = arith.constant 208 : index
        %swap3A_843 = tpu.vector_load %swap3A_840[%swap3A_841, %swap3A_842] {strides = array<i32>} : memref<32x384xf32, #tpu.memory_space<vmem>>, vector<16xf32>,
        tpu.vector_store %swap3A_840[%swap3A_841, %swap3A_842], %gather3A_836 {strides = array<i32>} : memref<32x384xf32, #tpu.memory_space<vmem>>, vector<16xf32>,
        %gather3A_844 = arith.constant 0 : i32
        %gather3A_845 = arith.constant 0 : i32
        %gather3A_846 = tpu.memref_slice %arg6[%scan3A_288, %gather3A_844, %gather3A_845] : memref<2x32x384xf32, #tpu.memory_space<vmem>> -> memref<1x32x384xf32, #tpu.memory_space<vmem>>
        %gather3A_847 = tpu.memref_squeeze %gather3A_846 : memref<1x32x384xf32, #tpu.memory_space<vmem>> -> memref<32x384xf32, #tpu.memory_space<vmem>>
        %gather3A_848 = tpu.vector_load_idx %gather3A_847[%broadcast_in_dim3A_675, %add3A_59] : memref<32x384xf32, #tpu.memory_space<vmem>>[vector<16xi32>, vector<16xi32>], vector<16xf32>,
        %swap3A_849 = arith.constant 0 : i32
        %swap3A_850 = arith.constant 0 : i32
        %swap3A_851 = tpu.memref_slice %arg7[%scan3A_287, %swap3A_849, %swap3A_850] : memref<2x32x384xf32, #tpu.memory_space<vmem>> -> memref<1x32x384xf32, #tpu.memory_space<vmem>>
        %swap3A_852 = tpu.memref_squeeze %swap3A_851 : memref<1x32x384xf32, #tpu.memory_space<vmem>> -> memref<32x384xf32, #tpu.memory_space<vmem>>
        %swap3A_853 = arith.index_cast %add3A_674 : i32 to index
        %swap3A_854 = arith.constant 224 : index
        %swap3A_855 = tpu.vector_load %swap3A_852[%swap3A_853, %swap3A_854] {strides = array<i32>} : memref<32x384xf32, #tpu.memory_space<vmem>>, vector<16xf32>,
        tpu.vector_store %swap3A_852[%swap3A_853, %swap3A_854], %gather3A_848 {strides = array<i32>} : memref<32x384xf32, #tpu.memory_space<vmem>>, vector<16xf32>,
        %gather3A_856 = arith.constant 0 : i32
        %gather3A_857 = arith.constant 0 : i32
        %gather3A_858 = tpu.memref_slice %arg6[%scan3A_288, %gather3A_856, %gather3A_857] : memref<2x32x384xf32, #tpu.memory_space<vmem>> -> memref<1x32x384xf32, #tpu.memory_space<vmem>>
        %gather3A_859 = tpu.memref_squeeze %gather3A_858 : memref<1x32x384xf32, #tpu.memory_space<vmem>> -> memref<32x384xf32, #tpu.memory_space<vmem>>
        %gather3A_860 = tpu.vector_load_idx %gather3A_859[%broadcast_in_dim3A_675, %add3A_65] : memref<32x384xf32, #tpu.memory_space<vmem>>[vector<16xi32>, vector<16xi32>], vector<16xf32>,
        %swap3A_861 = arith.constant 0 : i32
        %swap3A_862 = arith.constant 0 : i32
        %swap3A_863 = tpu.memref_slice %arg7[%scan3A_287, %swap3A_861, %swap3A_862] : memref<2x32x384xf32, #tpu.memory_space<vmem>> -> memref<1x32x384xf32, #tpu.memory_space<vmem>>
        %swap3A_864 = tpu.memref_squeeze %swap3A_863 : memref<1x32x384xf32, #tpu.memory_space<vmem>> -> memref<32x384xf32, #tpu.memory_space<vmem>>
        %swap3A_865 = arith.index_cast %add3A_674 : i32 to index
        %swap3A_866 = arith.constant 240 : index
        %swap3A_867 = tpu.vector_load %swap3A_864[%swap3A_865, %swap3A_866] {strides = array<i32>} : memref<32x384xf32, #tpu.memory_space<vmem>>, vector<16xf32>,
        tpu.vector_store %swap3A_864[%swap3A_865, %swap3A_866], %gather3A_860 {strides = array<i32>} : memref<32x384xf32, #tpu.memory_space<vmem>>, vector<16xf32>,
        %gather3A_868 = arith.constant 0 : i32
        %gather3A_869 = arith.constant 0 : i32
        %gather3A_870 = tpu.memref_slice %arg6[%scan3A_288, %gather3A_868, %gather3A_869] : memref<2x32x384xf32, #tpu.memory_space<vmem>> -> memref<1x32x384xf32, #tpu.memory_space<vmem>>
        %gather3A_871 = tpu.memref_squeeze %gather3A_870 : memref<1x32x384xf32, #tpu.memory_space<vmem>> -> memref<32x384xf32, #tpu.memory_space<vmem>>
        %gather3A_872 = tpu.vector_load_idx %gather3A_871[%broadcast_in_dim3A_675, %add3A_71] : memref<32x384xf32, #tpu.memory_space<vmem>>[vector<16xi32>, vector<16xi32>], vector<16xf32>,
        %swap3A_873 = arith.constant 0 : i32
        %swap3A_874 = arith.constant 0 : i32
        %swap3A_875 = tpu.memref_slice %arg7[%scan3A_287, %swap3A_873, %swap3A_874] : memref<2x32x384xf32, #tpu.memory_space<vmem>> -> memref<1x32x384xf32, #tpu.memory_space<vmem>>
        %swap3A_876 = tpu.memref_squeeze %swap3A_875 : memref<1x32x384xf32, #tpu.memory_space<vmem>> -> memref<32x384xf32, #tpu.memory_space<vmem>>
        %swap3A_877 = arith.index_cast %add3A_674 : i32 to index
        %swap3A_878 = arith.constant 256 : index
        %swap3A_879 = tpu.vector_load %swap3A_876[%swap3A_877, %swap3A_878] {strides = array<i32>} : memref<32x384xf32, #tpu.memory_space<vmem>>, vector<16xf32>,
        tpu.vector_store %swap3A_876[%swap3A_877, %swap3A_878], %gather3A_872 {strides = array<i32>} : memref<32x384xf32, #tpu.memory_space<vmem>>, vector<16xf32>,
        %gather3A_880 = arith.constant 0 : i32
        %gather3A_881 = arith.constant 0 : i32
        %gather3A_882 = tpu.memref_slice %arg6[%scan3A_288, %gather3A_880, %gather3A_881] : memref<2x32x384xf32, #tpu.memory_space<vmem>> -> memref<1x32x384xf32, #tpu.memory_space<vmem>>
        %gather3A_883 = tpu.memref_squeeze %gather3A_882 : memref<1x32x384xf32, #tpu.memory_space<vmem>> -> memref<32x384xf32, #tpu.memory_space<vmem>>
        %gather3A_884 = tpu.vector_load_idx %gather3A_883[%broadcast_in_dim3A_675, %add3A_77] : memref<32x384xf32, #tpu.memory_space<vmem>>[vector<16xi32>, vector<16xi32>], vector<16xf32>,
        %swap3A_885 = arith.constant 0 : i32
        %swap3A_886 = arith.constant 0 : i32
        %swap3A_887 = tpu.memref_slice %arg7[%scan3A_287, %swap3A_885, %swap3A_886] : memref<2x32x384xf32, #tpu.memory_space<vmem>> -> memref<1x32x384xf32, #tpu.memory_space<vmem>>
        %swap3A_888 = tpu.memref_squeeze %swap3A_887 : memref<1x32x384xf32, #tpu.memory_space<vmem>> -> memref<32x384xf32, #tpu.memory_space<vmem>>
        %swap3A_889 = arith.index_cast %add3A_674 : i32 to index
        %swap3A_890 = arith.constant 272 : index
        %swap3A_891 = tpu.vector_load %swap3A_888[%swap3A_889, %swap3A_890] {strides = array<i32>} : memref<32x384xf32, #tpu.memory_space<vmem>>, vector<16xf32>,
        tpu.vector_store %swap3A_888[%swap3A_889, %swap3A_890], %gather3A_884 {strides = array<i32>} : memref<32x384xf32, #tpu.memory_space<vmem>>, vector<16xf32>,
        %gather3A_892 = arith.constant 0 : i32
        %gather3A_893 = arith.constant 0 : i32
        %gather3A_894 = tpu.memref_slice %arg6[%scan3A_288, %gather3A_892, %gather3A_893] : memref<2x32x384xf32, #tpu.memory_space<vmem>> -> memref<1x32x384xf32, #tpu.memory_space<vmem>>
        %gather3A_895 = tpu.memref_squeeze %gather3A_894 : memref<1x32x384xf32, #tpu.memory_space<vmem>> -> memref<32x384xf32, #tpu.memory_space<vmem>>
        %gather3A_896 = tpu.vector_load_idx %gather3A_895[%broadcast_in_dim3A_675, %add3A_83] : memref<32x384xf32, #tpu.memory_space<vmem>>[vector<16xi32>, vector<16xi32>], vector<16xf32>,
        %swap3A_897 = arith.constant 0 : i32
        %swap3A_898 = arith.constant 0 : i32
        %swap3A_899 = tpu.memref_slice %arg7[%scan3A_287, %swap3A_897, %swap3A_898] : memref<2x32x384xf32, #tpu.memory_space<vmem>> -> memref<1x32x384xf32, #tpu.memory_space<vmem>>
        %swap3A_900 = tpu.memref_squeeze %swap3A_899 : memref<1x32x384xf32, #tpu.memory_space<vmem>> -> memref<32x384xf32, #tpu.memory_space<vmem>>
        %swap3A_901 = arith.index_cast %add3A_674 : i32 to index
        %swap3A_902 = arith.constant 288 : index
        %swap3A_903 = tpu.vector_load %swap3A_900[%swap3A_901, %swap3A_902] {strides = array<i32>} : memref<32x384xf32, #tpu.memory_space<vmem>>, vector<16xf32>,
        tpu.vector_store %swap3A_900[%swap3A_901, %swap3A_902], %gather3A_896 {strides = array<i32>} : memref<32x384xf32, #tpu.memory_space<vmem>>, vector<16xf32>,
        %gather3A_904 = arith.constant 0 : i32
        %gather3A_905 = arith.constant 0 : i32
        %gather3A_906 = tpu.memref_slice %arg6[%scan3A_288, %gather3A_904, %gather3A_905] : memref<2x32x384xf32, #tpu.memory_space<vmem>> -> memref<1x32x384xf32, #tpu.memory_space<vmem>>
        %gather3A_907 = tpu.memref_squeeze %gather3A_906 : memref<1x32x384xf32, #tpu.memory_space<vmem>> -> memref<32x384xf32, #tpu.memory_space<vmem>>
        %gather3A_908 = tpu.vector_load_idx %gather3A_907[%broadcast_in_dim3A_675, %add3A_89] : memref<32x384xf32, #tpu.memory_space<vmem>>[vector<16xi32>, vector<16xi32>], vector<16xf32>,
        %swap3A_909 = arith.constant 0 : i32
        %swap3A_910 = arith.constant 0 : i32
        %swap3A_911 = tpu.memref_slice %arg7[%scan3A_287, %swap3A_909, %swap3A_910] : memref<2x32x384xf32, #tpu.memory_space<vmem>> -> memref<1x32x384xf32, #tpu.memory_space<vmem>>
        %swap3A_912 = tpu.memref_squeeze %swap3A_911 : memref<1x32x384xf32, #tpu.memory_space<vmem>> -> memref<32x384xf32, #tpu.memory_space<vmem>>
        %swap3A_913 = arith.index_cast %add3A_674 : i32 to index
        %swap3A_914 = arith.constant 304 : index
        %swap3A_915 = tpu.vector_load %swap3A_912[%swap3A_913, %swap3A_914] {strides = array<i32>} : memref<32x384xf32, #tpu.memory_space<vmem>>, vector<16xf32>,
        tpu.vector_store %swap3A_912[%swap3A_913, %swap3A_914], %gather3A_908 {strides = array<i32>} : memref<32x384xf32, #tpu.memory_space<vmem>>, vector<16xf32>,
        %gather3A_916 = arith.constant 0 : i32
        %gather3A_917 = arith.constant 0 : i32
        %gather3A_918 = tpu.memref_slice %arg6[%scan3A_288, %gather3A_916, %gather3A_917] : memref<2x32x384xf32, #tpu.memory_space<vmem>> -> memref<1x32x384xf32, #tpu.memory_space<vmem>>
        %gather3A_919 = tpu.memref_squeeze %gather3A_918 : memref<1x32x384xf32, #tpu.memory_space<vmem>> -> memref<32x384xf32, #tpu.memory_space<vmem>>
        %gather3A_920 = tpu.vector_load_idx %gather3A_919[%broadcast_in_dim3A_675, %add3A_95] : memref<32x384xf32, #tpu.memory_space<vmem>>[vector<16xi32>, vector<16xi32>], vector<16xf32>,
        %swap3A_921 = arith.constant 0 : i32
        %swap3A_922 = arith.constant 0 : i32
        %swap3A_923 = tpu.memref_slice %arg7[%scan3A_287, %swap3A_921, %swap3A_922] : memref<2x32x384xf32, #tpu.memory_space<vmem>> -> memref<1x32x384xf32, #tpu.memory_space<vmem>>
        %swap3A_924 = tpu.memref_squeeze %swap3A_923 : memref<1x32x384xf32, #tpu.memory_space<vmem>> -> memref<32x384xf32, #tpu.memory_space<vmem>>
        %swap3A_925 = arith.index_cast %add3A_674 : i32 to index
        %swap3A_926 = arith.constant 320 : index
        %swap3A_927 = tpu.vector_load %swap3A_924[%swap3A_925, %swap3A_926] {strides = array<i32>} : memref<32x384xf32, #tpu.memory_space<vmem>>, vector<16xf32>,
        tpu.vector_store %swap3A_924[%swap3A_925, %swap3A_926], %gather3A_920 {strides = array<i32>} : memref<32x384xf32, #tpu.memory_space<vmem>>, vector<16xf32>,
        %gather3A_928 = arith.constant 0 : i32
        %gather3A_929 = arith.constant 0 : i32
        %gather3A_930 = tpu.memref_slice %arg6[%scan3A_288, %gather3A_928, %gather3A_929] : memref<2x32x384xf32, #tpu.memory_space<vmem>> -> memref<1x32x384xf32, #tpu.memory_space<vmem>>
        %gather3A_931 = tpu.memref_squeeze %gather3A_930 : memref<1x32x384xf32, #tpu.memory_space<vmem>> -> memref<32x384xf32, #tpu.memory_space<vmem>>
        %gather3A_932 = tpu.vector_load_idx %gather3A_931[%broadcast_in_dim3A_675, %add3A_101] : memref<32x384xf32, #tpu.memory_space<vmem>>[vector<16xi32>, vector<16xi32>], vector<16xf32>,
        %swap3A_933 = arith.constant 0 : i32
        %swap3A_934 = arith.constant 0 : i32
        %swap3A_935 = tpu.memref_slice %arg7[%scan3A_287, %swap3A_933, %swap3A_934] : memref<2x32x384xf32, #tpu.memory_space<vmem>> -> memref<1x32x384xf32, #tpu.memory_space<vmem>>
        %swap3A_936 = tpu.memref_squeeze %swap3A_935 : memref<1x32x384xf32, #tpu.memory_space<vmem>> -> memref<32x384xf32, #tpu.memory_space<vmem>>
        %swap3A_937 = arith.index_cast %add3A_674 : i32 to index
        %swap3A_938 = arith.constant 336 : index
        %swap3A_939 = tpu.vector_load %swap3A_936[%swap3A_937, %swap3A_938] {strides = array<i32>} : memref<32x384xf32, #tpu.memory_space<vmem>>, vector<16xf32>,
        tpu.vector_store %swap3A_936[%swap3A_937, %swap3A_938], %gather3A_932 {strides = array<i32>} : memref<32x384xf32, #tpu.memory_space<vmem>>, vector<16xf32>,
        %gather3A_940 = arith.constant 0 : i32
        %gather3A_941 = arith.constant 0 : i32
        %gather3A_942 = tpu.memref_slice %arg6[%scan3A_288, %gather3A_940, %gather3A_941] : memref<2x32x384xf32, #tpu.memory_space<vmem>> -> memref<1x32x384xf32, #tpu.memory_space<vmem>>
        %gather3A_943 = tpu.memref_squeeze %gather3A_942 : memref<1x32x384xf32, #tpu.memory_space<vmem>> -> memref<32x384xf32, #tpu.memory_space<vmem>>
        %gather3A_944 = tpu.vector_load_idx %gather3A_943[%broadcast_in_dim3A_675, %add3A_107] : memref<32x384xf32, #tpu.memory_space<vmem>>[vector<16xi32>, vector<16xi32>], vector<16xf32>,
        %swap3A_945 = arith.constant 0 : i32
        %swap3A_946 = arith.constant 0 : i32
        %swap3A_947 = tpu.memref_slice %arg7[%scan3A_287, %swap3A_945, %swap3A_946] : memref<2x32x384xf32, #tpu.memory_space<vmem>> -> memref<1x32x384xf32, #tpu.memory_space<vmem>>
        %swap3A_948 = tpu.memref_squeeze %swap3A_947 : memref<1x32x384xf32, #tpu.memory_space<vmem>> -> memref<32x384xf32, #tpu.memory_space<vmem>>
        %swap3A_949 = arith.index_cast %add3A_674 : i32 to index
        %swap3A_950 = arith.constant 352 : index
        %swap3A_951 = tpu.vector_load %swap3A_948[%swap3A_949, %swap3A_950] {strides = array<i32>} : memref<32x384xf32, #tpu.memory_space<vmem>>, vector<16xf32>,
        tpu.vector_store %swap3A_948[%swap3A_949, %swap3A_950], %gather3A_944 {strides = array<i32>} : memref<32x384xf32, #tpu.memory_space<vmem>>, vector<16xf32>,
        %gather3A_952 = arith.constant 0 : i32
        %gather3A_953 = arith.constant 0 : i32
        %gather3A_954 = tpu.memref_slice %arg6[%scan3A_288, %gather3A_952, %gather3A_953] : memref<2x32x384xf32, #tpu.memory_space<vmem>> -> memref<1x32x384xf32, #tpu.memory_space<vmem>>
        %gather3A_955 = tpu.memref_squeeze %gather3A_954 : memref<1x32x384xf32, #tpu.memory_space<vmem>> -> memref<32x384xf32, #tpu.memory_space<vmem>>
        %gather3A_956 = tpu.vector_load_idx %gather3A_955[%broadcast_in_dim3A_675, %add3A_113] : memref<32x384xf32, #tpu.memory_space<vmem>>[vector<16xi32>, vector<16xi32>], vector<16xf32>,
        %swap3A_957 = arith.constant 0 : i32
        %swap3A_958 = arith.constant 0 : i32
        %swap3A_959 = tpu.memref_slice %arg7[%scan3A_287, %swap3A_957, %swap3A_958] : memref<2x32x384xf32, #tpu.memory_space<vmem>> -> memref<1x32x384xf32, #tpu.memory_space<vmem>>
        %swap3A_960 = tpu.memref_squeeze %swap3A_959 : memref<1x32x384xf32, #tpu.memory_space<vmem>> -> memref<32x384xf32, #tpu.memory_space<vmem>>
        %swap3A_961 = arith.index_cast %add3A_674 : i32 to index
        %swap3A_962 = arith.constant 368 : index
        %swap3A_963 = tpu.vector_load %swap3A_960[%swap3A_961, %swap3A_962] {strides = array<i32>} : memref<32x384xf32, #tpu.memory_space<vmem>>, vector<16xf32>,
        tpu.vector_store %swap3A_960[%swap3A_961, %swap3A_962], %gather3A_956 {strides = array<i32>} : memref<32x384xf32, #tpu.memory_space<vmem>>, vector<16xf32>,
      }
      %scan3A_293 = arith.constant 16 : i32
      %mul3A_294 = arith.constant 32 : i32
      %mul3A_295 = arith.muli %add3A_246, %mul3A_294 : i32
      %add3A_296 = arith.addi %mul3A_2, %mul3A_295 : i32
      %dma_start3A_297 = arith.constant 0 : i32
      %dma_start3A_298 = arith.constant 0 : i32
      %dma_start3A_299 = arith.constant 0 : i32
      %dma_start3A_300 = tpu.memref_slice %arg7[%dma_start3A_297, %dma_start3A_298, %dma_start3A_299] : memref<2x32x384xf32, #tpu.memory_space<vmem>> -> memref<1x32x384xf32, #tpu.memory_space<vmem>>
      %dma_start3A_301 = tpu.memref_squeeze %dma_start3A_300 : memref<1x32x384xf32, #tpu.memory_space<vmem>> -> memref<32x384xf32, #tpu.memory_space<vmem>>
      %dma_start3A_302 = arith.constant 0 : i32
      %dma_start3A_303 = tpu.memref_slice %arg4[%add3A_296, %dma_start3A_302] : memref<50176x384xf32, #tpu.memory_space<hbm>> -> memref<32x384xf32, #tpu.memory_space<hbm>>
      %dma_start3A_304 = arith.constant 0 : i32
      %dma_start3A_305 = tpu.memref_slice %arg4[%add3A_296, %dma_start3A_304] : memref<50176x384xf32, #tpu.memory_space<hbm>> -> memref<32x384xf32, #tpu.memory_space<hbm>>
      %dma_start3A_306 = arith.constant 0 : i32
      %dma_start3A_307 = arith.constant 0 : i32
      %dma_start3A_308 = tpu.memref_slice %arg7[%dma_start3A_297, %dma_start3A_306, %dma_start3A_307] : memref<2x32x384xf32, #tpu.memory_space<vmem>> -> memref<1x32x384xf32, #tpu.memory_space<vmem>>
      %dma_start3A_309 = tpu.memref_squeeze %dma_start3A_308 : memref<1x32x384xf32, #tpu.memory_space<vmem>> -> memref<32x384xf32, #tpu.memory_space<vmem>>
      tpu.enqueue_dma source(%dma_start3A_309 : memref<32x384xf32, #tpu.memory_space<vmem>>) target(%dma_start3A_305 : memref<32x384xf32, #tpu.memory_space<hbm>>) target_semaphore(%arg12 : memref<!tpu.dma_semaphore, #tpu.memory_space<semaphore_mem>>)
      %add3A_310 = arith.constant 1 : i32
      %add3A_311 = arith.addi %mul3A_244, %add3A_310 : i32
      %mul3A_312 = arith.constant 32 : i32
      %mul3A_313 = arith.muli %add3A_311, %mul3A_312 : i32
      %add3A_314 = arith.addi %mul3A_2, %mul3A_313 : i32
      %dma_wait3A_315 = arith.constant 1 : i32
      %dma_wait3A_316 = arith.constant 0 : i32
      %dma_wait3A_317 = arith.constant 0 : i32
      %dma_wait3A_318 = tpu.memref_slice %arg5[%dma_wait3A_315, %dma_wait3A_316, %dma_wait3A_317] : memref<2x32x384xf32, #tpu.memory_space<vmem>> -> memref<1x32x384xf32, #tpu.memory_space<vmem>>
      %dma_wait3A_319 = tpu.memref_squeeze %dma_wait3A_318 : memref<1x32x384xf32, #tpu.memory_space<vmem>> -> memref<32x384xf32, #tpu.memory_space<vmem>>
      %dma_wait3A_320 = arith.constant 0 : i32
      %dma_wait3A_321 = tpu.memref_slice %arg2[%add3A_314, %dma_wait3A_320] : memref<50176x384xf32, #tpu.memory_space<hbm>> -> memref<32x384xf32, #tpu.memory_space<hbm>>
      %dma_wait3A_322 = arith.constant 0 : i32
      %dma_wait3A_323 = arith.constant 0 : i32
      %dma_wait3A_324 = tpu.memref_slice %arg5[%dma_wait3A_315, %dma_wait3A_322, %dma_wait3A_323] : memref<2x32x384xf32, #tpu.memory_space<vmem>> -> memref<1x32x384xf32, #tpu.memory_space<vmem>>
      %dma_wait3A_325 = tpu.memref_squeeze %dma_wait3A_324 : memref<1x32x384xf32, #tpu.memory_space<vmem>> -> memref<32x384xf32, #tpu.memory_space<vmem>>
      %dma_wait3A_326 = arith.constant 0 : i32
      %dma_wait3A_327 = tpu.memref_slice %arg2[%add3A_314, %dma_wait3A_326] : memref<50176x384xf32, #tpu.memory_space<hbm>> -> memref<32x384xf32, #tpu.memory_space<hbm>>
      tpu.wait_dma2 semaphore(%arg9 : memref<!tpu.dma_semaphore, #tpu.memory_space<semaphore_mem>>) src(%dma_wait3A_327 : memref<32x384xf32, #tpu.memory_space<hbm>>) dst(%dma_wait3A_325 : memref<32x384xf32, #tpu.memory_space<vmem>>)
      %dma_wait3A_328 = arith.constant 1 : i32
      %dma_wait3A_329 = arith.constant 0 : i32
      %dma_wait3A_330 = arith.constant 0 : i32
      %dma_wait3A_331 = tpu.memref_slice %arg6[%dma_wait3A_328, %dma_wait3A_329, %dma_wait3A_330] : memref<2x32x384xf32, #tpu.memory_space<vmem>> -> memref<1x32x384xf32, #tpu.memory_space<vmem>>
      %dma_wait3A_332 = tpu.memref_squeeze %dma_wait3A_331 : memref<1x32x384xf32, #tpu.memory_space<vmem>> -> memref<32x384xf32, #tpu.memory_space<vmem>>
      %dma_wait3A_333 = arith.constant 0 : i32
      %dma_wait3A_334 = tpu.memref_slice %arg3[%add3A_314, %dma_wait3A_333] : memref<50176x384xf32, #tpu.memory_space<hbm>> -> memref<32x384xf32, #tpu.memory_space<hbm>>
      %dma_wait3A_335 = arith.constant 0 : i32
      %dma_wait3A_336 = arith.constant 0 : i32
      %dma_wait3A_337 = tpu.memref_slice %arg6[%dma_wait3A_328, %dma_wait3A_335, %dma_wait3A_336] : memref<2x32x384xf32, #tpu.memory_space<vmem>> -> memref<1x32x384xf32, #tpu.memory_space<vmem>>
      %dma_wait3A_338 = tpu.memref_squeeze %dma_wait3A_337 : memref<1x32x384xf32, #tpu.memory_space<vmem>> -> memref<32x384xf32, #tpu.memory_space<vmem>>
      %dma_wait3A_339 = arith.constant 0 : i32
      %dma_wait3A_340 = tpu.memref_slice %arg3[%add3A_314, %dma_wait3A_339] : memref<50176x384xf32, #tpu.memory_space<hbm>> -> memref<32x384xf32, #tpu.memory_space<hbm>>
      tpu.wait_dma2 semaphore(%arg11 : memref<!tpu.dma_semaphore, #tpu.memory_space<semaphore_mem>>) src(%dma_wait3A_340 : memref<32x384xf32, #tpu.memory_space<hbm>>) dst(%dma_wait3A_338 : memref<32x384xf32, #tpu.memory_space<vmem>>)
      %add3A_341 = arith.constant 2 : i32
      %add3A_342 = arith.addi %add3A_311, %add3A_341 : i32
      %sub3A_343 = arith.constant 1 : i32
      %sub3A_344 = arith.subi %add3A_342, %sub3A_343 : i32
      %lt3A_345 = arith.constant 49 : i32
      %lt3A_346 = arith.cmpi slt, %sub3A_344, %lt3A_345 : i32
      %convert_element_type3A_347 = arith.extui %lt3A_346 : i1 to i32
      %cond3A_348 = arith.constant 0 : i32
      %cond3A_349 = arith.cmpi ne, %convert_element_type3A_347, %cond3A_348 : i32
      scf.if %cond3A_349 {
        %mul3A_380 = arith.constant 32 : i32
        %mul3A_381 = arith.muli %sub3A_344, %mul3A_380 : i32
        %add3A_382 = arith.addi %mul3A_2, %mul3A_381 : i32
        %dma_start3A_383 = arith.constant 0 : i32
        %dma_start3A_384 = arith.constant 0 : i32
        %dma_start3A_385 = arith.constant 0 : i32
        %dma_start3A_386 = tpu.memref_slice %arg5[%dma_start3A_383, %dma_start3A_384, %dma_start3A_385] : memref<2x32x384xf32, #tpu.memory_space<vmem>> -> memref<1x32x384xf32, #tpu.memory_space<vmem>>
        %dma_start3A_387 = tpu.memref_squeeze %dma_start3A_386 : memref<1x32x384xf32, #tpu.memory_space<vmem>> -> memref<32x384xf32, #tpu.memory_space<vmem>>
        %dma_start3A_388 = arith.constant 0 : i32
        %dma_start3A_389 = tpu.memref_slice %arg2[%add3A_382, %dma_start3A_388] : memref<50176x384xf32, #tpu.memory_space<hbm>> -> memref<32x384xf32, #tpu.memory_space<hbm>>
        %dma_start3A_390 = arith.constant 0 : i32
        %dma_start3A_391 = arith.constant 0 : i32
        %dma_start3A_392 = tpu.memref_slice %arg5[%dma_start3A_383, %dma_start3A_390, %dma_start3A_391] : memref<2x32x384xf32, #tpu.memory_space<vmem>> -> memref<1x32x384xf32, #tpu.memory_space<vmem>>
        %dma_start3A_393 = tpu.memref_squeeze %dma_start3A_392 : memref<1x32x384xf32, #tpu.memory_space<vmem>> -> memref<32x384xf32, #tpu.memory_space<vmem>>
        %dma_start3A_394 = arith.constant 0 : i32
        %dma_start3A_395 = tpu.memref_slice %arg2[%add3A_382, %dma_start3A_394] : memref<50176x384xf32, #tpu.memory_space<hbm>> -> memref<32x384xf32, #tpu.memory_space<hbm>>
        tpu.enqueue_dma source(%dma_start3A_395 : memref<32x384xf32, #tpu.memory_space<hbm>>) target(%dma_start3A_393 : memref<32x384xf32, #tpu.memory_space<vmem>>) target_semaphore(%arg8 : memref<!tpu.dma_semaphore, #tpu.memory_space<semaphore_mem>>)
        %dma_start3A_396 = arith.constant 0 : i32
        %dma_start3A_397 = arith.constant 0 : i32
        %dma_start3A_398 = arith.constant 0 : i32
        %dma_start3A_399 = tpu.memref_slice %arg6[%dma_start3A_396, %dma_start3A_397, %dma_start3A_398] : memref<2x32x384xf32, #tpu.memory_space<vmem>> -> memref<1x32x384xf32, #tpu.memory_space<vmem>>
        %dma_start3A_400 = tpu.memref_squeeze %dma_start3A_399 : memref<1x32x384xf32, #tpu.memory_space<vmem>> -> memref<32x384xf32, #tpu.memory_space<vmem>>
        %dma_start3A_401 = arith.constant 0 : i32
        %dma_start3A_402 = tpu.memref_slice %arg3[%add3A_382, %dma_start3A_401] : memref<50176x384xf32, #tpu.memory_space<hbm>> -> memref<32x384xf32, #tpu.memory_space<hbm>>
        %dma_start3A_403 = arith.constant 0 : i32
        %dma_start3A_404 = arith.constant 0 : i32
        %dma_start3A_405 = tpu.memref_slice %arg6[%dma_start3A_396, %dma_start3A_403, %dma_start3A_404] : memref<2x32x384xf32, #tpu.memory_space<vmem>> -> memref<1x32x384xf32, #tpu.memory_space<vmem>>
        %dma_start3A_406 = tpu.memref_squeeze %dma_start3A_405 : memref<1x32x384xf32, #tpu.memory_space<vmem>> -> memref<32x384xf32, #tpu.memory_space<vmem>>
        %dma_start3A_407 = arith.constant 0 : i32
        %dma_start3A_408 = tpu.memref_slice %arg3[%add3A_382, %dma_start3A_407] : memref<50176x384xf32, #tpu.memory_space<hbm>> -> memref<32x384xf32, #tpu.memory_space<hbm>>
        tpu.enqueue_dma source(%dma_start3A_408 : memref<32x384xf32, #tpu.memory_space<hbm>>) target(%dma_start3A_406 : memref<32x384xf32, #tpu.memory_space<vmem>>) target_semaphore(%arg10 : memref<!tpu.dma_semaphore, #tpu.memory_space<semaphore_mem>>)
      } else {
      }
      %gt3A_350 = arith.constant 0 : i32
      %gt3A_351 = arith.cmpi sgt, %scan3A_242, %gt3A_350 : i32
      %convert_element_type3A_352 = arith.extui %gt3A_351 : i1 to i32
      %cond3A_353 = arith.constant 0 : i32
      %cond3A_354 = arith.cmpi ne, %convert_element_type3A_352, %cond3A_353 : i32
      scf.if %cond3A_354 {
        %sub3A_380 = arith.constant 2 : i32
        %sub3A_381 = arith.subi %add3A_311, %sub3A_380 : i32
        %mul3A_382 = arith.constant 32 : i32
        %mul3A_383 = arith.muli %sub3A_381, %mul3A_382 : i32
        %add3A_384 = arith.addi %mul3A_2, %mul3A_383 : i32
        %dma_wait3A_385 = arith.constant 1 : i32
        %dma_wait3A_386 = arith.constant 0 : i32
        %dma_wait3A_387 = arith.constant 0 : i32
        %dma_wait3A_388 = tpu.memref_slice %arg7[%dma_wait3A_385, %dma_wait3A_386, %dma_wait3A_387] : memref<2x32x384xf32, #tpu.memory_space<vmem>> -> memref<1x32x384xf32, #tpu.memory_space<vmem>>
        %dma_wait3A_389 = tpu.memref_squeeze %dma_wait3A_388 : memref<1x32x384xf32, #tpu.memory_space<vmem>> -> memref<32x384xf32, #tpu.memory_space<vmem>>
        %dma_wait3A_390 = arith.constant 0 : i32
        %dma_wait3A_391 = tpu.memref_slice %arg4[%add3A_384, %dma_wait3A_390] : memref<50176x384xf32, #tpu.memory_space<hbm>> -> memref<32x384xf32, #tpu.memory_space<hbm>>
        %dma_wait3A_392 = arith.constant 0 : i32
        %dma_wait3A_393 = tpu.memref_slice %arg4[%add3A_384, %dma_wait3A_392] : memref<50176x384xf32, #tpu.memory_space<hbm>> -> memref<32x384xf32, #tpu.memory_space<hbm>>
        %dma_wait3A_394 = arith.constant 0 : i32
        %dma_wait3A_395 = arith.constant 0 : i32
        %dma_wait3A_396 = tpu.memref_slice %arg7[%dma_wait3A_385, %dma_wait3A_394, %dma_wait3A_395] : memref<2x32x384xf32, #tpu.memory_space<vmem>> -> memref<1x32x384xf32, #tpu.memory_space<vmem>>
        %dma_wait3A_397 = tpu.memref_squeeze %dma_wait3A_396 : memref<1x32x384xf32, #tpu.memory_space<vmem>> -> memref<32x384xf32, #tpu.memory_space<vmem>>
        tpu.wait_dma2 semaphore(%arg13 : memref<!tpu.dma_semaphore, #tpu.memory_space<semaphore_mem>>) src(%dma_wait3A_397 : memref<32x384xf32, #tpu.memory_space<vmem>>) dst(%dma_wait3A_393 : memref<32x384xf32, #tpu.memory_space<hbm>>)
      } else {
      }
      %scan3A_355 = arith.constant 0 : i32
      %scan3A_356 = arith.constant 1 : i32
      %scan3A_357 = arith.constant 1 : i32
      %scan3A_358 = arith.constant 1 : i32
      %scan3A_359 = arith.constant 0 : i32
      %scan3A_360 = arith.constant 16 : i32
      %scan3A_361 = arith.addi %scan3A_359, %scan3A_360 : i32
      %scan3A_362 = arith.constant 1 : i32
      scf.for %scan3A_380 = %scan3A_359 to %scan3A_361 step %scan3A_362  : i32 {
        %mul3A_381 = arith.constant 2 : i32
        %mul3A_382 = arith.muli %mul3A_381, %scan3A_380 : i32
        %add3A_383 = arith.constant 0 : i32
        %add3A_384 = arith.addi %mul3A_382, %add3A_383 : i32
        %broadcast_in_dim3A = vector.broadcast %add3A_384 : i32 to vector<16xi32>
        %gather3A = arith.constant 0 : i32
        %gather3A_385 = arith.constant 0 : i32
        %gather3A_386 = tpu.memref_slice %arg5[%scan3A_356, %gather3A, %gather3A_385] : memref<2x32x384xf32, #tpu.memory_space<vmem>> -> memref<1x32x384xf32, #tpu.memory_space<vmem>>
        %gather3A_387 = tpu.memref_squeeze %gather3A_386 : memref<1x32x384xf32, #tpu.memory_space<vmem>> -> memref<32x384xf32, #tpu.memory_space<vmem>>
        %gather3A_388 = tpu.vector_load_idx %gather3A_387[%broadcast_in_dim3A, %add3A_8] : memref<32x384xf32, #tpu.memory_space<vmem>>[vector<16xi32>, vector<16xi32>], vector<16xf32>,
        %swap3A = arith.constant 0 : i32
        %swap3A_389 = arith.constant 0 : i32
        %swap3A_390 = tpu.memref_slice %arg7[%scan3A_357, %swap3A, %swap3A_389] : memref<2x32x384xf32, #tpu.memory_space<vmem>> -> memref<1x32x384xf32, #tpu.memory_space<vmem>>
        %swap3A_391 = tpu.memref_squeeze %swap3A_390 : memref<1x32x384xf32, #tpu.memory_space<vmem>> -> memref<32x384xf32, #tpu.memory_space<vmem>>
        %swap3A_392 = arith.index_cast %add3A_384 : i32 to index
        %swap3A_393 = arith.constant 0 : index
        %swap3A_394 = tpu.vector_load %swap3A_391[%swap3A_392, %swap3A_393] {strides = array<i32>} : memref<32x384xf32, #tpu.memory_space<vmem>>, vector<16xf32>,
        tpu.vector_store %swap3A_391[%swap3A_392, %swap3A_393], %gather3A_388 {strides = array<i32>} : memref<32x384xf32, #tpu.memory_space<vmem>>, vector<16xf32>,
        %gather3A_395 = arith.constant 0 : i32
        %gather3A_396 = arith.constant 0 : i32
        %gather3A_397 = tpu.memref_slice %arg5[%scan3A_356, %gather3A_395, %gather3A_396] : memref<2x32x384xf32, #tpu.memory_space<vmem>> -> memref<1x32x384xf32, #tpu.memory_space<vmem>>
        %gather3A_398 = tpu.memref_squeeze %gather3A_397 : memref<1x32x384xf32, #tpu.memory_space<vmem>> -> memref<32x384xf32, #tpu.memory_space<vmem>>
        %gather3A_399 = tpu.vector_load_idx %gather3A_398[%broadcast_in_dim3A, %add3A_11] : memref<32x384xf32, #tpu.memory_space<vmem>>[vector<16xi32>, vector<16xi32>], vector<16xf32>,
        %swap3A_400 = arith.constant 0 : i32
        %swap3A_401 = arith.constant 0 : i32
        %swap3A_402 = tpu.memref_slice %arg7[%scan3A_357, %swap3A_400, %swap3A_401] : memref<2x32x384xf32, #tpu.memory_space<vmem>> -> memref<1x32x384xf32, #tpu.memory_space<vmem>>
        %swap3A_403 = tpu.memref_squeeze %swap3A_402 : memref<1x32x384xf32, #tpu.memory_space<vmem>> -> memref<32x384xf32, #tpu.memory_space<vmem>>
        %swap3A_404 = arith.index_cast %add3A_384 : i32 to index
        %swap3A_405 = arith.constant 16 : index
        %swap3A_406 = tpu.vector_load %swap3A_403[%swap3A_404, %swap3A_405] {strides = array<i32>} : memref<32x384xf32, #tpu.memory_space<vmem>>, vector<16xf32>,
        tpu.vector_store %swap3A_403[%swap3A_404, %swap3A_405], %gather3A_399 {strides = array<i32>} : memref<32x384xf32, #tpu.memory_space<vmem>>, vector<16xf32>,
        %gather3A_407 = arith.constant 0 : i32
        %gather3A_408 = arith.constant 0 : i32
        %gather3A_409 = tpu.memref_slice %arg5[%scan3A_356, %gather3A_407, %gather3A_408] : memref<2x32x384xf32, #tpu.memory_space<vmem>> -> memref<1x32x384xf32, #tpu.memory_space<vmem>>
        %gather3A_410 = tpu.memref_squeeze %gather3A_409 : memref<1x32x384xf32, #tpu.memory_space<vmem>> -> memref<32x384xf32, #tpu.memory_space<vmem>>
        %gather3A_411 = tpu.vector_load_idx %gather3A_410[%broadcast_in_dim3A, %add3A_14] : memref<32x384xf32, #tpu.memory_space<vmem>>[vector<16xi32>, vector<16xi32>], vector<16xf32>,
        %swap3A_412 = arith.constant 0 : i32
        %swap3A_413 = arith.constant 0 : i32
        %swap3A_414 = tpu.memref_slice %arg7[%scan3A_357, %swap3A_412, %swap3A_413] : memref<2x32x384xf32, #tpu.memory_space<vmem>> -> memref<1x32x384xf32, #tpu.memory_space<vmem>>
        %swap3A_415 = tpu.memref_squeeze %swap3A_414 : memref<1x32x384xf32, #tpu.memory_space<vmem>> -> memref<32x384xf32, #tpu.memory_space<vmem>>
        %swap3A_416 = arith.index_cast %add3A_384 : i32 to index
        %swap3A_417 = arith.constant 32 : index
        %swap3A_418 = tpu.vector_load %swap3A_415[%swap3A_416, %swap3A_417] {strides = array<i32>} : memref<32x384xf32, #tpu.memory_space<vmem>>, vector<16xf32>,
        tpu.vector_store %swap3A_415[%swap3A_416, %swap3A_417], %gather3A_411 {strides = array<i32>} : memref<32x384xf32, #tpu.memory_space<vmem>>, vector<16xf32>,
        %gather3A_419 = arith.constant 0 : i32
        %gather3A_420 = arith.constant 0 : i32
        %gather3A_421 = tpu.memref_slice %arg5[%scan3A_356, %gather3A_419, %gather3A_420] : memref<2x32x384xf32, #tpu.memory_space<vmem>> -> memref<1x32x384xf32, #tpu.memory_space<vmem>>
        %gather3A_422 = tpu.memref_squeeze %gather3A_421 : memref<1x32x384xf32, #tpu.memory_space<vmem>> -> memref<32x384xf32, #tpu.memory_space<vmem>>
        %gather3A_423 = tpu.vector_load_idx %gather3A_422[%broadcast_in_dim3A, %add3A_17] : memref<32x384xf32, #tpu.memory_space<vmem>>[vector<16xi32>, vector<16xi32>], vector<16xf32>,
        %swap3A_424 = arith.constant 0 : i32
        %swap3A_425 = arith.constant 0 : i32
        %swap3A_426 = tpu.memref_slice %arg7[%scan3A_357, %swap3A_424, %swap3A_425] : memref<2x32x384xf32, #tpu.memory_space<vmem>> -> memref<1x32x384xf32, #tpu.memory_space<vmem>>
        %swap3A_427 = tpu.memref_squeeze %swap3A_426 : memref<1x32x384xf32, #tpu.memory_space<vmem>> -> memref<32x384xf32, #tpu.memory_space<vmem>>
        %swap3A_428 = arith.index_cast %add3A_384 : i32 to index
        %swap3A_429 = arith.constant 48 : index
        %swap3A_430 = tpu.vector_load %swap3A_427[%swap3A_428, %swap3A_429] {strides = array<i32>} : memref<32x384xf32, #tpu.memory_space<vmem>>, vector<16xf32>,
        tpu.vector_store %swap3A_427[%swap3A_428, %swap3A_429], %gather3A_423 {strides = array<i32>} : memref<32x384xf32, #tpu.memory_space<vmem>>, vector<16xf32>,
        %gather3A_431 = arith.constant 0 : i32
        %gather3A_432 = arith.constant 0 : i32
        %gather3A_433 = tpu.memref_slice %arg5[%scan3A_356, %gather3A_431, %gather3A_432] : memref<2x32x384xf32, #tpu.memory_space<vmem>> -> memref<1x32x384xf32, #tpu.memory_space<vmem>>
        %gather3A_434 = tpu.memref_squeeze %gather3A_433 : memref<1x32x384xf32, #tpu.memory_space<vmem>> -> memref<32x384xf32, #tpu.memory_space<vmem>>
        %gather3A_435 = tpu.vector_load_idx %gather3A_434[%broadcast_in_dim3A, %add3A_20] : memref<32x384xf32, #tpu.memory_space<vmem>>[vector<16xi32>, vector<16xi32>], vector<16xf32>,
        %swap3A_436 = arith.constant 0 : i32
        %swap3A_437 = arith.constant 0 : i32
        %swap3A_438 = tpu.memref_slice %arg7[%scan3A_357, %swap3A_436, %swap3A_437] : memref<2x32x384xf32, #tpu.memory_space<vmem>> -> memref<1x32x384xf32, #tpu.memory_space<vmem>>
        %swap3A_439 = tpu.memref_squeeze %swap3A_438 : memref<1x32x384xf32, #tpu.memory_space<vmem>> -> memref<32x384xf32, #tpu.memory_space<vmem>>
        %swap3A_440 = arith.index_cast %add3A_384 : i32 to index
        %swap3A_441 = arith.constant 64 : index
        %swap3A_442 = tpu.vector_load %swap3A_439[%swap3A_440, %swap3A_441] {strides = array<i32>} : memref<32x384xf32, #tpu.memory_space<vmem>>, vector<16xf32>,
        tpu.vector_store %swap3A_439[%swap3A_440, %swap3A_441], %gather3A_435 {strides = array<i32>} : memref<32x384xf32, #tpu.memory_space<vmem>>, vector<16xf32>,
        %gather3A_443 = arith.constant 0 : i32
        %gather3A_444 = arith.constant 0 : i32
        %gather3A_445 = tpu.memref_slice %arg5[%scan3A_356, %gather3A_443, %gather3A_444] : memref<2x32x384xf32, #tpu.memory_space<vmem>> -> memref<1x32x384xf32, #tpu.memory_space<vmem>>
        %gather3A_446 = tpu.memref_squeeze %gather3A_445 : memref<1x32x384xf32, #tpu.memory_space<vmem>> -> memref<32x384xf32, #tpu.memory_space<vmem>>
        %gather3A_447 = tpu.vector_load_idx %gather3A_446[%broadcast_in_dim3A, %add3A_23] : memref<32x384xf32, #tpu.memory_space<vmem>>[vector<16xi32>, vector<16xi32>], vector<16xf32>,
        %swap3A_448 = arith.constant 0 : i32
        %swap3A_449 = arith.constant 0 : i32
        %swap3A_450 = tpu.memref_slice %arg7[%scan3A_357, %swap3A_448, %swap3A_449] : memref<2x32x384xf32, #tpu.memory_space<vmem>> -> memref<1x32x384xf32, #tpu.memory_space<vmem>>
        %swap3A_451 = tpu.memref_squeeze %swap3A_450 : memref<1x32x384xf32, #tpu.memory_space<vmem>> -> memref<32x384xf32, #tpu.memory_space<vmem>>
        %swap3A_452 = arith.index_cast %add3A_384 : i32 to index
        %swap3A_453 = arith.constant 80 : index
        %swap3A_454 = tpu.vector_load %swap3A_451[%swap3A_452, %swap3A_453] {strides = array<i32>} : memref<32x384xf32, #tpu.memory_space<vmem>>, vector<16xf32>,
        tpu.vector_store %swap3A_451[%swap3A_452, %swap3A_453], %gather3A_447 {strides = array<i32>} : memref<32x384xf32, #tpu.memory_space<vmem>>, vector<16xf32>,
        %gather3A_455 = arith.constant 0 : i32
        %gather3A_456 = arith.constant 0 : i32
        %gather3A_457 = tpu.memref_slice %arg5[%scan3A_356, %gather3A_455, %gather3A_456] : memref<2x32x384xf32, #tpu.memory_space<vmem>> -> memref<1x32x384xf32, #tpu.memory_space<vmem>>
        %gather3A_458 = tpu.memref_squeeze %gather3A_457 : memref<1x32x384xf32, #tpu.memory_space<vmem>> -> memref<32x384xf32, #tpu.memory_space<vmem>>
        %gather3A_459 = tpu.vector_load_idx %gather3A_458[%broadcast_in_dim3A, %add3A_26] : memref<32x384xf32, #tpu.memory_space<vmem>>[vector<16xi32>, vector<16xi32>], vector<16xf32>,
        %swap3A_460 = arith.constant 0 : i32
        %swap3A_461 = arith.constant 0 : i32
        %swap3A_462 = tpu.memref_slice %arg7[%scan3A_357, %swap3A_460, %swap3A_461] : memref<2x32x384xf32, #tpu.memory_space<vmem>> -> memref<1x32x384xf32, #tpu.memory_space<vmem>>
        %swap3A_463 = tpu.memref_squeeze %swap3A_462 : memref<1x32x384xf32, #tpu.memory_space<vmem>> -> memref<32x384xf32, #tpu.memory_space<vmem>>
        %swap3A_464 = arith.index_cast %add3A_384 : i32 to index
        %swap3A_465 = arith.constant 96 : index
        %swap3A_466 = tpu.vector_load %swap3A_463[%swap3A_464, %swap3A_465] {strides = array<i32>} : memref<32x384xf32, #tpu.memory_space<vmem>>, vector<16xf32>,
        tpu.vector_store %swap3A_463[%swap3A_464, %swap3A_465], %gather3A_459 {strides = array<i32>} : memref<32x384xf32, #tpu.memory_space<vmem>>, vector<16xf32>,
        %gather3A_467 = arith.constant 0 : i32
        %gather3A_468 = arith.constant 0 : i32
        %gather3A_469 = tpu.memref_slice %arg5[%scan3A_356, %gather3A_467, %gather3A_468] : memref<2x32x384xf32, #tpu.memory_space<vmem>> -> memref<1x32x384xf32, #tpu.memory_space<vmem>>
        %gather3A_470 = tpu.memref_squeeze %gather3A_469 : memref<1x32x384xf32, #tpu.memory_space<vmem>> -> memref<32x384xf32, #tpu.memory_space<vmem>>
        %gather3A_471 = tpu.vector_load_idx %gather3A_470[%broadcast_in_dim3A, %add3A_29] : memref<32x384xf32, #tpu.memory_space<vmem>>[vector<16xi32>, vector<16xi32>], vector<16xf32>,
        %swap3A_472 = arith.constant 0 : i32
        %swap3A_473 = arith.constant 0 : i32
        %swap3A_474 = tpu.memref_slice %arg7[%scan3A_357, %swap3A_472, %swap3A_473] : memref<2x32x384xf32, #tpu.memory_space<vmem>> -> memref<1x32x384xf32, #tpu.memory_space<vmem>>
        %swap3A_475 = tpu.memref_squeeze %swap3A_474 : memref<1x32x384xf32, #tpu.memory_space<vmem>> -> memref<32x384xf32, #tpu.memory_space<vmem>>
        %swap3A_476 = arith.index_cast %add3A_384 : i32 to index
        %swap3A_477 = arith.constant 112 : index
        %swap3A_478 = tpu.vector_load %swap3A_475[%swap3A_476, %swap3A_477] {strides = array<i32>} : memref<32x384xf32, #tpu.memory_space<vmem>>, vector<16xf32>,
        tpu.vector_store %swap3A_475[%swap3A_476, %swap3A_477], %gather3A_471 {strides = array<i32>} : memref<32x384xf32, #tpu.memory_space<vmem>>, vector<16xf32>,
        %gather3A_479 = arith.constant 0 : i32
        %gather3A_480 = arith.constant 0 : i32
        %gather3A_481 = tpu.memref_slice %arg5[%scan3A_356, %gather3A_479, %gather3A_480] : memref<2x32x384xf32, #tpu.memory_space<vmem>> -> memref<1x32x384xf32, #tpu.memory_space<vmem>>
        %gather3A_482 = tpu.memref_squeeze %gather3A_481 : memref<1x32x384xf32, #tpu.memory_space<vmem>> -> memref<32x384xf32, #tpu.memory_space<vmem>>
        %gather3A_483 = tpu.vector_load_idx %gather3A_482[%broadcast_in_dim3A, %add3A_32] : memref<32x384xf32, #tpu.memory_space<vmem>>[vector<16xi32>, vector<16xi32>], vector<16xf32>,
        %swap3A_484 = arith.constant 0 : i32
        %swap3A_485 = arith.constant 0 : i32
        %swap3A_486 = tpu.memref_slice %arg7[%scan3A_357, %swap3A_484, %swap3A_485] : memref<2x32x384xf32, #tpu.memory_space<vmem>> -> memref<1x32x384xf32, #tpu.memory_space<vmem>>
        %swap3A_487 = tpu.memref_squeeze %swap3A_486 : memref<1x32x384xf32, #tpu.memory_space<vmem>> -> memref<32x384xf32, #tpu.memory_space<vmem>>
        %swap3A_488 = arith.index_cast %add3A_384 : i32 to index
        %swap3A_489 = arith.constant 128 : index
        %swap3A_490 = tpu.vector_load %swap3A_487[%swap3A_488, %swap3A_489] {strides = array<i32>} : memref<32x384xf32, #tpu.memory_space<vmem>>, vector<16xf32>,
        tpu.vector_store %swap3A_487[%swap3A_488, %swap3A_489], %gather3A_483 {strides = array<i32>} : memref<32x384xf32, #tpu.memory_space<vmem>>, vector<16xf32>,
        %gather3A_491 = arith.constant 0 : i32
        %gather3A_492 = arith.constant 0 : i32
        %gather3A_493 = tpu.memref_slice %arg5[%scan3A_356, %gather3A_491, %gather3A_492] : memref<2x32x384xf32, #tpu.memory_space<vmem>> -> memref<1x32x384xf32, #tpu.memory_space<vmem>>
        %gather3A_494 = tpu.memref_squeeze %gather3A_493 : memref<1x32x384xf32, #tpu.memory_space<vmem>> -> memref<32x384xf32, #tpu.memory_space<vmem>>
        %gather3A_495 = tpu.vector_load_idx %gather3A_494[%broadcast_in_dim3A, %add3A_35] : memref<32x384xf32, #tpu.memory_space<vmem>>[vector<16xi32>, vector<16xi32>], vector<16xf32>,
        %swap3A_496 = arith.constant 0 : i32
        %swap3A_497 = arith.constant 0 : i32
        %swap3A_498 = tpu.memref_slice %arg7[%scan3A_357, %swap3A_496, %swap3A_497] : memref<2x32x384xf32, #tpu.memory_space<vmem>> -> memref<1x32x384xf32, #tpu.memory_space<vmem>>
        %swap3A_499 = tpu.memref_squeeze %swap3A_498 : memref<1x32x384xf32, #tpu.memory_space<vmem>> -> memref<32x384xf32, #tpu.memory_space<vmem>>
        %swap3A_500 = arith.index_cast %add3A_384 : i32 to index
        %swap3A_501 = arith.constant 144 : index
        %swap3A_502 = tpu.vector_load %swap3A_499[%swap3A_500, %swap3A_501] {strides = array<i32>} : memref<32x384xf32, #tpu.memory_space<vmem>>, vector<16xf32>,
        tpu.vector_store %swap3A_499[%swap3A_500, %swap3A_501], %gather3A_495 {strides = array<i32>} : memref<32x384xf32, #tpu.memory_space<vmem>>, vector<16xf32>,
        %gather3A_503 = arith.constant 0 : i32
        %gather3A_504 = arith.constant 0 : i32
        %gather3A_505 = tpu.memref_slice %arg5[%scan3A_356, %gather3A_503, %gather3A_504] : memref<2x32x384xf32, #tpu.memory_space<vmem>> -> memref<1x32x384xf32, #tpu.memory_space<vmem>>
        %gather3A_506 = tpu.memref_squeeze %gather3A_505 : memref<1x32x384xf32, #tpu.memory_space<vmem>> -> memref<32x384xf32, #tpu.memory_space<vmem>>
        %gather3A_507 = tpu.vector_load_idx %gather3A_506[%broadcast_in_dim3A, %add3A_38] : memref<32x384xf32, #tpu.memory_space<vmem>>[vector<16xi32>, vector<16xi32>], vector<16xf32>,
        %swap3A_508 = arith.constant 0 : i32
        %swap3A_509 = arith.constant 0 : i32
        %swap3A_510 = tpu.memref_slice %arg7[%scan3A_357, %swap3A_508, %swap3A_509] : memref<2x32x384xf32, #tpu.memory_space<vmem>> -> memref<1x32x384xf32, #tpu.memory_space<vmem>>
        %swap3A_511 = tpu.memref_squeeze %swap3A_510 : memref<1x32x384xf32, #tpu.memory_space<vmem>> -> memref<32x384xf32, #tpu.memory_space<vmem>>
        %swap3A_512 = arith.index_cast %add3A_384 : i32 to index
        %swap3A_513 = arith.constant 160 : index
        %swap3A_514 = tpu.vector_load %swap3A_511[%swap3A_512, %swap3A_513] {strides = array<i32>} : memref<32x384xf32, #tpu.memory_space<vmem>>, vector<16xf32>,
        tpu.vector_store %swap3A_511[%swap3A_512, %swap3A_513], %gather3A_507 {strides = array<i32>} : memref<32x384xf32, #tpu.memory_space<vmem>>, vector<16xf32>,
        %gather3A_515 = arith.constant 0 : i32
        %gather3A_516 = arith.constant 0 : i32
        %gather3A_517 = tpu.memref_slice %arg5[%scan3A_356, %gather3A_515, %gather3A_516] : memref<2x32x384xf32, #tpu.memory_space<vmem>> -> memref<1x32x384xf32, #tpu.memory_space<vmem>>
        %gather3A_518 = tpu.memref_squeeze %gather3A_517 : memref<1x32x384xf32, #tpu.memory_space<vmem>> -> memref<32x384xf32, #tpu.memory_space<vmem>>
        %gather3A_519 = tpu.vector_load_idx %gather3A_518[%broadcast_in_dim3A, %add3A_41] : memref<32x384xf32, #tpu.memory_space<vmem>>[vector<16xi32>, vector<16xi32>], vector<16xf32>,
        %swap3A_520 = arith.constant 0 : i32
        %swap3A_521 = arith.constant 0 : i32
        %swap3A_522 = tpu.memref_slice %arg7[%scan3A_357, %swap3A_520, %swap3A_521] : memref<2x32x384xf32, #tpu.memory_space<vmem>> -> memref<1x32x384xf32, #tpu.memory_space<vmem>>
        %swap3A_523 = tpu.memref_squeeze %swap3A_522 : memref<1x32x384xf32, #tpu.memory_space<vmem>> -> memref<32x384xf32, #tpu.memory_space<vmem>>
        %swap3A_524 = arith.index_cast %add3A_384 : i32 to index
        %swap3A_525 = arith.constant 176 : index
        %swap3A_526 = tpu.vector_load %swap3A_523[%swap3A_524, %swap3A_525] {strides = array<i32>} : memref<32x384xf32, #tpu.memory_space<vmem>>, vector<16xf32>,
        tpu.vector_store %swap3A_523[%swap3A_524, %swap3A_525], %gather3A_519 {strides = array<i32>} : memref<32x384xf32, #tpu.memory_space<vmem>>, vector<16xf32>,
        %gather3A_527 = arith.constant 0 : i32
        %gather3A_528 = arith.constant 0 : i32
        %gather3A_529 = tpu.memref_slice %arg6[%scan3A_358, %gather3A_527, %gather3A_528] : memref<2x32x384xf32, #tpu.memory_space<vmem>> -> memref<1x32x384xf32, #tpu.memory_space<vmem>>
        %gather3A_530 = tpu.memref_squeeze %gather3A_529 : memref<1x32x384xf32, #tpu.memory_space<vmem>> -> memref<32x384xf32, #tpu.memory_space<vmem>>
        %gather3A_531 = tpu.vector_load_idx %gather3A_530[%broadcast_in_dim3A, %add3A_47] : memref<32x384xf32, #tpu.memory_space<vmem>>[vector<16xi32>, vector<16xi32>], vector<16xf32>,
        %swap3A_532 = arith.constant 0 : i32
        %swap3A_533 = arith.constant 0 : i32
        %swap3A_534 = tpu.memref_slice %arg7[%scan3A_357, %swap3A_532, %swap3A_533] : memref<2x32x384xf32, #tpu.memory_space<vmem>> -> memref<1x32x384xf32, #tpu.memory_space<vmem>>
        %swap3A_535 = tpu.memref_squeeze %swap3A_534 : memref<1x32x384xf32, #tpu.memory_space<vmem>> -> memref<32x384xf32, #tpu.memory_space<vmem>>
        %swap3A_536 = arith.index_cast %add3A_384 : i32 to index
        %swap3A_537 = arith.constant 192 : index
        %swap3A_538 = tpu.vector_load %swap3A_535[%swap3A_536, %swap3A_537] {strides = array<i32>} : memref<32x384xf32, #tpu.memory_space<vmem>>, vector<16xf32>,
        tpu.vector_store %swap3A_535[%swap3A_536, %swap3A_537], %gather3A_531 {strides = array<i32>} : memref<32x384xf32, #tpu.memory_space<vmem>>, vector<16xf32>,
        %gather3A_539 = arith.constant 0 : i32
        %gather3A_540 = arith.constant 0 : i32
        %gather3A_541 = tpu.memref_slice %arg6[%scan3A_358, %gather3A_539, %gather3A_540] : memref<2x32x384xf32, #tpu.memory_space<vmem>> -> memref<1x32x384xf32, #tpu.memory_space<vmem>>
        %gather3A_542 = tpu.memref_squeeze %gather3A_541 : memref<1x32x384xf32, #tpu.memory_space<vmem>> -> memref<32x384xf32, #tpu.memory_space<vmem>>
        %gather3A_543 = tpu.vector_load_idx %gather3A_542[%broadcast_in_dim3A, %add3A_53] : memref<32x384xf32, #tpu.memory_space<vmem>>[vector<16xi32>, vector<16xi32>], vector<16xf32>,
        %swap3A_544 = arith.constant 0 : i32
        %swap3A_545 = arith.constant 0 : i32
        %swap3A_546 = tpu.memref_slice %arg7[%scan3A_357, %swap3A_544, %swap3A_545] : memref<2x32x384xf32, #tpu.memory_space<vmem>> -> memref<1x32x384xf32, #tpu.memory_space<vmem>>
        %swap3A_547 = tpu.memref_squeeze %swap3A_546 : memref<1x32x384xf32, #tpu.memory_space<vmem>> -> memref<32x384xf32, #tpu.memory_space<vmem>>
        %swap3A_548 = arith.index_cast %add3A_384 : i32 to index
        %swap3A_549 = arith.constant 208 : index
        %swap3A_550 = tpu.vector_load %swap3A_547[%swap3A_548, %swap3A_549] {strides = array<i32>} : memref<32x384xf32, #tpu.memory_space<vmem>>, vector<16xf32>,
        tpu.vector_store %swap3A_547[%swap3A_548, %swap3A_549], %gather3A_543 {strides = array<i32>} : memref<32x384xf32, #tpu.memory_space<vmem>>, vector<16xf32>,
        %gather3A_551 = arith.constant 0 : i32
        %gather3A_552 = arith.constant 0 : i32
        %gather3A_553 = tpu.memref_slice %arg6[%scan3A_358, %gather3A_551, %gather3A_552] : memref<2x32x384xf32, #tpu.memory_space<vmem>> -> memref<1x32x384xf32, #tpu.memory_space<vmem>>
        %gather3A_554 = tpu.memref_squeeze %gather3A_553 : memref<1x32x384xf32, #tpu.memory_space<vmem>> -> memref<32x384xf32, #tpu.memory_space<vmem>>
        %gather3A_555 = tpu.vector_load_idx %gather3A_554[%broadcast_in_dim3A, %add3A_59] : memref<32x384xf32, #tpu.memory_space<vmem>>[vector<16xi32>, vector<16xi32>], vector<16xf32>,
        %swap3A_556 = arith.constant 0 : i32
        %swap3A_557 = arith.constant 0 : i32
        %swap3A_558 = tpu.memref_slice %arg7[%scan3A_357, %swap3A_556, %swap3A_557] : memref<2x32x384xf32, #tpu.memory_space<vmem>> -> memref<1x32x384xf32, #tpu.memory_space<vmem>>
        %swap3A_559 = tpu.memref_squeeze %swap3A_558 : memref<1x32x384xf32, #tpu.memory_space<vmem>> -> memref<32x384xf32, #tpu.memory_space<vmem>>
        %swap3A_560 = arith.index_cast %add3A_384 : i32 to index
        %swap3A_561 = arith.constant 224 : index
        %swap3A_562 = tpu.vector_load %swap3A_559[%swap3A_560, %swap3A_561] {strides = array<i32>} : memref<32x384xf32, #tpu.memory_space<vmem>>, vector<16xf32>,
        tpu.vector_store %swap3A_559[%swap3A_560, %swap3A_561], %gather3A_555 {strides = array<i32>} : memref<32x384xf32, #tpu.memory_space<vmem>>, vector<16xf32>,
        %gather3A_563 = arith.constant 0 : i32
        %gather3A_564 = arith.constant 0 : i32
        %gather3A_565 = tpu.memref_slice %arg6[%scan3A_358, %gather3A_563, %gather3A_564] : memref<2x32x384xf32, #tpu.memory_space<vmem>> -> memref<1x32x384xf32, #tpu.memory_space<vmem>>
        %gather3A_566 = tpu.memref_squeeze %gather3A_565 : memref<1x32x384xf32, #tpu.memory_space<vmem>> -> memref<32x384xf32, #tpu.memory_space<vmem>>
        %gather3A_567 = tpu.vector_load_idx %gather3A_566[%broadcast_in_dim3A, %add3A_65] : memref<32x384xf32, #tpu.memory_space<vmem>>[vector<16xi32>, vector<16xi32>], vector<16xf32>,
        %swap3A_568 = arith.constant 0 : i32
        %swap3A_569 = arith.constant 0 : i32
        %swap3A_570 = tpu.memref_slice %arg7[%scan3A_357, %swap3A_568, %swap3A_569] : memref<2x32x384xf32, #tpu.memory_space<vmem>> -> memref<1x32x384xf32, #tpu.memory_space<vmem>>
        %swap3A_571 = tpu.memref_squeeze %swap3A_570 : memref<1x32x384xf32, #tpu.memory_space<vmem>> -> memref<32x384xf32, #tpu.memory_space<vmem>>
        %swap3A_572 = arith.index_cast %add3A_384 : i32 to index
        %swap3A_573 = arith.constant 240 : index
        %swap3A_574 = tpu.vector_load %swap3A_571[%swap3A_572, %swap3A_573] {strides = array<i32>} : memref<32x384xf32, #tpu.memory_space<vmem>>, vector<16xf32>,
        tpu.vector_store %swap3A_571[%swap3A_572, %swap3A_573], %gather3A_567 {strides = array<i32>} : memref<32x384xf32, #tpu.memory_space<vmem>>, vector<16xf32>,
        %gather3A_575 = arith.constant 0 : i32
        %gather3A_576 = arith.constant 0 : i32
        %gather3A_577 = tpu.memref_slice %arg6[%scan3A_358, %gather3A_575, %gather3A_576] : memref<2x32x384xf32, #tpu.memory_space<vmem>> -> memref<1x32x384xf32, #tpu.memory_space<vmem>>
        %gather3A_578 = tpu.memref_squeeze %gather3A_577 : memref<1x32x384xf32, #tpu.memory_space<vmem>> -> memref<32x384xf32, #tpu.memory_space<vmem>>
        %gather3A_579 = tpu.vector_load_idx %gather3A_578[%broadcast_in_dim3A, %add3A_71] : memref<32x384xf32, #tpu.memory_space<vmem>>[vector<16xi32>, vector<16xi32>], vector<16xf32>,
        %swap3A_580 = arith.constant 0 : i32
        %swap3A_581 = arith.constant 0 : i32
        %swap3A_582 = tpu.memref_slice %arg7[%scan3A_357, %swap3A_580, %swap3A_581] : memref<2x32x384xf32, #tpu.memory_space<vmem>> -> memref<1x32x384xf32, #tpu.memory_space<vmem>>
        %swap3A_583 = tpu.memref_squeeze %swap3A_582 : memref<1x32x384xf32, #tpu.memory_space<vmem>> -> memref<32x384xf32, #tpu.memory_space<vmem>>
        %swap3A_584 = arith.index_cast %add3A_384 : i32 to index
        %swap3A_585 = arith.constant 256 : index
        %swap3A_586 = tpu.vector_load %swap3A_583[%swap3A_584, %swap3A_585] {strides = array<i32>} : memref<32x384xf32, #tpu.memory_space<vmem>>, vector<16xf32>,
        tpu.vector_store %swap3A_583[%swap3A_584, %swap3A_585], %gather3A_579 {strides = array<i32>} : memref<32x384xf32, #tpu.memory_space<vmem>>, vector<16xf32>,
        %gather3A_587 = arith.constant 0 : i32
        %gather3A_588 = arith.constant 0 : i32
        %gather3A_589 = tpu.memref_slice %arg6[%scan3A_358, %gather3A_587, %gather3A_588] : memref<2x32x384xf32, #tpu.memory_space<vmem>> -> memref<1x32x384xf32, #tpu.memory_space<vmem>>
        %gather3A_590 = tpu.memref_squeeze %gather3A_589 : memref<1x32x384xf32, #tpu.memory_space<vmem>> -> memref<32x384xf32, #tpu.memory_space<vmem>>
        %gather3A_591 = tpu.vector_load_idx %gather3A_590[%broadcast_in_dim3A, %add3A_77] : memref<32x384xf32, #tpu.memory_space<vmem>>[vector<16xi32>, vector<16xi32>], vector<16xf32>,
        %swap3A_592 = arith.constant 0 : i32
        %swap3A_593 = arith.constant 0 : i32
        %swap3A_594 = tpu.memref_slice %arg7[%scan3A_357, %swap3A_592, %swap3A_593] : memref<2x32x384xf32, #tpu.memory_space<vmem>> -> memref<1x32x384xf32, #tpu.memory_space<vmem>>
        %swap3A_595 = tpu.memref_squeeze %swap3A_594 : memref<1x32x384xf32, #tpu.memory_space<vmem>> -> memref<32x384xf32, #tpu.memory_space<vmem>>
        %swap3A_596 = arith.index_cast %add3A_384 : i32 to index
        %swap3A_597 = arith.constant 272 : index
        %swap3A_598 = tpu.vector_load %swap3A_595[%swap3A_596, %swap3A_597] {strides = array<i32>} : memref<32x384xf32, #tpu.memory_space<vmem>>, vector<16xf32>,
        tpu.vector_store %swap3A_595[%swap3A_596, %swap3A_597], %gather3A_591 {strides = array<i32>} : memref<32x384xf32, #tpu.memory_space<vmem>>, vector<16xf32>,
        %gather3A_599 = arith.constant 0 : i32
        %gather3A_600 = arith.constant 0 : i32
        %gather3A_601 = tpu.memref_slice %arg6[%scan3A_358, %gather3A_599, %gather3A_600] : memref<2x32x384xf32, #tpu.memory_space<vmem>> -> memref<1x32x384xf32, #tpu.memory_space<vmem>>
        %gather3A_602 = tpu.memref_squeeze %gather3A_601 : memref<1x32x384xf32, #tpu.memory_space<vmem>> -> memref<32x384xf32, #tpu.memory_space<vmem>>
        %gather3A_603 = tpu.vector_load_idx %gather3A_602[%broadcast_in_dim3A, %add3A_83] : memref<32x384xf32, #tpu.memory_space<vmem>>[vector<16xi32>, vector<16xi32>], vector<16xf32>,
        %swap3A_604 = arith.constant 0 : i32
        %swap3A_605 = arith.constant 0 : i32
        %swap3A_606 = tpu.memref_slice %arg7[%scan3A_357, %swap3A_604, %swap3A_605] : memref<2x32x384xf32, #tpu.memory_space<vmem>> -> memref<1x32x384xf32, #tpu.memory_space<vmem>>
        %swap3A_607 = tpu.memref_squeeze %swap3A_606 : memref<1x32x384xf32, #tpu.memory_space<vmem>> -> memref<32x384xf32, #tpu.memory_space<vmem>>
        %swap3A_608 = arith.index_cast %add3A_384 : i32 to index
        %swap3A_609 = arith.constant 288 : index
        %swap3A_610 = tpu.vector_load %swap3A_607[%swap3A_608, %swap3A_609] {strides = array<i32>} : memref<32x384xf32, #tpu.memory_space<vmem>>, vector<16xf32>,
        tpu.vector_store %swap3A_607[%swap3A_608, %swap3A_609], %gather3A_603 {strides = array<i32>} : memref<32x384xf32, #tpu.memory_space<vmem>>, vector<16xf32>,
        %gather3A_611 = arith.constant 0 : i32
        %gather3A_612 = arith.constant 0 : i32
        %gather3A_613 = tpu.memref_slice %arg6[%scan3A_358, %gather3A_611, %gather3A_612] : memref<2x32x384xf32, #tpu.memory_space<vmem>> -> memref<1x32x384xf32, #tpu.memory_space<vmem>>
        %gather3A_614 = tpu.memref_squeeze %gather3A_613 : memref<1x32x384xf32, #tpu.memory_space<vmem>> -> memref<32x384xf32, #tpu.memory_space<vmem>>
        %gather3A_615 = tpu.vector_load_idx %gather3A_614[%broadcast_in_dim3A, %add3A_89] : memref<32x384xf32, #tpu.memory_space<vmem>>[vector<16xi32>, vector<16xi32>], vector<16xf32>,
        %swap3A_616 = arith.constant 0 : i32
        %swap3A_617 = arith.constant 0 : i32
        %swap3A_618 = tpu.memref_slice %arg7[%scan3A_357, %swap3A_616, %swap3A_617] : memref<2x32x384xf32, #tpu.memory_space<vmem>> -> memref<1x32x384xf32, #tpu.memory_space<vmem>>
        %swap3A_619 = tpu.memref_squeeze %swap3A_618 : memref<1x32x384xf32, #tpu.memory_space<vmem>> -> memref<32x384xf32, #tpu.memory_space<vmem>>
        %swap3A_620 = arith.index_cast %add3A_384 : i32 to index
        %swap3A_621 = arith.constant 304 : index
        %swap3A_622 = tpu.vector_load %swap3A_619[%swap3A_620, %swap3A_621] {strides = array<i32>} : memref<32x384xf32, #tpu.memory_space<vmem>>, vector<16xf32>,
        tpu.vector_store %swap3A_619[%swap3A_620, %swap3A_621], %gather3A_615 {strides = array<i32>} : memref<32x384xf32, #tpu.memory_space<vmem>>, vector<16xf32>,
        %gather3A_623 = arith.constant 0 : i32
        %gather3A_624 = arith.constant 0 : i32
        %gather3A_625 = tpu.memref_slice %arg6[%scan3A_358, %gather3A_623, %gather3A_624] : memref<2x32x384xf32, #tpu.memory_space<vmem>> -> memref<1x32x384xf32, #tpu.memory_space<vmem>>
        %gather3A_626 = tpu.memref_squeeze %gather3A_625 : memref<1x32x384xf32, #tpu.memory_space<vmem>> -> memref<32x384xf32, #tpu.memory_space<vmem>>
        %gather3A_627 = tpu.vector_load_idx %gather3A_626[%broadcast_in_dim3A, %add3A_95] : memref<32x384xf32, #tpu.memory_space<vmem>>[vector<16xi32>, vector<16xi32>], vector<16xf32>,
        %swap3A_628 = arith.constant 0 : i32
        %swap3A_629 = arith.constant 0 : i32
        %swap3A_630 = tpu.memref_slice %arg7[%scan3A_357, %swap3A_628, %swap3A_629] : memref<2x32x384xf32, #tpu.memory_space<vmem>> -> memref<1x32x384xf32, #tpu.memory_space<vmem>>
        %swap3A_631 = tpu.memref_squeeze %swap3A_630 : memref<1x32x384xf32, #tpu.memory_space<vmem>> -> memref<32x384xf32, #tpu.memory_space<vmem>>
        %swap3A_632 = arith.index_cast %add3A_384 : i32 to index
        %swap3A_633 = arith.constant 320 : index
        %swap3A_634 = tpu.vector_load %swap3A_631[%swap3A_632, %swap3A_633] {strides = array<i32>} : memref<32x384xf32, #tpu.memory_space<vmem>>, vector<16xf32>,
        tpu.vector_store %swap3A_631[%swap3A_632, %swap3A_633], %gather3A_627 {strides = array<i32>} : memref<32x384xf32, #tpu.memory_space<vmem>>, vector<16xf32>,
        %gather3A_635 = arith.constant 0 : i32
        %gather3A_636 = arith.constant 0 : i32
        %gather3A_637 = tpu.memref_slice %arg6[%scan3A_358, %gather3A_635, %gather3A_636] : memref<2x32x384xf32, #tpu.memory_space<vmem>> -> memref<1x32x384xf32, #tpu.memory_space<vmem>>
        %gather3A_638 = tpu.memref_squeeze %gather3A_637 : memref<1x32x384xf32, #tpu.memory_space<vmem>> -> memref<32x384xf32, #tpu.memory_space<vmem>>
        %gather3A_639 = tpu.vector_load_idx %gather3A_638[%broadcast_in_dim3A, %add3A_101] : memref<32x384xf32, #tpu.memory_space<vmem>>[vector<16xi32>, vector<16xi32>], vector<16xf32>,
        %swap3A_640 = arith.constant 0 : i32
        %swap3A_641 = arith.constant 0 : i32
        %swap3A_642 = tpu.memref_slice %arg7[%scan3A_357, %swap3A_640, %swap3A_641] : memref<2x32x384xf32, #tpu.memory_space<vmem>> -> memref<1x32x384xf32, #tpu.memory_space<vmem>>
        %swap3A_643 = tpu.memref_squeeze %swap3A_642 : memref<1x32x384xf32, #tpu.memory_space<vmem>> -> memref<32x384xf32, #tpu.memory_space<vmem>>
        %swap3A_644 = arith.index_cast %add3A_384 : i32 to index
        %swap3A_645 = arith.constant 336 : index
        %swap3A_646 = tpu.vector_load %swap3A_643[%swap3A_644, %swap3A_645] {strides = array<i32>} : memref<32x384xf32, #tpu.memory_space<vmem>>, vector<16xf32>,
        tpu.vector_store %swap3A_643[%swap3A_644, %swap3A_645], %gather3A_639 {strides = array<i32>} : memref<32x384xf32, #tpu.memory_space<vmem>>, vector<16xf32>,
        %gather3A_647 = arith.constant 0 : i32
        %gather3A_648 = arith.constant 0 : i32
        %gather3A_649 = tpu.memref_slice %arg6[%scan3A_358, %gather3A_647, %gather3A_648] : memref<2x32x384xf32, #tpu.memory_space<vmem>> -> memref<1x32x384xf32, #tpu.memory_space<vmem>>
        %gather3A_650 = tpu.memref_squeeze %gather3A_649 : memref<1x32x384xf32, #tpu.memory_space<vmem>> -> memref<32x384xf32, #tpu.memory_space<vmem>>
        %gather3A_651 = tpu.vector_load_idx %gather3A_650[%broadcast_in_dim3A, %add3A_107] : memref<32x384xf32, #tpu.memory_space<vmem>>[vector<16xi32>, vector<16xi32>], vector<16xf32>,
        %swap3A_652 = arith.constant 0 : i32
        %swap3A_653 = arith.constant 0 : i32
        %swap3A_654 = tpu.memref_slice %arg7[%scan3A_357, %swap3A_652, %swap3A_653] : memref<2x32x384xf32, #tpu.memory_space<vmem>> -> memref<1x32x384xf32, #tpu.memory_space<vmem>>
        %swap3A_655 = tpu.memref_squeeze %swap3A_654 : memref<1x32x384xf32, #tpu.memory_space<vmem>> -> memref<32x384xf32, #tpu.memory_space<vmem>>
        %swap3A_656 = arith.index_cast %add3A_384 : i32 to index
        %swap3A_657 = arith.constant 352 : index
        %swap3A_658 = tpu.vector_load %swap3A_655[%swap3A_656, %swap3A_657] {strides = array<i32>} : memref<32x384xf32, #tpu.memory_space<vmem>>, vector<16xf32>,
        tpu.vector_store %swap3A_655[%swap3A_656, %swap3A_657], %gather3A_651 {strides = array<i32>} : memref<32x384xf32, #tpu.memory_space<vmem>>, vector<16xf32>,
        %gather3A_659 = arith.constant 0 : i32
        %gather3A_660 = arith.constant 0 : i32
        %gather3A_661 = tpu.memref_slice %arg6[%scan3A_358, %gather3A_659, %gather3A_660] : memref<2x32x384xf32, #tpu.memory_space<vmem>> -> memref<1x32x384xf32, #tpu.memory_space<vmem>>
        %gather3A_662 = tpu.memref_squeeze %gather3A_661 : memref<1x32x384xf32, #tpu.memory_space<vmem>> -> memref<32x384xf32, #tpu.memory_space<vmem>>
        %gather3A_663 = tpu.vector_load_idx %gather3A_662[%broadcast_in_dim3A, %add3A_113] : memref<32x384xf32, #tpu.memory_space<vmem>>[vector<16xi32>, vector<16xi32>], vector<16xf32>,
        %swap3A_664 = arith.constant 0 : i32
        %swap3A_665 = arith.constant 0 : i32
        %swap3A_666 = tpu.memref_slice %arg7[%scan3A_357, %swap3A_664, %swap3A_665] : memref<2x32x384xf32, #tpu.memory_space<vmem>> -> memref<1x32x384xf32, #tpu.memory_space<vmem>>
        %swap3A_667 = tpu.memref_squeeze %swap3A_666 : memref<1x32x384xf32, #tpu.memory_space<vmem>> -> memref<32x384xf32, #tpu.memory_space<vmem>>
        %swap3A_668 = arith.index_cast %add3A_384 : i32 to index
        %swap3A_669 = arith.constant 368 : index
        %swap3A_670 = tpu.vector_load %swap3A_667[%swap3A_668, %swap3A_669] {strides = array<i32>} : memref<32x384xf32, #tpu.memory_space<vmem>>, vector<16xf32>,
        tpu.vector_store %swap3A_667[%swap3A_668, %swap3A_669], %gather3A_663 {strides = array<i32>} : memref<32x384xf32, #tpu.memory_space<vmem>>, vector<16xf32>,
        %mul3A_671 = arith.constant 2 : i32
        %mul3A_672 = arith.muli %mul3A_671, %scan3A_380 : i32
        %add3A_673 = arith.constant 1 : i32
        %add3A_674 = arith.addi %mul3A_672, %add3A_673 : i32
        %broadcast_in_dim3A_675 = vector.broadcast %add3A_674 : i32 to vector<16xi32>
        %gather3A_676 = arith.constant 0 : i32
        %gather3A_677 = arith.constant 0 : i32
        %gather3A_678 = tpu.memref_slice %arg5[%scan3A_356, %gather3A_676, %gather3A_677] : memref<2x32x384xf32, #tpu.memory_space<vmem>> -> memref<1x32x384xf32, #tpu.memory_space<vmem>>
        %gather3A_679 = tpu.memref_squeeze %gather3A_678 : memref<1x32x384xf32, #tpu.memory_space<vmem>> -> memref<32x384xf32, #tpu.memory_space<vmem>>
        %gather3A_680 = tpu.vector_load_idx %gather3A_679[%broadcast_in_dim3A_675, %add3A_8] : memref<32x384xf32, #tpu.memory_space<vmem>>[vector<16xi32>, vector<16xi32>], vector<16xf32>,
        %swap3A_681 = arith.constant 0 : i32
        %swap3A_682 = arith.constant 0 : i32
        %swap3A_683 = tpu.memref_slice %arg7[%scan3A_357, %swap3A_681, %swap3A_682] : memref<2x32x384xf32, #tpu.memory_space<vmem>> -> memref<1x32x384xf32, #tpu.memory_space<vmem>>
        %swap3A_684 = tpu.memref_squeeze %swap3A_683 : memref<1x32x384xf32, #tpu.memory_space<vmem>> -> memref<32x384xf32, #tpu.memory_space<vmem>>
        %swap3A_685 = arith.index_cast %add3A_674 : i32 to index
        %swap3A_686 = arith.constant 0 : index
        %swap3A_687 = tpu.vector_load %swap3A_684[%swap3A_685, %swap3A_686] {strides = array<i32>} : memref<32x384xf32, #tpu.memory_space<vmem>>, vector<16xf32>,
        tpu.vector_store %swap3A_684[%swap3A_685, %swap3A_686], %gather3A_680 {strides = array<i32>} : memref<32x384xf32, #tpu.memory_space<vmem>>, vector<16xf32>,
        %gather3A_688 = arith.constant 0 : i32
        %gather3A_689 = arith.constant 0 : i32
        %gather3A_690 = tpu.memref_slice %arg5[%scan3A_356, %gather3A_688, %gather3A_689] : memref<2x32x384xf32, #tpu.memory_space<vmem>> -> memref<1x32x384xf32, #tpu.memory_space<vmem>>
        %gather3A_691 = tpu.memref_squeeze %gather3A_690 : memref<1x32x384xf32, #tpu.memory_space<vmem>> -> memref<32x384xf32, #tpu.memory_space<vmem>>
        %gather3A_692 = tpu.vector_load_idx %gather3A_691[%broadcast_in_dim3A_675, %add3A_11] : memref<32x384xf32, #tpu.memory_space<vmem>>[vector<16xi32>, vector<16xi32>], vector<16xf32>,
        %swap3A_693 = arith.constant 0 : i32
        %swap3A_694 = arith.constant 0 : i32
        %swap3A_695 = tpu.memref_slice %arg7[%scan3A_357, %swap3A_693, %swap3A_694] : memref<2x32x384xf32, #tpu.memory_space<vmem>> -> memref<1x32x384xf32, #tpu.memory_space<vmem>>
        %swap3A_696 = tpu.memref_squeeze %swap3A_695 : memref<1x32x384xf32, #tpu.memory_space<vmem>> -> memref<32x384xf32, #tpu.memory_space<vmem>>
        %swap3A_697 = arith.index_cast %add3A_674 : i32 to index
        %swap3A_698 = arith.constant 16 : index
        %swap3A_699 = tpu.vector_load %swap3A_696[%swap3A_697, %swap3A_698] {strides = array<i32>} : memref<32x384xf32, #tpu.memory_space<vmem>>, vector<16xf32>,
        tpu.vector_store %swap3A_696[%swap3A_697, %swap3A_698], %gather3A_692 {strides = array<i32>} : memref<32x384xf32, #tpu.memory_space<vmem>>, vector<16xf32>,
        %gather3A_700 = arith.constant 0 : i32
        %gather3A_701 = arith.constant 0 : i32
        %gather3A_702 = tpu.memref_slice %arg5[%scan3A_356, %gather3A_700, %gather3A_701] : memref<2x32x384xf32, #tpu.memory_space<vmem>> -> memref<1x32x384xf32, #tpu.memory_space<vmem>>
        %gather3A_703 = tpu.memref_squeeze %gather3A_702 : memref<1x32x384xf32, #tpu.memory_space<vmem>> -> memref<32x384xf32, #tpu.memory_space<vmem>>
        %gather3A_704 = tpu.vector_load_idx %gather3A_703[%broadcast_in_dim3A_675, %add3A_14] : memref<32x384xf32, #tpu.memory_space<vmem>>[vector<16xi32>, vector<16xi32>], vector<16xf32>,
        %swap3A_705 = arith.constant 0 : i32
        %swap3A_706 = arith.constant 0 : i32
        %swap3A_707 = tpu.memref_slice %arg7[%scan3A_357, %swap3A_705, %swap3A_706] : memref<2x32x384xf32, #tpu.memory_space<vmem>> -> memref<1x32x384xf32, #tpu.memory_space<vmem>>
        %swap3A_708 = tpu.memref_squeeze %swap3A_707 : memref<1x32x384xf32, #tpu.memory_space<vmem>> -> memref<32x384xf32, #tpu.memory_space<vmem>>
        %swap3A_709 = arith.index_cast %add3A_674 : i32 to index
        %swap3A_710 = arith.constant 32 : index
        %swap3A_711 = tpu.vector_load %swap3A_708[%swap3A_709, %swap3A_710] {strides = array<i32>} : memref<32x384xf32, #tpu.memory_space<vmem>>, vector<16xf32>,
        tpu.vector_store %swap3A_708[%swap3A_709, %swap3A_710], %gather3A_704 {strides = array<i32>} : memref<32x384xf32, #tpu.memory_space<vmem>>, vector<16xf32>,
        %gather3A_712 = arith.constant 0 : i32
        %gather3A_713 = arith.constant 0 : i32
        %gather3A_714 = tpu.memref_slice %arg5[%scan3A_356, %gather3A_712, %gather3A_713] : memref<2x32x384xf32, #tpu.memory_space<vmem>> -> memref<1x32x384xf32, #tpu.memory_space<vmem>>
        %gather3A_715 = tpu.memref_squeeze %gather3A_714 : memref<1x32x384xf32, #tpu.memory_space<vmem>> -> memref<32x384xf32, #tpu.memory_space<vmem>>
        %gather3A_716 = tpu.vector_load_idx %gather3A_715[%broadcast_in_dim3A_675, %add3A_17] : memref<32x384xf32, #tpu.memory_space<vmem>>[vector<16xi32>, vector<16xi32>], vector<16xf32>,
        %swap3A_717 = arith.constant 0 : i32
        %swap3A_718 = arith.constant 0 : i32
        %swap3A_719 = tpu.memref_slice %arg7[%scan3A_357, %swap3A_717, %swap3A_718] : memref<2x32x384xf32, #tpu.memory_space<vmem>> -> memref<1x32x384xf32, #tpu.memory_space<vmem>>
        %swap3A_720 = tpu.memref_squeeze %swap3A_719 : memref<1x32x384xf32, #tpu.memory_space<vmem>> -> memref<32x384xf32, #tpu.memory_space<vmem>>
        %swap3A_721 = arith.index_cast %add3A_674 : i32 to index
        %swap3A_722 = arith.constant 48 : index
        %swap3A_723 = tpu.vector_load %swap3A_720[%swap3A_721, %swap3A_722] {strides = array<i32>} : memref<32x384xf32, #tpu.memory_space<vmem>>, vector<16xf32>,
        tpu.vector_store %swap3A_720[%swap3A_721, %swap3A_722], %gather3A_716 {strides = array<i32>} : memref<32x384xf32, #tpu.memory_space<vmem>>, vector<16xf32>,
        %gather3A_724 = arith.constant 0 : i32
        %gather3A_725 = arith.constant 0 : i32
        %gather3A_726 = tpu.memref_slice %arg5[%scan3A_356, %gather3A_724, %gather3A_725] : memref<2x32x384xf32, #tpu.memory_space<vmem>> -> memref<1x32x384xf32, #tpu.memory_space<vmem>>
        %gather3A_727 = tpu.memref_squeeze %gather3A_726 : memref<1x32x384xf32, #tpu.memory_space<vmem>> -> memref<32x384xf32, #tpu.memory_space<vmem>>
        %gather3A_728 = tpu.vector_load_idx %gather3A_727[%broadcast_in_dim3A_675, %add3A_20] : memref<32x384xf32, #tpu.memory_space<vmem>>[vector<16xi32>, vector<16xi32>], vector<16xf32>,
        %swap3A_729 = arith.constant 0 : i32
        %swap3A_730 = arith.constant 0 : i32
        %swap3A_731 = tpu.memref_slice %arg7[%scan3A_357, %swap3A_729, %swap3A_730] : memref<2x32x384xf32, #tpu.memory_space<vmem>> -> memref<1x32x384xf32, #tpu.memory_space<vmem>>
        %swap3A_732 = tpu.memref_squeeze %swap3A_731 : memref<1x32x384xf32, #tpu.memory_space<vmem>> -> memref<32x384xf32, #tpu.memory_space<vmem>>
        %swap3A_733 = arith.index_cast %add3A_674 : i32 to index
        %swap3A_734 = arith.constant 64 : index
        %swap3A_735 = tpu.vector_load %swap3A_732[%swap3A_733, %swap3A_734] {strides = array<i32>} : memref<32x384xf32, #tpu.memory_space<vmem>>, vector<16xf32>,
        tpu.vector_store %swap3A_732[%swap3A_733, %swap3A_734], %gather3A_728 {strides = array<i32>} : memref<32x384xf32, #tpu.memory_space<vmem>>, vector<16xf32>,
        %gather3A_736 = arith.constant 0 : i32
        %gather3A_737 = arith.constant 0 : i32
        %gather3A_738 = tpu.memref_slice %arg5[%scan3A_356, %gather3A_736, %gather3A_737] : memref<2x32x384xf32, #tpu.memory_space<vmem>> -> memref<1x32x384xf32, #tpu.memory_space<vmem>>
        %gather3A_739 = tpu.memref_squeeze %gather3A_738 : memref<1x32x384xf32, #tpu.memory_space<vmem>> -> memref<32x384xf32, #tpu.memory_space<vmem>>
        %gather3A_740 = tpu.vector_load_idx %gather3A_739[%broadcast_in_dim3A_675, %add3A_23] : memref<32x384xf32, #tpu.memory_space<vmem>>[vector<16xi32>, vector<16xi32>], vector<16xf32>,
        %swap3A_741 = arith.constant 0 : i32
        %swap3A_742 = arith.constant 0 : i32
        %swap3A_743 = tpu.memref_slice %arg7[%scan3A_357, %swap3A_741, %swap3A_742] : memref<2x32x384xf32, #tpu.memory_space<vmem>> -> memref<1x32x384xf32, #tpu.memory_space<vmem>>
        %swap3A_744 = tpu.memref_squeeze %swap3A_743 : memref<1x32x384xf32, #tpu.memory_space<vmem>> -> memref<32x384xf32, #tpu.memory_space<vmem>>
        %swap3A_745 = arith.index_cast %add3A_674 : i32 to index
        %swap3A_746 = arith.constant 80 : index
        %swap3A_747 = tpu.vector_load %swap3A_744[%swap3A_745, %swap3A_746] {strides = array<i32>} : memref<32x384xf32, #tpu.memory_space<vmem>>, vector<16xf32>,
        tpu.vector_store %swap3A_744[%swap3A_745, %swap3A_746], %gather3A_740 {strides = array<i32>} : memref<32x384xf32, #tpu.memory_space<vmem>>, vector<16xf32>,
        %gather3A_748 = arith.constant 0 : i32
        %gather3A_749 = arith.constant 0 : i32
        %gather3A_750 = tpu.memref_slice %arg5[%scan3A_356, %gather3A_748, %gather3A_749] : memref<2x32x384xf32, #tpu.memory_space<vmem>> -> memref<1x32x384xf32, #tpu.memory_space<vmem>>
        %gather3A_751 = tpu.memref_squeeze %gather3A_750 : memref<1x32x384xf32, #tpu.memory_space<vmem>> -> memref<32x384xf32, #tpu.memory_space<vmem>>
        %gather3A_752 = tpu.vector_load_idx %gather3A_751[%broadcast_in_dim3A_675, %add3A_26] : memref<32x384xf32, #tpu.memory_space<vmem>>[vector<16xi32>, vector<16xi32>], vector<16xf32>,
        %swap3A_753 = arith.constant 0 : i32
        %swap3A_754 = arith.constant 0 : i32
        %swap3A_755 = tpu.memref_slice %arg7[%scan3A_357, %swap3A_753, %swap3A_754] : memref<2x32x384xf32, #tpu.memory_space<vmem>> -> memref<1x32x384xf32, #tpu.memory_space<vmem>>
        %swap3A_756 = tpu.memref_squeeze %swap3A_755 : memref<1x32x384xf32, #tpu.memory_space<vmem>> -> memref<32x384xf32, #tpu.memory_space<vmem>>
        %swap3A_757 = arith.index_cast %add3A_674 : i32 to index
        %swap3A_758 = arith.constant 96 : index
        %swap3A_759 = tpu.vector_load %swap3A_756[%swap3A_757, %swap3A_758] {strides = array<i32>} : memref<32x384xf32, #tpu.memory_space<vmem>>, vector<16xf32>,
        tpu.vector_store %swap3A_756[%swap3A_757, %swap3A_758], %gather3A_752 {strides = array<i32>} : memref<32x384xf32, #tpu.memory_space<vmem>>, vector<16xf32>,
        %gather3A_760 = arith.constant 0 : i32
        %gather3A_761 = arith.constant 0 : i32
        %gather3A_762 = tpu.memref_slice %arg5[%scan3A_356, %gather3A_760, %gather3A_761] : memref<2x32x384xf32, #tpu.memory_space<vmem>> -> memref<1x32x384xf32, #tpu.memory_space<vmem>>
        %gather3A_763 = tpu.memref_squeeze %gather3A_762 : memref<1x32x384xf32, #tpu.memory_space<vmem>> -> memref<32x384xf32, #tpu.memory_space<vmem>>
        %gather3A_764 = tpu.vector_load_idx %gather3A_763[%broadcast_in_dim3A_675, %add3A_29] : memref<32x384xf32, #tpu.memory_space<vmem>>[vector<16xi32>, vector<16xi32>], vector<16xf32>,
        %swap3A_765 = arith.constant 0 : i32
        %swap3A_766 = arith.constant 0 : i32
        %swap3A_767 = tpu.memref_slice %arg7[%scan3A_357, %swap3A_765, %swap3A_766] : memref<2x32x384xf32, #tpu.memory_space<vmem>> -> memref<1x32x384xf32, #tpu.memory_space<vmem>>
        %swap3A_768 = tpu.memref_squeeze %swap3A_767 : memref<1x32x384xf32, #tpu.memory_space<vmem>> -> memref<32x384xf32, #tpu.memory_space<vmem>>
        %swap3A_769 = arith.index_cast %add3A_674 : i32 to index
        %swap3A_770 = arith.constant 112 : index
        %swap3A_771 = tpu.vector_load %swap3A_768[%swap3A_769, %swap3A_770] {strides = array<i32>} : memref<32x384xf32, #tpu.memory_space<vmem>>, vector<16xf32>,
        tpu.vector_store %swap3A_768[%swap3A_769, %swap3A_770], %gather3A_764 {strides = array<i32>} : memref<32x384xf32, #tpu.memory_space<vmem>>, vector<16xf32>,
        %gather3A_772 = arith.constant 0 : i32
        %gather3A_773 = arith.constant 0 : i32
        %gather3A_774 = tpu.memref_slice %arg5[%scan3A_356, %gather3A_772, %gather3A_773] : memref<2x32x384xf32, #tpu.memory_space<vmem>> -> memref<1x32x384xf32, #tpu.memory_space<vmem>>
        %gather3A_775 = tpu.memref_squeeze %gather3A_774 : memref<1x32x384xf32, #tpu.memory_space<vmem>> -> memref<32x384xf32, #tpu.memory_space<vmem>>
        %gather3A_776 = tpu.vector_load_idx %gather3A_775[%broadcast_in_dim3A_675, %add3A_32] : memref<32x384xf32, #tpu.memory_space<vmem>>[vector<16xi32>, vector<16xi32>], vector<16xf32>,
        %swap3A_777 = arith.constant 0 : i32
        %swap3A_778 = arith.constant 0 : i32
        %swap3A_779 = tpu.memref_slice %arg7[%scan3A_357, %swap3A_777, %swap3A_778] : memref<2x32x384xf32, #tpu.memory_space<vmem>> -> memref<1x32x384xf32, #tpu.memory_space<vmem>>
        %swap3A_780 = tpu.memref_squeeze %swap3A_779 : memref<1x32x384xf32, #tpu.memory_space<vmem>> -> memref<32x384xf32, #tpu.memory_space<vmem>>
        %swap3A_781 = arith.index_cast %add3A_674 : i32 to index
        %swap3A_782 = arith.constant 128 : index
        %swap3A_783 = tpu.vector_load %swap3A_780[%swap3A_781, %swap3A_782] {strides = array<i32>} : memref<32x384xf32, #tpu.memory_space<vmem>>, vector<16xf32>,
        tpu.vector_store %swap3A_780[%swap3A_781, %swap3A_782], %gather3A_776 {strides = array<i32>} : memref<32x384xf32, #tpu.memory_space<vmem>>, vector<16xf32>,
        %gather3A_784 = arith.constant 0 : i32
        %gather3A_785 = arith.constant 0 : i32
        %gather3A_786 = tpu.memref_slice %arg5[%scan3A_356, %gather3A_784, %gather3A_785] : memref<2x32x384xf32, #tpu.memory_space<vmem>> -> memref<1x32x384xf32, #tpu.memory_space<vmem>>
        %gather3A_787 = tpu.memref_squeeze %gather3A_786 : memref<1x32x384xf32, #tpu.memory_space<vmem>> -> memref<32x384xf32, #tpu.memory_space<vmem>>
        %gather3A_788 = tpu.vector_load_idx %gather3A_787[%broadcast_in_dim3A_675, %add3A_35] : memref<32x384xf32, #tpu.memory_space<vmem>>[vector<16xi32>, vector<16xi32>], vector<16xf32>,
        %swap3A_789 = arith.constant 0 : i32
        %swap3A_790 = arith.constant 0 : i32
        %swap3A_791 = tpu.memref_slice %arg7[%scan3A_357, %swap3A_789, %swap3A_790] : memref<2x32x384xf32, #tpu.memory_space<vmem>> -> memref<1x32x384xf32, #tpu.memory_space<vmem>>
        %swap3A_792 = tpu.memref_squeeze %swap3A_791 : memref<1x32x384xf32, #tpu.memory_space<vmem>> -> memref<32x384xf32, #tpu.memory_space<vmem>>
        %swap3A_793 = arith.index_cast %add3A_674 : i32 to index
        %swap3A_794 = arith.constant 144 : index
        %swap3A_795 = tpu.vector_load %swap3A_792[%swap3A_793, %swap3A_794] {strides = array<i32>} : memref<32x384xf32, #tpu.memory_space<vmem>>, vector<16xf32>,
        tpu.vector_store %swap3A_792[%swap3A_793, %swap3A_794], %gather3A_788 {strides = array<i32>} : memref<32x384xf32, #tpu.memory_space<vmem>>, vector<16xf32>,
        %gather3A_796 = arith.constant 0 : i32
        %gather3A_797 = arith.constant 0 : i32
        %gather3A_798 = tpu.memref_slice %arg5[%scan3A_356, %gather3A_796, %gather3A_797] : memref<2x32x384xf32, #tpu.memory_space<vmem>> -> memref<1x32x384xf32, #tpu.memory_space<vmem>>
        %gather3A_799 = tpu.memref_squeeze %gather3A_798 : memref<1x32x384xf32, #tpu.memory_space<vmem>> -> memref<32x384xf32, #tpu.memory_space<vmem>>
        %gather3A_800 = tpu.vector_load_idx %gather3A_799[%broadcast_in_dim3A_675, %add3A_38] : memref<32x384xf32, #tpu.memory_space<vmem>>[vector<16xi32>, vector<16xi32>], vector<16xf32>,
        %swap3A_801 = arith.constant 0 : i32
        %swap3A_802 = arith.constant 0 : i32
        %swap3A_803 = tpu.memref_slice %arg7[%scan3A_357, %swap3A_801, %swap3A_802] : memref<2x32x384xf32, #tpu.memory_space<vmem>> -> memref<1x32x384xf32, #tpu.memory_space<vmem>>
        %swap3A_804 = tpu.memref_squeeze %swap3A_803 : memref<1x32x384xf32, #tpu.memory_space<vmem>> -> memref<32x384xf32, #tpu.memory_space<vmem>>
        %swap3A_805 = arith.index_cast %add3A_674 : i32 to index
        %swap3A_806 = arith.constant 160 : index
        %swap3A_807 = tpu.vector_load %swap3A_804[%swap3A_805, %swap3A_806] {strides = array<i32>} : memref<32x384xf32, #tpu.memory_space<vmem>>, vector<16xf32>,
        tpu.vector_store %swap3A_804[%swap3A_805, %swap3A_806], %gather3A_800 {strides = array<i32>} : memref<32x384xf32, #tpu.memory_space<vmem>>, vector<16xf32>,
        %gather3A_808 = arith.constant 0 : i32
        %gather3A_809 = arith.constant 0 : i32
        %gather3A_810 = tpu.memref_slice %arg5[%scan3A_356, %gather3A_808, %gather3A_809] : memref<2x32x384xf32, #tpu.memory_space<vmem>> -> memref<1x32x384xf32, #tpu.memory_space<vmem>>
        %gather3A_811 = tpu.memref_squeeze %gather3A_810 : memref<1x32x384xf32, #tpu.memory_space<vmem>> -> memref<32x384xf32, #tpu.memory_space<vmem>>
        %gather3A_812 = tpu.vector_load_idx %gather3A_811[%broadcast_in_dim3A_675, %add3A_41] : memref<32x384xf32, #tpu.memory_space<vmem>>[vector<16xi32>, vector<16xi32>], vector<16xf32>,
        %swap3A_813 = arith.constant 0 : i32
        %swap3A_814 = arith.constant 0 : i32
        %swap3A_815 = tpu.memref_slice %arg7[%scan3A_357, %swap3A_813, %swap3A_814] : memref<2x32x384xf32, #tpu.memory_space<vmem>> -> memref<1x32x384xf32, #tpu.memory_space<vmem>>
        %swap3A_816 = tpu.memref_squeeze %swap3A_815 : memref<1x32x384xf32, #tpu.memory_space<vmem>> -> memref<32x384xf32, #tpu.memory_space<vmem>>
        %swap3A_817 = arith.index_cast %add3A_674 : i32 to index
        %swap3A_818 = arith.constant 176 : index
        %swap3A_819 = tpu.vector_load %swap3A_816[%swap3A_817, %swap3A_818] {strides = array<i32>} : memref<32x384xf32, #tpu.memory_space<vmem>>, vector<16xf32>,
        tpu.vector_store %swap3A_816[%swap3A_817, %swap3A_818], %gather3A_812 {strides = array<i32>} : memref<32x384xf32, #tpu.memory_space<vmem>>, vector<16xf32>,
        %gather3A_820 = arith.constant 0 : i32
        %gather3A_821 = arith.constant 0 : i32
        %gather3A_822 = tpu.memref_slice %arg6[%scan3A_358, %gather3A_820, %gather3A_821] : memref<2x32x384xf32, #tpu.memory_space<vmem>> -> memref<1x32x384xf32, #tpu.memory_space<vmem>>
        %gather3A_823 = tpu.memref_squeeze %gather3A_822 : memref<1x32x384xf32, #tpu.memory_space<vmem>> -> memref<32x384xf32, #tpu.memory_space<vmem>>
        %gather3A_824 = tpu.vector_load_idx %gather3A_823[%broadcast_in_dim3A_675, %add3A_47] : memref<32x384xf32, #tpu.memory_space<vmem>>[vector<16xi32>, vector<16xi32>], vector<16xf32>,
        %swap3A_825 = arith.constant 0 : i32
        %swap3A_826 = arith.constant 0 : i32
        %swap3A_827 = tpu.memref_slice %arg7[%scan3A_357, %swap3A_825, %swap3A_826] : memref<2x32x384xf32, #tpu.memory_space<vmem>> -> memref<1x32x384xf32, #tpu.memory_space<vmem>>
        %swap3A_828 = tpu.memref_squeeze %swap3A_827 : memref<1x32x384xf32, #tpu.memory_space<vmem>> -> memref<32x384xf32, #tpu.memory_space<vmem>>
        %swap3A_829 = arith.index_cast %add3A_674 : i32 to index
        %swap3A_830 = arith.constant 192 : index
        %swap3A_831 = tpu.vector_load %swap3A_828[%swap3A_829, %swap3A_830] {strides = array<i32>} : memref<32x384xf32, #tpu.memory_space<vmem>>, vector<16xf32>,
        tpu.vector_store %swap3A_828[%swap3A_829, %swap3A_830], %gather3A_824 {strides = array<i32>} : memref<32x384xf32, #tpu.memory_space<vmem>>, vector<16xf32>,
        %gather3A_832 = arith.constant 0 : i32
        %gather3A_833 = arith.constant 0 : i32
        %gather3A_834 = tpu.memref_slice %arg6[%scan3A_358, %gather3A_832, %gather3A_833] : memref<2x32x384xf32, #tpu.memory_space<vmem>> -> memref<1x32x384xf32, #tpu.memory_space<vmem>>
        %gather3A_835 = tpu.memref_squeeze %gather3A_834 : memref<1x32x384xf32, #tpu.memory_space<vmem>> -> memref<32x384xf32, #tpu.memory_space<vmem>>
        %gather3A_836 = tpu.vector_load_idx %gather3A_835[%broadcast_in_dim3A_675, %add3A_53] : memref<32x384xf32, #tpu.memory_space<vmem>>[vector<16xi32>, vector<16xi32>], vector<16xf32>,
        %swap3A_837 = arith.constant 0 : i32
        %swap3A_838 = arith.constant 0 : i32
        %swap3A_839 = tpu.memref_slice %arg7[%scan3A_357, %swap3A_837, %swap3A_838] : memref<2x32x384xf32, #tpu.memory_space<vmem>> -> memref<1x32x384xf32, #tpu.memory_space<vmem>>
        %swap3A_840 = tpu.memref_squeeze %swap3A_839 : memref<1x32x384xf32, #tpu.memory_space<vmem>> -> memref<32x384xf32, #tpu.memory_space<vmem>>
        %swap3A_841 = arith.index_cast %add3A_674 : i32 to index
        %swap3A_842 = arith.constant 208 : index
        %swap3A_843 = tpu.vector_load %swap3A_840[%swap3A_841, %swap3A_842] {strides = array<i32>} : memref<32x384xf32, #tpu.memory_space<vmem>>, vector<16xf32>,
        tpu.vector_store %swap3A_840[%swap3A_841, %swap3A_842], %gather3A_836 {strides = array<i32>} : memref<32x384xf32, #tpu.memory_space<vmem>>, vector<16xf32>,
        %gather3A_844 = arith.constant 0 : i32
        %gather3A_845 = arith.constant 0 : i32
        %gather3A_846 = tpu.memref_slice %arg6[%scan3A_358, %gather3A_844, %gather3A_845] : memref<2x32x384xf32, #tpu.memory_space<vmem>> -> memref<1x32x384xf32, #tpu.memory_space<vmem>>
        %gather3A_847 = tpu.memref_squeeze %gather3A_846 : memref<1x32x384xf32, #tpu.memory_space<vmem>> -> memref<32x384xf32, #tpu.memory_space<vmem>>
        %gather3A_848 = tpu.vector_load_idx %gather3A_847[%broadcast_in_dim3A_675, %add3A_59] : memref<32x384xf32, #tpu.memory_space<vmem>>[vector<16xi32>, vector<16xi32>], vector<16xf32>,
        %swap3A_849 = arith.constant 0 : i32
        %swap3A_850 = arith.constant 0 : i32
        %swap3A_851 = tpu.memref_slice %arg7[%scan3A_357, %swap3A_849, %swap3A_850] : memref<2x32x384xf32, #tpu.memory_space<vmem>> -> memref<1x32x384xf32, #tpu.memory_space<vmem>>
        %swap3A_852 = tpu.memref_squeeze %swap3A_851 : memref<1x32x384xf32, #tpu.memory_space<vmem>> -> memref<32x384xf32, #tpu.memory_space<vmem>>
        %swap3A_853 = arith.index_cast %add3A_674 : i32 to index
        %swap3A_854 = arith.constant 224 : index
        %swap3A_855 = tpu.vector_load %swap3A_852[%swap3A_853, %swap3A_854] {strides = array<i32>} : memref<32x384xf32, #tpu.memory_space<vmem>>, vector<16xf32>,
        tpu.vector_store %swap3A_852[%swap3A_853, %swap3A_854], %gather3A_848 {strides = array<i32>} : memref<32x384xf32, #tpu.memory_space<vmem>>, vector<16xf32>,
        %gather3A_856 = arith.constant 0 : i32
        %gather3A_857 = arith.constant 0 : i32
        %gather3A_858 = tpu.memref_slice %arg6[%scan3A_358, %gather3A_856, %gather3A_857] : memref<2x32x384xf32, #tpu.memory_space<vmem>> -> memref<1x32x384xf32, #tpu.memory_space<vmem>>
        %gather3A_859 = tpu.memref_squeeze %gather3A_858 : memref<1x32x384xf32, #tpu.memory_space<vmem>> -> memref<32x384xf32, #tpu.memory_space<vmem>>
        %gather3A_860 = tpu.vector_load_idx %gather3A_859[%broadcast_in_dim3A_675, %add3A_65] : memref<32x384xf32, #tpu.memory_space<vmem>>[vector<16xi32>, vector<16xi32>], vector<16xf32>,
        %swap3A_861 = arith.constant 0 : i32
        %swap3A_862 = arith.constant 0 : i32
        %swap3A_863 = tpu.memref_slice %arg7[%scan3A_357, %swap3A_861, %swap3A_862] : memref<2x32x384xf32, #tpu.memory_space<vmem>> -> memref<1x32x384xf32, #tpu.memory_space<vmem>>
        %swap3A_864 = tpu.memref_squeeze %swap3A_863 : memref<1x32x384xf32, #tpu.memory_space<vmem>> -> memref<32x384xf32, #tpu.memory_space<vmem>>
        %swap3A_865 = arith.index_cast %add3A_674 : i32 to index
        %swap3A_866 = arith.constant 240 : index
        %swap3A_867 = tpu.vector_load %swap3A_864[%swap3A_865, %swap3A_866] {strides = array<i32>} : memref<32x384xf32, #tpu.memory_space<vmem>>, vector<16xf32>,
        tpu.vector_store %swap3A_864[%swap3A_865, %swap3A_866], %gather3A_860 {strides = array<i32>} : memref<32x384xf32, #tpu.memory_space<vmem>>, vector<16xf32>,
        %gather3A_868 = arith.constant 0 : i32
        %gather3A_869 = arith.constant 0 : i32
        %gather3A_870 = tpu.memref_slice %arg6[%scan3A_358, %gather3A_868, %gather3A_869] : memref<2x32x384xf32, #tpu.memory_space<vmem>> -> memref<1x32x384xf32, #tpu.memory_space<vmem>>
        %gather3A_871 = tpu.memref_squeeze %gather3A_870 : memref<1x32x384xf32, #tpu.memory_space<vmem>> -> memref<32x384xf32, #tpu.memory_space<vmem>>
        %gather3A_872 = tpu.vector_load_idx %gather3A_871[%broadcast_in_dim3A_675, %add3A_71] : memref<32x384xf32, #tpu.memory_space<vmem>>[vector<16xi32>, vector<16xi32>], vector<16xf32>,
        %swap3A_873 = arith.constant 0 : i32
        %swap3A_874 = arith.constant 0 : i32
        %swap3A_875 = tpu.memref_slice %arg7[%scan3A_357, %swap3A_873, %swap3A_874] : memref<2x32x384xf32, #tpu.memory_space<vmem>> -> memref<1x32x384xf32, #tpu.memory_space<vmem>>
        %swap3A_876 = tpu.memref_squeeze %swap3A_875 : memref<1x32x384xf32, #tpu.memory_space<vmem>> -> memref<32x384xf32, #tpu.memory_space<vmem>>
        %swap3A_877 = arith.index_cast %add3A_674 : i32 to index
        %swap3A_878 = arith.constant 256 : index
        %swap3A_879 = tpu.vector_load %swap3A_876[%swap3A_877, %swap3A_878] {strides = array<i32>} : memref<32x384xf32, #tpu.memory_space<vmem>>, vector<16xf32>,
        tpu.vector_store %swap3A_876[%swap3A_877, %swap3A_878], %gather3A_872 {strides = array<i32>} : memref<32x384xf32, #tpu.memory_space<vmem>>, vector<16xf32>,
        %gather3A_880 = arith.constant 0 : i32
        %gather3A_881 = arith.constant 0 : i32
        %gather3A_882 = tpu.memref_slice %arg6[%scan3A_358, %gather3A_880, %gather3A_881] : memref<2x32x384xf32, #tpu.memory_space<vmem>> -> memref<1x32x384xf32, #tpu.memory_space<vmem>>
        %gather3A_883 = tpu.memref_squeeze %gather3A_882 : memref<1x32x384xf32, #tpu.memory_space<vmem>> -> memref<32x384xf32, #tpu.memory_space<vmem>>
        %gather3A_884 = tpu.vector_load_idx %gather3A_883[%broadcast_in_dim3A_675, %add3A_77] : memref<32x384xf32, #tpu.memory_space<vmem>>[vector<16xi32>, vector<16xi32>], vector<16xf32>,
        %swap3A_885 = arith.constant 0 : i32
        %swap3A_886 = arith.constant 0 : i32
        %swap3A_887 = tpu.memref_slice %arg7[%scan3A_357, %swap3A_885, %swap3A_886] : memref<2x32x384xf32, #tpu.memory_space<vmem>> -> memref<1x32x384xf32, #tpu.memory_space<vmem>>
        %swap3A_888 = tpu.memref_squeeze %swap3A_887 : memref<1x32x384xf32, #tpu.memory_space<vmem>> -> memref<32x384xf32, #tpu.memory_space<vmem>>
        %swap3A_889 = arith.index_cast %add3A_674 : i32 to index
        %swap3A_890 = arith.constant 272 : index
        %swap3A_891 = tpu.vector_load %swap3A_888[%swap3A_889, %swap3A_890] {strides = array<i32>} : memref<32x384xf32, #tpu.memory_space<vmem>>, vector<16xf32>,
        tpu.vector_store %swap3A_888[%swap3A_889, %swap3A_890], %gather3A_884 {strides = array<i32>} : memref<32x384xf32, #tpu.memory_space<vmem>>, vector<16xf32>,
        %gather3A_892 = arith.constant 0 : i32
        %gather3A_893 = arith.constant 0 : i32
        %gather3A_894 = tpu.memref_slice %arg6[%scan3A_358, %gather3A_892, %gather3A_893] : memref<2x32x384xf32, #tpu.memory_space<vmem>> -> memref<1x32x384xf32, #tpu.memory_space<vmem>>
        %gather3A_895 = tpu.memref_squeeze %gather3A_894 : memref<1x32x384xf32, #tpu.memory_space<vmem>> -> memref<32x384xf32, #tpu.memory_space<vmem>>
        %gather3A_896 = tpu.vector_load_idx %gather3A_895[%broadcast_in_dim3A_675, %add3A_83] : memref<32x384xf32, #tpu.memory_space<vmem>>[vector<16xi32>, vector<16xi32>], vector<16xf32>,
        %swap3A_897 = arith.constant 0 : i32
        %swap3A_898 = arith.constant 0 : i32
        %swap3A_899 = tpu.memref_slice %arg7[%scan3A_357, %swap3A_897, %swap3A_898] : memref<2x32x384xf32, #tpu.memory_space<vmem>> -> memref<1x32x384xf32, #tpu.memory_space<vmem>>
        %swap3A_900 = tpu.memref_squeeze %swap3A_899 : memref<1x32x384xf32, #tpu.memory_space<vmem>> -> memref<32x384xf32, #tpu.memory_space<vmem>>
        %swap3A_901 = arith.index_cast %add3A_674 : i32 to index
        %swap3A_902 = arith.constant 288 : index
        %swap3A_903 = tpu.vector_load %swap3A_900[%swap3A_901, %swap3A_902] {strides = array<i32>} : memref<32x384xf32, #tpu.memory_space<vmem>>, vector<16xf32>,
        tpu.vector_store %swap3A_900[%swap3A_901, %swap3A_902], %gather3A_896 {strides = array<i32>} : memref<32x384xf32, #tpu.memory_space<vmem>>, vector<16xf32>,
        %gather3A_904 = arith.constant 0 : i32
        %gather3A_905 = arith.constant 0 : i32
        %gather3A_906 = tpu.memref_slice %arg6[%scan3A_358, %gather3A_904, %gather3A_905] : memref<2x32x384xf32, #tpu.memory_space<vmem>> -> memref<1x32x384xf32, #tpu.memory_space<vmem>>
        %gather3A_907 = tpu.memref_squeeze %gather3A_906 : memref<1x32x384xf32, #tpu.memory_space<vmem>> -> memref<32x384xf32, #tpu.memory_space<vmem>>
        %gather3A_908 = tpu.vector_load_idx %gather3A_907[%broadcast_in_dim3A_675, %add3A_89] : memref<32x384xf32, #tpu.memory_space<vmem>>[vector<16xi32>, vector<16xi32>], vector<16xf32>,
        %swap3A_909 = arith.constant 0 : i32
        %swap3A_910 = arith.constant 0 : i32
        %swap3A_911 = tpu.memref_slice %arg7[%scan3A_357, %swap3A_909, %swap3A_910] : memref<2x32x384xf32, #tpu.memory_space<vmem>> -> memref<1x32x384xf32, #tpu.memory_space<vmem>>
        %swap3A_912 = tpu.memref_squeeze %swap3A_911 : memref<1x32x384xf32, #tpu.memory_space<vmem>> -> memref<32x384xf32, #tpu.memory_space<vmem>>
        %swap3A_913 = arith.index_cast %add3A_674 : i32 to index
        %swap3A_914 = arith.constant 304 : index
        %swap3A_915 = tpu.vector_load %swap3A_912[%swap3A_913, %swap3A_914] {strides = array<i32>} : memref<32x384xf32, #tpu.memory_space<vmem>>, vector<16xf32>,
        tpu.vector_store %swap3A_912[%swap3A_913, %swap3A_914], %gather3A_908 {strides = array<i32>} : memref<32x384xf32, #tpu.memory_space<vmem>>, vector<16xf32>,
        %gather3A_916 = arith.constant 0 : i32
        %gather3A_917 = arith.constant 0 : i32
        %gather3A_918 = tpu.memref_slice %arg6[%scan3A_358, %gather3A_916, %gather3A_917] : memref<2x32x384xf32, #tpu.memory_space<vmem>> -> memref<1x32x384xf32, #tpu.memory_space<vmem>>
        %gather3A_919 = tpu.memref_squeeze %gather3A_918 : memref<1x32x384xf32, #tpu.memory_space<vmem>> -> memref<32x384xf32, #tpu.memory_space<vmem>>
        %gather3A_920 = tpu.vector_load_idx %gather3A_919[%broadcast_in_dim3A_675, %add3A_95] : memref<32x384xf32, #tpu.memory_space<vmem>>[vector<16xi32>, vector<16xi32>], vector<16xf32>,
        %swap3A_921 = arith.constant 0 : i32
        %swap3A_922 = arith.constant 0 : i32
        %swap3A_923 = tpu.memref_slice %arg7[%scan3A_357, %swap3A_921, %swap3A_922] : memref<2x32x384xf32, #tpu.memory_space<vmem>> -> memref<1x32x384xf32, #tpu.memory_space<vmem>>
        %swap3A_924 = tpu.memref_squeeze %swap3A_923 : memref<1x32x384xf32, #tpu.memory_space<vmem>> -> memref<32x384xf32, #tpu.memory_space<vmem>>
        %swap3A_925 = arith.index_cast %add3A_674 : i32 to index
        %swap3A_926 = arith.constant 320 : index
        %swap3A_927 = tpu.vector_load %swap3A_924[%swap3A_925, %swap3A_926] {strides = array<i32>} : memref<32x384xf32, #tpu.memory_space<vmem>>, vector<16xf32>,
        tpu.vector_store %swap3A_924[%swap3A_925, %swap3A_926], %gather3A_920 {strides = array<i32>} : memref<32x384xf32, #tpu.memory_space<vmem>>, vector<16xf32>,
        %gather3A_928 = arith.constant 0 : i32
        %gather3A_929 = arith.constant 0 : i32
        %gather3A_930 = tpu.memref_slice %arg6[%scan3A_358, %gather3A_928, %gather3A_929] : memref<2x32x384xf32, #tpu.memory_space<vmem>> -> memref<1x32x384xf32, #tpu.memory_space<vmem>>
        %gather3A_931 = tpu.memref_squeeze %gather3A_930 : memref<1x32x384xf32, #tpu.memory_space<vmem>> -> memref<32x384xf32, #tpu.memory_space<vmem>>
        %gather3A_932 = tpu.vector_load_idx %gather3A_931[%broadcast_in_dim3A_675, %add3A_101] : memref<32x384xf32, #tpu.memory_space<vmem>>[vector<16xi32>, vector<16xi32>], vector<16xf32>,
        %swap3A_933 = arith.constant 0 : i32
        %swap3A_934 = arith.constant 0 : i32
        %swap3A_935 = tpu.memref_slice %arg7[%scan3A_357, %swap3A_933, %swap3A_934] : memref<2x32x384xf32, #tpu.memory_space<vmem>> -> memref<1x32x384xf32, #tpu.memory_space<vmem>>
        %swap3A_936 = tpu.memref_squeeze %swap3A_935 : memref<1x32x384xf32, #tpu.memory_space<vmem>> -> memref<32x384xf32, #tpu.memory_space<vmem>>
        %swap3A_937 = arith.index_cast %add3A_674 : i32 to index
        %swap3A_938 = arith.constant 336 : index
        %swap3A_939 = tpu.vector_load %swap3A_936[%swap3A_937, %swap3A_938] {strides = array<i32>} : memref<32x384xf32, #tpu.memory_space<vmem>>, vector<16xf32>,
        tpu.vector_store %swap3A_936[%swap3A_937, %swap3A_938], %gather3A_932 {strides = array<i32>} : memref<32x384xf32, #tpu.memory_space<vmem>>, vector<16xf32>,
        %gather3A_940 = arith.constant 0 : i32
        %gather3A_941 = arith.constant 0 : i32
        %gather3A_942 = tpu.memref_slice %arg6[%scan3A_358, %gather3A_940, %gather3A_941] : memref<2x32x384xf32, #tpu.memory_space<vmem>> -> memref<1x32x384xf32, #tpu.memory_space<vmem>>
        %gather3A_943 = tpu.memref_squeeze %gather3A_942 : memref<1x32x384xf32, #tpu.memory_space<vmem>> -> memref<32x384xf32, #tpu.memory_space<vmem>>
        %gather3A_944 = tpu.vector_load_idx %gather3A_943[%broadcast_in_dim3A_675, %add3A_107] : memref<32x384xf32, #tpu.memory_space<vmem>>[vector<16xi32>, vector<16xi32>], vector<16xf32>,
        %swap3A_945 = arith.constant 0 : i32
        %swap3A_946 = arith.constant 0 : i32
        %swap3A_947 = tpu.memref_slice %arg7[%scan3A_357, %swap3A_945, %swap3A_946] : memref<2x32x384xf32, #tpu.memory_space<vmem>> -> memref<1x32x384xf32, #tpu.memory_space<vmem>>
        %swap3A_948 = tpu.memref_squeeze %swap3A_947 : memref<1x32x384xf32, #tpu.memory_space<vmem>> -> memref<32x384xf32, #tpu.memory_space<vmem>>
        %swap3A_949 = arith.index_cast %add3A_674 : i32 to index
        %swap3A_950 = arith.constant 352 : index
        %swap3A_951 = tpu.vector_load %swap3A_948[%swap3A_949, %swap3A_950] {strides = array<i32>} : memref<32x384xf32, #tpu.memory_space<vmem>>, vector<16xf32>,
        tpu.vector_store %swap3A_948[%swap3A_949, %swap3A_950], %gather3A_944 {strides = array<i32>} : memref<32x384xf32, #tpu.memory_space<vmem>>, vector<16xf32>,
        %gather3A_952 = arith.constant 0 : i32
        %gather3A_953 = arith.constant 0 : i32
        %gather3A_954 = tpu.memref_slice %arg6[%scan3A_358, %gather3A_952, %gather3A_953] : memref<2x32x384xf32, #tpu.memory_space<vmem>> -> memref<1x32x384xf32, #tpu.memory_space<vmem>>
        %gather3A_955 = tpu.memref_squeeze %gather3A_954 : memref<1x32x384xf32, #tpu.memory_space<vmem>> -> memref<32x384xf32, #tpu.memory_space<vmem>>
        %gather3A_956 = tpu.vector_load_idx %gather3A_955[%broadcast_in_dim3A_675, %add3A_113] : memref<32x384xf32, #tpu.memory_space<vmem>>[vector<16xi32>, vector<16xi32>], vector<16xf32>,
        %swap3A_957 = arith.constant 0 : i32
        %swap3A_958 = arith.constant 0 : i32
        %swap3A_959 = tpu.memref_slice %arg7[%scan3A_357, %swap3A_957, %swap3A_958] : memref<2x32x384xf32, #tpu.memory_space<vmem>> -> memref<1x32x384xf32, #tpu.memory_space<vmem>>
        %swap3A_960 = tpu.memref_squeeze %swap3A_959 : memref<1x32x384xf32, #tpu.memory_space<vmem>> -> memref<32x384xf32, #tpu.memory_space<vmem>>
        %swap3A_961 = arith.index_cast %add3A_674 : i32 to index
        %swap3A_962 = arith.constant 368 : index
        %swap3A_963 = tpu.vector_load %swap3A_960[%swap3A_961, %swap3A_962] {strides = array<i32>} : memref<32x384xf32, #tpu.memory_space<vmem>>, vector<16xf32>,
        tpu.vector_store %swap3A_960[%swap3A_961, %swap3A_962], %gather3A_956 {strides = array<i32>} : memref<32x384xf32, #tpu.memory_space<vmem>>, vector<16xf32>,
      }
      %scan3A_363 = arith.constant 16 : i32
      %mul3A_364 = arith.constant 32 : i32
      %mul3A_365 = arith.muli %add3A_311, %mul3A_364 : i32
      %add3A_366 = arith.addi %mul3A_2, %mul3A_365 : i32
      %dma_start3A_367 = arith.constant 1 : i32
      %dma_start3A_368 = arith.constant 0 : i32
      %dma_start3A_369 = arith.constant 0 : i32
      %dma_start3A_370 = tpu.memref_slice %arg7[%dma_start3A_367, %dma_start3A_368, %dma_start3A_369] : memref<2x32x384xf32, #tpu.memory_space<vmem>> -> memref<1x32x384xf32, #tpu.memory_space<vmem>>
      %dma_start3A_371 = tpu.memref_squeeze %dma_start3A_370 : memref<1x32x384xf32, #tpu.memory_space<vmem>> -> memref<32x384xf32, #tpu.memory_space<vmem>>
      %dma_start3A_372 = arith.constant 0 : i32
      %dma_start3A_373 = tpu.memref_slice %arg4[%add3A_366, %dma_start3A_372] : memref<50176x384xf32, #tpu.memory_space<hbm>> -> memref<32x384xf32, #tpu.memory_space<hbm>>
      %dma_start3A_374 = arith.constant 0 : i32
      %dma_start3A_375 = tpu.memref_slice %arg4[%add3A_366, %dma_start3A_374] : memref<50176x384xf32, #tpu.memory_space<hbm>> -> memref<32x384xf32, #tpu.memory_space<hbm>>
      %dma_start3A_376 = arith.constant 0 : i32
      %dma_start3A_377 = arith.constant 0 : i32
      %dma_start3A_378 = tpu.memref_slice %arg7[%dma_start3A_367, %dma_start3A_376, %dma_start3A_377] : memref<2x32x384xf32, #tpu.memory_space<vmem>> -> memref<1x32x384xf32, #tpu.memory_space<vmem>>
      %dma_start3A_379 = tpu.memref_squeeze %dma_start3A_378 : memref<1x32x384xf32, #tpu.memory_space<vmem>> -> memref<32x384xf32, #tpu.memory_space<vmem>>
      tpu.enqueue_dma source(%dma_start3A_379 : memref<32x384xf32, #tpu.memory_space<vmem>>) target(%dma_start3A_375 : memref<32x384xf32, #tpu.memory_space<hbm>>) target_semaphore(%arg13 : memref<!tpu.dma_semaphore, #tpu.memory_space<semaphore_mem>>)
    }
    %scan3A_145 = arith.constant 24 : i32
    %add3A_146 = arith.constant 1536 : i32
    %add3A_147 = arith.addi %mul3A_2, %add3A_146 : i32
    %dma_wait3A = arith.constant 0 : i32
    %dma_wait3A_148 = arith.constant 0 : i32
    %dma_wait3A_149 = arith.constant 0 : i32
    %dma_wait3A_150 = tpu.memref_slice %arg5[%dma_wait3A, %dma_wait3A_148, %dma_wait3A_149] : memref<2x32x384xf32, #tpu.memory_space<vmem>> -> memref<1x32x384xf32, #tpu.memory_space<vmem>>
    %dma_wait3A_151 = tpu.memref_squeeze %dma_wait3A_150 : memref<1x32x384xf32, #tpu.memory_space<vmem>> -> memref<32x384xf32, #tpu.memory_space<vmem>>
    %dma_wait3A_152 = arith.constant 0 : i32
    %dma_wait3A_153 = tpu.memref_slice %arg2[%add3A_147, %dma_wait3A_152] : memref<50176x384xf32, #tpu.memory_space<hbm>> -> memref<32x384xf32, #tpu.memory_space<hbm>>
    %dma_wait3A_154 = arith.constant 0 : i32
    %dma_wait3A_155 = arith.constant 0 : i32
    %dma_wait3A_156 = tpu.memref_slice %arg5[%dma_wait3A, %dma_wait3A_154, %dma_wait3A_155] : memref<2x32x384xf32, #tpu.memory_space<vmem>> -> memref<1x32x384xf32, #tpu.memory_space<vmem>>
    %dma_wait3A_157 = tpu.memref_squeeze %dma_wait3A_156 : memref<1x32x384xf32, #tpu.memory_space<vmem>> -> memref<32x384xf32, #tpu.memory_space<vmem>>
    %dma_wait3A_158 = arith.constant 0 : i32
    %dma_wait3A_159 = tpu.memref_slice %arg2[%add3A_147, %dma_wait3A_158] : memref<50176x384xf32, #tpu.memory_space<hbm>> -> memref<32x384xf32, #tpu.memory_space<hbm>>
    tpu.wait_dma2 semaphore(%arg8 : memref<!tpu.dma_semaphore, #tpu.memory_space<semaphore_mem>>) src(%dma_wait3A_159 : memref<32x384xf32, #tpu.memory_space<hbm>>) dst(%dma_wait3A_157 : memref<32x384xf32, #tpu.memory_space<vmem>>)
    %dma_wait3A_160 = arith.constant 0 : i32
    %dma_wait3A_161 = arith.constant 0 : i32
    %dma_wait3A_162 = arith.constant 0 : i32
    %dma_wait3A_163 = tpu.memref_slice %arg6[%dma_wait3A_160, %dma_wait3A_161, %dma_wait3A_162] : memref<2x32x384xf32, #tpu.memory_space<vmem>> -> memref<1x32x384xf32, #tpu.memory_space<vmem>>
    %dma_wait3A_164 = tpu.memref_squeeze %dma_wait3A_163 : memref<1x32x384xf32, #tpu.memory_space<vmem>> -> memref<32x384xf32, #tpu.memory_space<vmem>>
    %dma_wait3A_165 = arith.constant 0 : i32
    %dma_wait3A_166 = tpu.memref_slice %arg3[%add3A_147, %dma_wait3A_165] : memref<50176x384xf32, #tpu.memory_space<hbm>> -> memref<32x384xf32, #tpu.memory_space<hbm>>
    %dma_wait3A_167 = arith.constant 0 : i32
    %dma_wait3A_168 = arith.constant 0 : i32
    %dma_wait3A_169 = tpu.memref_slice %arg6[%dma_wait3A_160, %dma_wait3A_167, %dma_wait3A_168] : memref<2x32x384xf32, #tpu.memory_space<vmem>> -> memref<1x32x384xf32, #tpu.memory_space<vmem>>
    %dma_wait3A_170 = tpu.memref_squeeze %dma_wait3A_169 : memref<1x32x384xf32, #tpu.memory_space<vmem>> -> memref<32x384xf32, #tpu.memory_space<vmem>>
    %dma_wait3A_171 = arith.constant 0 : i32
    %dma_wait3A_172 = tpu.memref_slice %arg3[%add3A_147, %dma_wait3A_171] : memref<50176x384xf32, #tpu.memory_space<hbm>> -> memref<32x384xf32, #tpu.memory_space<hbm>>
    tpu.wait_dma2 semaphore(%arg10 : memref<!tpu.dma_semaphore, #tpu.memory_space<semaphore_mem>>) src(%dma_wait3A_172 : memref<32x384xf32, #tpu.memory_space<hbm>>) dst(%dma_wait3A_170 : memref<32x384xf32, #tpu.memory_space<vmem>>)
    %add3A_173 = arith.constant 1472 : i32
    %add3A_174 = arith.addi %mul3A_2, %add3A_173 : i32
    %dma_wait3A_175 = arith.constant 0 : i32
    %dma_wait3A_176 = arith.constant 0 : i32
    %dma_wait3A_177 = arith.constant 0 : i32
    %dma_wait3A_178 = tpu.memref_slice %arg7[%dma_wait3A_175, %dma_wait3A_176, %dma_wait3A_177] : memref<2x32x384xf32, #tpu.memory_space<vmem>> -> memref<1x32x384xf32, #tpu.memory_space<vmem>>
    %dma_wait3A_179 = tpu.memref_squeeze %dma_wait3A_178 : memref<1x32x384xf32, #tpu.memory_space<vmem>> -> memref<32x384xf32, #tpu.memory_space<vmem>>
    %dma_wait3A_180 = arith.constant 0 : i32
    %dma_wait3A_181 = tpu.memref_slice %arg4[%add3A_174, %dma_wait3A_180] : memref<50176x384xf32, #tpu.memory_space<hbm>> -> memref<32x384xf32, #tpu.memory_space<hbm>>
    %dma_wait3A_182 = arith.constant 0 : i32
    %dma_wait3A_183 = tpu.memref_slice %arg4[%add3A_174, %dma_wait3A_182] : memref<50176x384xf32, #tpu.memory_space<hbm>> -> memref<32x384xf32, #tpu.memory_space<hbm>>
    %dma_wait3A_184 = arith.constant 0 : i32
    %dma_wait3A_185 = arith.constant 0 : i32
    %dma_wait3A_186 = tpu.memref_slice %arg7[%dma_wait3A_175, %dma_wait3A_184, %dma_wait3A_185] : memref<2x32x384xf32, #tpu.memory_space<vmem>> -> memref<1x32x384xf32, #tpu.memory_space<vmem>>
    %dma_wait3A_187 = tpu.memref_squeeze %dma_wait3A_186 : memref<1x32x384xf32, #tpu.memory_space<vmem>> -> memref<32x384xf32, #tpu.memory_space<vmem>>
    tpu.wait_dma2 semaphore(%arg12 : memref<!tpu.dma_semaphore, #tpu.memory_space<semaphore_mem>>) src(%dma_wait3A_187 : memref<32x384xf32, #tpu.memory_space<vmem>>) dst(%dma_wait3A_183 : memref<32x384xf32, #tpu.memory_space<hbm>>)
    %scan3A_188 = arith.constant 0 : i32
    %scan3A_189 = arith.constant 0 : i32
    %scan3A_190 = arith.constant 0 : i32
    %scan3A_191 = arith.constant 0 : i32
    %scan3A_192 = arith.constant 0 : i32
    %scan3A_193 = arith.constant 16 : i32
    %scan3A_194 = arith.addi %scan3A_192, %scan3A_193 : i32
    %scan3A_195 = arith.constant 1 : i32
    scf.for %scan3A_242 = %scan3A_192 to %scan3A_194 step %scan3A_195  : i32 {
      %mul3A_243 = arith.constant 2 : i32
      %mul3A_244 = arith.muli %mul3A_243, %scan3A_242 : i32
      %add3A_245 = arith.constant 0 : i32
      %add3A_246 = arith.addi %mul3A_244, %add3A_245 : i32
      %broadcast_in_dim3A = vector.broadcast %add3A_246 : i32 to vector<16xi32>
      %gather3A = arith.constant 0 : i32
      %gather3A_247 = arith.constant 0 : i32
      %gather3A_248 = tpu.memref_slice %arg5[%scan3A_189, %gather3A, %gather3A_247] : memref<2x32x384xf32, #tpu.memory_space<vmem>> -> memref<1x32x384xf32, #tpu.memory_space<vmem>>
      %gather3A_249 = tpu.memref_squeeze %gather3A_248 : memref<1x32x384xf32, #tpu.memory_space<vmem>> -> memref<32x384xf32, #tpu.memory_space<vmem>>
      %gather3A_250 = tpu.vector_load_idx %gather3A_249[%broadcast_in_dim3A, %add3A_8] : memref<32x384xf32, #tpu.memory_space<vmem>>[vector<16xi32>, vector<16xi32>], vector<16xf32>,
      %swap3A = arith.constant 0 : i32
      %swap3A_251 = arith.constant 0 : i32
      %swap3A_252 = tpu.memref_slice %arg7[%scan3A_190, %swap3A, %swap3A_251] : memref<2x32x384xf32, #tpu.memory_space<vmem>> -> memref<1x32x384xf32, #tpu.memory_space<vmem>>
      %swap3A_253 = tpu.memref_squeeze %swap3A_252 : memref<1x32x384xf32, #tpu.memory_space<vmem>> -> memref<32x384xf32, #tpu.memory_space<vmem>>
      %swap3A_254 = arith.index_cast %add3A_246 : i32 to index
      %swap3A_255 = arith.constant 0 : index
      %swap3A_256 = tpu.vector_load %swap3A_253[%swap3A_254, %swap3A_255] {strides = array<i32>} : memref<32x384xf32, #tpu.memory_space<vmem>>, vector<16xf32>,
      tpu.vector_store %swap3A_253[%swap3A_254, %swap3A_255], %gather3A_250 {strides = array<i32>} : memref<32x384xf32, #tpu.memory_space<vmem>>, vector<16xf32>,
      %gather3A_257 = arith.constant 0 : i32
      %gather3A_258 = arith.constant 0 : i32
      %gather3A_259 = tpu.memref_slice %arg5[%scan3A_189, %gather3A_257, %gather3A_258] : memref<2x32x384xf32, #tpu.memory_space<vmem>> -> memref<1x32x384xf32, #tpu.memory_space<vmem>>
      %gather3A_260 = tpu.memref_squeeze %gather3A_259 : memref<1x32x384xf32, #tpu.memory_space<vmem>> -> memref<32x384xf32, #tpu.memory_space<vmem>>
      %gather3A_261 = tpu.vector_load_idx %gather3A_260[%broadcast_in_dim3A, %add3A_11] : memref<32x384xf32, #tpu.memory_space<vmem>>[vector<16xi32>, vector<16xi32>], vector<16xf32>,
      %swap3A_262 = arith.constant 0 : i32
      %swap3A_263 = arith.constant 0 : i32
      %swap3A_264 = tpu.memref_slice %arg7[%scan3A_190, %swap3A_262, %swap3A_263] : memref<2x32x384xf32, #tpu.memory_space<vmem>> -> memref<1x32x384xf32, #tpu.memory_space<vmem>>
      %swap3A_265 = tpu.memref_squeeze %swap3A_264 : memref<1x32x384xf32, #tpu.memory_space<vmem>> -> memref<32x384xf32, #tpu.memory_space<vmem>>
      %swap3A_266 = arith.index_cast %add3A_246 : i32 to index
      %swap3A_267 = arith.constant 16 : index
      %swap3A_268 = tpu.vector_load %swap3A_265[%swap3A_266, %swap3A_267] {strides = array<i32>} : memref<32x384xf32, #tpu.memory_space<vmem>>, vector<16xf32>,
      tpu.vector_store %swap3A_265[%swap3A_266, %swap3A_267], %gather3A_261 {strides = array<i32>} : memref<32x384xf32, #tpu.memory_space<vmem>>, vector<16xf32>,
      %gather3A_269 = arith.constant 0 : i32
      %gather3A_270 = arith.constant 0 : i32
      %gather3A_271 = tpu.memref_slice %arg5[%scan3A_189, %gather3A_269, %gather3A_270] : memref<2x32x384xf32, #tpu.memory_space<vmem>> -> memref<1x32x384xf32, #tpu.memory_space<vmem>>
      %gather3A_272 = tpu.memref_squeeze %gather3A_271 : memref<1x32x384xf32, #tpu.memory_space<vmem>> -> memref<32x384xf32, #tpu.memory_space<vmem>>
      %gather3A_273 = tpu.vector_load_idx %gather3A_272[%broadcast_in_dim3A, %add3A_14] : memref<32x384xf32, #tpu.memory_space<vmem>>[vector<16xi32>, vector<16xi32>], vector<16xf32>,
      %swap3A_274 = arith.constant 0 : i32
      %swap3A_275 = arith.constant 0 : i32
      %swap3A_276 = tpu.memref_slice %arg7[%scan3A_190, %swap3A_274, %swap3A_275] : memref<2x32x384xf32, #tpu.memory_space<vmem>> -> memref<1x32x384xf32, #tpu.memory_space<vmem>>
      %swap3A_277 = tpu.memref_squeeze %swap3A_276 : memref<1x32x384xf32, #tpu.memory_space<vmem>> -> memref<32x384xf32, #tpu.memory_space<vmem>>
      %swap3A_278 = arith.index_cast %add3A_246 : i32 to index
      %swap3A_279 = arith.constant 32 : index
      %swap3A_280 = tpu.vector_load %swap3A_277[%swap3A_278, %swap3A_279] {strides = array<i32>} : memref<32x384xf32, #tpu.memory_space<vmem>>, vector<16xf32>,
      tpu.vector_store %swap3A_277[%swap3A_278, %swap3A_279], %gather3A_273 {strides = array<i32>} : memref<32x384xf32, #tpu.memory_space<vmem>>, vector<16xf32>,
      %gather3A_281 = arith.constant 0 : i32
      %gather3A_282 = arith.constant 0 : i32
      %gather3A_283 = tpu.memref_slice %arg5[%scan3A_189, %gather3A_281, %gather3A_282] : memref<2x32x384xf32, #tpu.memory_space<vmem>> -> memref<1x32x384xf32, #tpu.memory_space<vmem>>
      %gather3A_284 = tpu.memref_squeeze %gather3A_283 : memref<1x32x384xf32, #tpu.memory_space<vmem>> -> memref<32x384xf32, #tpu.memory_space<vmem>>
      %gather3A_285 = tpu.vector_load_idx %gather3A_284[%broadcast_in_dim3A, %add3A_17] : memref<32x384xf32, #tpu.memory_space<vmem>>[vector<16xi32>, vector<16xi32>], vector<16xf32>,
      %swap3A_286 = arith.constant 0 : i32
      %swap3A_287 = arith.constant 0 : i32
      %swap3A_288 = tpu.memref_slice %arg7[%scan3A_190, %swap3A_286, %swap3A_287] : memref<2x32x384xf32, #tpu.memory_space<vmem>> -> memref<1x32x384xf32, #tpu.memory_space<vmem>>
      %swap3A_289 = tpu.memref_squeeze %swap3A_288 : memref<1x32x384xf32, #tpu.memory_space<vmem>> -> memref<32x384xf32, #tpu.memory_space<vmem>>
      %swap3A_290 = arith.index_cast %add3A_246 : i32 to index
      %swap3A_291 = arith.constant 48 : index
      %swap3A_292 = tpu.vector_load %swap3A_289[%swap3A_290, %swap3A_291] {strides = array<i32>} : memref<32x384xf32, #tpu.memory_space<vmem>>, vector<16xf32>,
      tpu.vector_store %swap3A_289[%swap3A_290, %swap3A_291], %gather3A_285 {strides = array<i32>} : memref<32x384xf32, #tpu.memory_space<vmem>>, vector<16xf32>,
      %gather3A_293 = arith.constant 0 : i32
      %gather3A_294 = arith.constant 0 : i32
      %gather3A_295 = tpu.memref_slice %arg5[%scan3A_189, %gather3A_293, %gather3A_294] : memref<2x32x384xf32, #tpu.memory_space<vmem>> -> memref<1x32x384xf32, #tpu.memory_space<vmem>>
      %gather3A_296 = tpu.memref_squeeze %gather3A_295 : memref<1x32x384xf32, #tpu.memory_space<vmem>> -> memref<32x384xf32, #tpu.memory_space<vmem>>
      %gather3A_297 = tpu.vector_load_idx %gather3A_296[%broadcast_in_dim3A, %add3A_20] : memref<32x384xf32, #tpu.memory_space<vmem>>[vector<16xi32>, vector<16xi32>], vector<16xf32>,
      %swap3A_298 = arith.constant 0 : i32
      %swap3A_299 = arith.constant 0 : i32
      %swap3A_300 = tpu.memref_slice %arg7[%scan3A_190, %swap3A_298, %swap3A_299] : memref<2x32x384xf32, #tpu.memory_space<vmem>> -> memref<1x32x384xf32, #tpu.memory_space<vmem>>
      %swap3A_301 = tpu.memref_squeeze %swap3A_300 : memref<1x32x384xf32, #tpu.memory_space<vmem>> -> memref<32x384xf32, #tpu.memory_space<vmem>>
      %swap3A_302 = arith.index_cast %add3A_246 : i32 to index
      %swap3A_303 = arith.constant 64 : index
      %swap3A_304 = tpu.vector_load %swap3A_301[%swap3A_302, %swap3A_303] {strides = array<i32>} : memref<32x384xf32, #tpu.memory_space<vmem>>, vector<16xf32>,
      tpu.vector_store %swap3A_301[%swap3A_302, %swap3A_303], %gather3A_297 {strides = array<i32>} : memref<32x384xf32, #tpu.memory_space<vmem>>, vector<16xf32>,
      %gather3A_305 = arith.constant 0 : i32
      %gather3A_306 = arith.constant 0 : i32
      %gather3A_307 = tpu.memref_slice %arg5[%scan3A_189, %gather3A_305, %gather3A_306] : memref<2x32x384xf32, #tpu.memory_space<vmem>> -> memref<1x32x384xf32, #tpu.memory_space<vmem>>
      %gather3A_308 = tpu.memref_squeeze %gather3A_307 : memref<1x32x384xf32, #tpu.memory_space<vmem>> -> memref<32x384xf32, #tpu.memory_space<vmem>>
      %gather3A_309 = tpu.vector_load_idx %gather3A_308[%broadcast_in_dim3A, %add3A_23] : memref<32x384xf32, #tpu.memory_space<vmem>>[vector<16xi32>, vector<16xi32>], vector<16xf32>,
      %swap3A_310 = arith.constant 0 : i32
      %swap3A_311 = arith.constant 0 : i32
      %swap3A_312 = tpu.memref_slice %arg7[%scan3A_190, %swap3A_310, %swap3A_311] : memref<2x32x384xf32, #tpu.memory_space<vmem>> -> memref<1x32x384xf32, #tpu.memory_space<vmem>>
      %swap3A_313 = tpu.memref_squeeze %swap3A_312 : memref<1x32x384xf32, #tpu.memory_space<vmem>> -> memref<32x384xf32, #tpu.memory_space<vmem>>
      %swap3A_314 = arith.index_cast %add3A_246 : i32 to index
      %swap3A_315 = arith.constant 80 : index
      %swap3A_316 = tpu.vector_load %swap3A_313[%swap3A_314, %swap3A_315] {strides = array<i32>} : memref<32x384xf32, #tpu.memory_space<vmem>>, vector<16xf32>,
      tpu.vector_store %swap3A_313[%swap3A_314, %swap3A_315], %gather3A_309 {strides = array<i32>} : memref<32x384xf32, #tpu.memory_space<vmem>>, vector<16xf32>,
      %gather3A_317 = arith.constant 0 : i32
      %gather3A_318 = arith.constant 0 : i32
      %gather3A_319 = tpu.memref_slice %arg5[%scan3A_189, %gather3A_317, %gather3A_318] : memref<2x32x384xf32, #tpu.memory_space<vmem>> -> memref<1x32x384xf32, #tpu.memory_space<vmem>>
      %gather3A_320 = tpu.memref_squeeze %gather3A_319 : memref<1x32x384xf32, #tpu.memory_space<vmem>> -> memref<32x384xf32, #tpu.memory_space<vmem>>
      %gather3A_321 = tpu.vector_load_idx %gather3A_320[%broadcast_in_dim3A, %add3A_26] : memref<32x384xf32, #tpu.memory_space<vmem>>[vector<16xi32>, vector<16xi32>], vector<16xf32>,
      %swap3A_322 = arith.constant 0 : i32
      %swap3A_323 = arith.constant 0 : i32
      %swap3A_324 = tpu.memref_slice %arg7[%scan3A_190, %swap3A_322, %swap3A_323] : memref<2x32x384xf32, #tpu.memory_space<vmem>> -> memref<1x32x384xf32, #tpu.memory_space<vmem>>
      %swap3A_325 = tpu.memref_squeeze %swap3A_324 : memref<1x32x384xf32, #tpu.memory_space<vmem>> -> memref<32x384xf32, #tpu.memory_space<vmem>>
      %swap3A_326 = arith.index_cast %add3A_246 : i32 to index
      %swap3A_327 = arith.constant 96 : index
      %swap3A_328 = tpu.vector_load %swap3A_325[%swap3A_326, %swap3A_327] {strides = array<i32>} : memref<32x384xf32, #tpu.memory_space<vmem>>, vector<16xf32>,
      tpu.vector_store %swap3A_325[%swap3A_326, %swap3A_327], %gather3A_321 {strides = array<i32>} : memref<32x384xf32, #tpu.memory_space<vmem>>, vector<16xf32>,
      %gather3A_329 = arith.constant 0 : i32
      %gather3A_330 = arith.constant 0 : i32
      %gather3A_331 = tpu.memref_slice %arg5[%scan3A_189, %gather3A_329, %gather3A_330] : memref<2x32x384xf32, #tpu.memory_space<vmem>> -> memref<1x32x384xf32, #tpu.memory_space<vmem>>
      %gather3A_332 = tpu.memref_squeeze %gather3A_331 : memref<1x32x384xf32, #tpu.memory_space<vmem>> -> memref<32x384xf32, #tpu.memory_space<vmem>>
      %gather3A_333 = tpu.vector_load_idx %gather3A_332[%broadcast_in_dim3A, %add3A_29] : memref<32x384xf32, #tpu.memory_space<vmem>>[vector<16xi32>, vector<16xi32>], vector<16xf32>,
      %swap3A_334 = arith.constant 0 : i32
      %swap3A_335 = arith.constant 0 : i32
      %swap3A_336 = tpu.memref_slice %arg7[%scan3A_190, %swap3A_334, %swap3A_335] : memref<2x32x384xf32, #tpu.memory_space<vmem>> -> memref<1x32x384xf32, #tpu.memory_space<vmem>>
      %swap3A_337 = tpu.memref_squeeze %swap3A_336 : memref<1x32x384xf32, #tpu.memory_space<vmem>> -> memref<32x384xf32, #tpu.memory_space<vmem>>
      %swap3A_338 = arith.index_cast %add3A_246 : i32 to index
      %swap3A_339 = arith.constant 112 : index
      %swap3A_340 = tpu.vector_load %swap3A_337[%swap3A_338, %swap3A_339] {strides = array<i32>} : memref<32x384xf32, #tpu.memory_space<vmem>>, vector<16xf32>,
      tpu.vector_store %swap3A_337[%swap3A_338, %swap3A_339], %gather3A_333 {strides = array<i32>} : memref<32x384xf32, #tpu.memory_space<vmem>>, vector<16xf32>,
      %gather3A_341 = arith.constant 0 : i32
      %gather3A_342 = arith.constant 0 : i32
      %gather3A_343 = tpu.memref_slice %arg5[%scan3A_189, %gather3A_341, %gather3A_342] : memref<2x32x384xf32, #tpu.memory_space<vmem>> -> memref<1x32x384xf32, #tpu.memory_space<vmem>>
      %gather3A_344 = tpu.memref_squeeze %gather3A_343 : memref<1x32x384xf32, #tpu.memory_space<vmem>> -> memref<32x384xf32, #tpu.memory_space<vmem>>
      %gather3A_345 = tpu.vector_load_idx %gather3A_344[%broadcast_in_dim3A, %add3A_32] : memref<32x384xf32, #tpu.memory_space<vmem>>[vector<16xi32>, vector<16xi32>], vector<16xf32>,
      %swap3A_346 = arith.constant 0 : i32
      %swap3A_347 = arith.constant 0 : i32
      %swap3A_348 = tpu.memref_slice %arg7[%scan3A_190, %swap3A_346, %swap3A_347] : memref<2x32x384xf32, #tpu.memory_space<vmem>> -> memref<1x32x384xf32, #tpu.memory_space<vmem>>
      %swap3A_349 = tpu.memref_squeeze %swap3A_348 : memref<1x32x384xf32, #tpu.memory_space<vmem>> -> memref<32x384xf32, #tpu.memory_space<vmem>>
      %swap3A_350 = arith.index_cast %add3A_246 : i32 to index
      %swap3A_351 = arith.constant 128 : index
      %swap3A_352 = tpu.vector_load %swap3A_349[%swap3A_350, %swap3A_351] {strides = array<i32>} : memref<32x384xf32, #tpu.memory_space<vmem>>, vector<16xf32>,
      tpu.vector_store %swap3A_349[%swap3A_350, %swap3A_351], %gather3A_345 {strides = array<i32>} : memref<32x384xf32, #tpu.memory_space<vmem>>, vector<16xf32>,
      %gather3A_353 = arith.constant 0 : i32
      %gather3A_354 = arith.constant 0 : i32
      %gather3A_355 = tpu.memref_slice %arg5[%scan3A_189, %gather3A_353, %gather3A_354] : memref<2x32x384xf32, #tpu.memory_space<vmem>> -> memref<1x32x384xf32, #tpu.memory_space<vmem>>
      %gather3A_356 = tpu.memref_squeeze %gather3A_355 : memref<1x32x384xf32, #tpu.memory_space<vmem>> -> memref<32x384xf32, #tpu.memory_space<vmem>>
      %gather3A_357 = tpu.vector_load_idx %gather3A_356[%broadcast_in_dim3A, %add3A_35] : memref<32x384xf32, #tpu.memory_space<vmem>>[vector<16xi32>, vector<16xi32>], vector<16xf32>,
      %swap3A_358 = arith.constant 0 : i32
      %swap3A_359 = arith.constant 0 : i32
      %swap3A_360 = tpu.memref_slice %arg7[%scan3A_190, %swap3A_358, %swap3A_359] : memref<2x32x384xf32, #tpu.memory_space<vmem>> -> memref<1x32x384xf32, #tpu.memory_space<vmem>>
      %swap3A_361 = tpu.memref_squeeze %swap3A_360 : memref<1x32x384xf32, #tpu.memory_space<vmem>> -> memref<32x384xf32, #tpu.memory_space<vmem>>
      %swap3A_362 = arith.index_cast %add3A_246 : i32 to index
      %swap3A_363 = arith.constant 144 : index
      %swap3A_364 = tpu.vector_load %swap3A_361[%swap3A_362, %swap3A_363] {strides = array<i32>} : memref<32x384xf32, #tpu.memory_space<vmem>>, vector<16xf32>,
      tpu.vector_store %swap3A_361[%swap3A_362, %swap3A_363], %gather3A_357 {strides = array<i32>} : memref<32x384xf32, #tpu.memory_space<vmem>>, vector<16xf32>,
      %gather3A_365 = arith.constant 0 : i32
      %gather3A_366 = arith.constant 0 : i32
      %gather3A_367 = tpu.memref_slice %arg5[%scan3A_189, %gather3A_365, %gather3A_366] : memref<2x32x384xf32, #tpu.memory_space<vmem>> -> memref<1x32x384xf32, #tpu.memory_space<vmem>>
      %gather3A_368 = tpu.memref_squeeze %gather3A_367 : memref<1x32x384xf32, #tpu.memory_space<vmem>> -> memref<32x384xf32, #tpu.memory_space<vmem>>
      %gather3A_369 = tpu.vector_load_idx %gather3A_368[%broadcast_in_dim3A, %add3A_38] : memref<32x384xf32, #tpu.memory_space<vmem>>[vector<16xi32>, vector<16xi32>], vector<16xf32>,
      %swap3A_370 = arith.constant 0 : i32
      %swap3A_371 = arith.constant 0 : i32
      %swap3A_372 = tpu.memref_slice %arg7[%scan3A_190, %swap3A_370, %swap3A_371] : memref<2x32x384xf32, #tpu.memory_space<vmem>> -> memref<1x32x384xf32, #tpu.memory_space<vmem>>
      %swap3A_373 = tpu.memref_squeeze %swap3A_372 : memref<1x32x384xf32, #tpu.memory_space<vmem>> -> memref<32x384xf32, #tpu.memory_space<vmem>>
      %swap3A_374 = arith.index_cast %add3A_246 : i32 to index
      %swap3A_375 = arith.constant 160 : index
      %swap3A_376 = tpu.vector_load %swap3A_373[%swap3A_374, %swap3A_375] {strides = array<i32>} : memref<32x384xf32, #tpu.memory_space<vmem>>, vector<16xf32>,
      tpu.vector_store %swap3A_373[%swap3A_374, %swap3A_375], %gather3A_369 {strides = array<i32>} : memref<32x384xf32, #tpu.memory_space<vmem>>, vector<16xf32>,
      %gather3A_377 = arith.constant 0 : i32
      %gather3A_378 = arith.constant 0 : i32
      %gather3A_379 = tpu.memref_slice %arg5[%scan3A_189, %gather3A_377, %gather3A_378] : memref<2x32x384xf32, #tpu.memory_space<vmem>> -> memref<1x32x384xf32, #tpu.memory_space<vmem>>
      %gather3A_380 = tpu.memref_squeeze %gather3A_379 : memref<1x32x384xf32, #tpu.memory_space<vmem>> -> memref<32x384xf32, #tpu.memory_space<vmem>>
      %gather3A_381 = tpu.vector_load_idx %gather3A_380[%broadcast_in_dim3A, %add3A_41] : memref<32x384xf32, #tpu.memory_space<vmem>>[vector<16xi32>, vector<16xi32>], vector<16xf32>,
      %swap3A_382 = arith.constant 0 : i32
      %swap3A_383 = arith.constant 0 : i32
      %swap3A_384 = tpu.memref_slice %arg7[%scan3A_190, %swap3A_382, %swap3A_383] : memref<2x32x384xf32, #tpu.memory_space<vmem>> -> memref<1x32x384xf32, #tpu.memory_space<vmem>>
      %swap3A_385 = tpu.memref_squeeze %swap3A_384 : memref<1x32x384xf32, #tpu.memory_space<vmem>> -> memref<32x384xf32, #tpu.memory_space<vmem>>
      %swap3A_386 = arith.index_cast %add3A_246 : i32 to index
      %swap3A_387 = arith.constant 176 : index
      %swap3A_388 = tpu.vector_load %swap3A_385[%swap3A_386, %swap3A_387] {strides = array<i32>} : memref<32x384xf32, #tpu.memory_space<vmem>>, vector<16xf32>,
      tpu.vector_store %swap3A_385[%swap3A_386, %swap3A_387], %gather3A_381 {strides = array<i32>} : memref<32x384xf32, #tpu.memory_space<vmem>>, vector<16xf32>,
      %gather3A_389 = arith.constant 0 : i32
      %gather3A_390 = arith.constant 0 : i32
      %gather3A_391 = tpu.memref_slice %arg6[%scan3A_191, %gather3A_389, %gather3A_390] : memref<2x32x384xf32, #tpu.memory_space<vmem>> -> memref<1x32x384xf32, #tpu.memory_space<vmem>>
      %gather3A_392 = tpu.memref_squeeze %gather3A_391 : memref<1x32x384xf32, #tpu.memory_space<vmem>> -> memref<32x384xf32, #tpu.memory_space<vmem>>
      %gather3A_393 = tpu.vector_load_idx %gather3A_392[%broadcast_in_dim3A, %add3A_47] : memref<32x384xf32, #tpu.memory_space<vmem>>[vector<16xi32>, vector<16xi32>], vector<16xf32>,
      %swap3A_394 = arith.constant 0 : i32
      %swap3A_395 = arith.constant 0 : i32
      %swap3A_396 = tpu.memref_slice %arg7[%scan3A_190, %swap3A_394, %swap3A_395] : memref<2x32x384xf32, #tpu.memory_space<vmem>> -> memref<1x32x384xf32, #tpu.memory_space<vmem>>
      %swap3A_397 = tpu.memref_squeeze %swap3A_396 : memref<1x32x384xf32, #tpu.memory_space<vmem>> -> memref<32x384xf32, #tpu.memory_space<vmem>>
      %swap3A_398 = arith.index_cast %add3A_246 : i32 to index
      %swap3A_399 = arith.constant 192 : index
      %swap3A_400 = tpu.vector_load %swap3A_397[%swap3A_398, %swap3A_399] {strides = array<i32>} : memref<32x384xf32, #tpu.memory_space<vmem>>, vector<16xf32>,
      tpu.vector_store %swap3A_397[%swap3A_398, %swap3A_399], %gather3A_393 {strides = array<i32>} : memref<32x384xf32, #tpu.memory_space<vmem>>, vector<16xf32>,
      %gather3A_401 = arith.constant 0 : i32
      %gather3A_402 = arith.constant 0 : i32
      %gather3A_403 = tpu.memref_slice %arg6[%scan3A_191, %gather3A_401, %gather3A_402] : memref<2x32x384xf32, #tpu.memory_space<vmem>> -> memref<1x32x384xf32, #tpu.memory_space<vmem>>
      %gather3A_404 = tpu.memref_squeeze %gather3A_403 : memref<1x32x384xf32, #tpu.memory_space<vmem>> -> memref<32x384xf32, #tpu.memory_space<vmem>>
      %gather3A_405 = tpu.vector_load_idx %gather3A_404[%broadcast_in_dim3A, %add3A_53] : memref<32x384xf32, #tpu.memory_space<vmem>>[vector<16xi32>, vector<16xi32>], vector<16xf32>,
      %swap3A_406 = arith.constant 0 : i32
      %swap3A_407 = arith.constant 0 : i32
      %swap3A_408 = tpu.memref_slice %arg7[%scan3A_190, %swap3A_406, %swap3A_407] : memref<2x32x384xf32, #tpu.memory_space<vmem>> -> memref<1x32x384xf32, #tpu.memory_space<vmem>>
      %swap3A_409 = tpu.memref_squeeze %swap3A_408 : memref<1x32x384xf32, #tpu.memory_space<vmem>> -> memref<32x384xf32, #tpu.memory_space<vmem>>
      %swap3A_410 = arith.index_cast %add3A_246 : i32 to index
      %swap3A_411 = arith.constant 208 : index
      %swap3A_412 = tpu.vector_load %swap3A_409[%swap3A_410, %swap3A_411] {strides = array<i32>} : memref<32x384xf32, #tpu.memory_space<vmem>>, vector<16xf32>,
      tpu.vector_store %swap3A_409[%swap3A_410, %swap3A_411], %gather3A_405 {strides = array<i32>} : memref<32x384xf32, #tpu.memory_space<vmem>>, vector<16xf32>,
      %gather3A_413 = arith.constant 0 : i32
      %gather3A_414 = arith.constant 0 : i32
      %gather3A_415 = tpu.memref_slice %arg6[%scan3A_191, %gather3A_413, %gather3A_414] : memref<2x32x384xf32, #tpu.memory_space<vmem>> -> memref<1x32x384xf32, #tpu.memory_space<vmem>>
      %gather3A_416 = tpu.memref_squeeze %gather3A_415 : memref<1x32x384xf32, #tpu.memory_space<vmem>> -> memref<32x384xf32, #tpu.memory_space<vmem>>
      %gather3A_417 = tpu.vector_load_idx %gather3A_416[%broadcast_in_dim3A, %add3A_59] : memref<32x384xf32, #tpu.memory_space<vmem>>[vector<16xi32>, vector<16xi32>], vector<16xf32>,
      %swap3A_418 = arith.constant 0 : i32
      %swap3A_419 = arith.constant 0 : i32
      %swap3A_420 = tpu.memref_slice %arg7[%scan3A_190, %swap3A_418, %swap3A_419] : memref<2x32x384xf32, #tpu.memory_space<vmem>> -> memref<1x32x384xf32, #tpu.memory_space<vmem>>
      %swap3A_421 = tpu.memref_squeeze %swap3A_420 : memref<1x32x384xf32, #tpu.memory_space<vmem>> -> memref<32x384xf32, #tpu.memory_space<vmem>>
      %swap3A_422 = arith.index_cast %add3A_246 : i32 to index
      %swap3A_423 = arith.constant 224 : index
      %swap3A_424 = tpu.vector_load %swap3A_421[%swap3A_422, %swap3A_423] {strides = array<i32>} : memref<32x384xf32, #tpu.memory_space<vmem>>, vector<16xf32>,
      tpu.vector_store %swap3A_421[%swap3A_422, %swap3A_423], %gather3A_417 {strides = array<i32>} : memref<32x384xf32, #tpu.memory_space<vmem>>, vector<16xf32>,
      %gather3A_425 = arith.constant 0 : i32
      %gather3A_426 = arith.constant 0 : i32
      %gather3A_427 = tpu.memref_slice %arg6[%scan3A_191, %gather3A_425, %gather3A_426] : memref<2x32x384xf32, #tpu.memory_space<vmem>> -> memref<1x32x384xf32, #tpu.memory_space<vmem>>
      %gather3A_428 = tpu.memref_squeeze %gather3A_427 : memref<1x32x384xf32, #tpu.memory_space<vmem>> -> memref<32x384xf32, #tpu.memory_space<vmem>>
      %gather3A_429 = tpu.vector_load_idx %gather3A_428[%broadcast_in_dim3A, %add3A_65] : memref<32x384xf32, #tpu.memory_space<vmem>>[vector<16xi32>, vector<16xi32>], vector<16xf32>,
      %swap3A_430 = arith.constant 0 : i32
      %swap3A_431 = arith.constant 0 : i32
      %swap3A_432 = tpu.memref_slice %arg7[%scan3A_190, %swap3A_430, %swap3A_431] : memref<2x32x384xf32, #tpu.memory_space<vmem>> -> memref<1x32x384xf32, #tpu.memory_space<vmem>>
      %swap3A_433 = tpu.memref_squeeze %swap3A_432 : memref<1x32x384xf32, #tpu.memory_space<vmem>> -> memref<32x384xf32, #tpu.memory_space<vmem>>
      %swap3A_434 = arith.index_cast %add3A_246 : i32 to index
      %swap3A_435 = arith.constant 240 : index
      %swap3A_436 = tpu.vector_load %swap3A_433[%swap3A_434, %swap3A_435] {strides = array<i32>} : memref<32x384xf32, #tpu.memory_space<vmem>>, vector<16xf32>,
      tpu.vector_store %swap3A_433[%swap3A_434, %swap3A_435], %gather3A_429 {strides = array<i32>} : memref<32x384xf32, #tpu.memory_space<vmem>>, vector<16xf32>,
      %gather3A_437 = arith.constant 0 : i32
      %gather3A_438 = arith.constant 0 : i32
      %gather3A_439 = tpu.memref_slice %arg6[%scan3A_191, %gather3A_437, %gather3A_438] : memref<2x32x384xf32, #tpu.memory_space<vmem>> -> memref<1x32x384xf32, #tpu.memory_space<vmem>>
      %gather3A_440 = tpu.memref_squeeze %gather3A_439 : memref<1x32x384xf32, #tpu.memory_space<vmem>> -> memref<32x384xf32, #tpu.memory_space<vmem>>
      %gather3A_441 = tpu.vector_load_idx %gather3A_440[%broadcast_in_dim3A, %add3A_71] : memref<32x384xf32, #tpu.memory_space<vmem>>[vector<16xi32>, vector<16xi32>], vector<16xf32>,
      %swap3A_442 = arith.constant 0 : i32
      %swap3A_443 = arith.constant 0 : i32
      %swap3A_444 = tpu.memref_slice %arg7[%scan3A_190, %swap3A_442, %swap3A_443] : memref<2x32x384xf32, #tpu.memory_space<vmem>> -> memref<1x32x384xf32, #tpu.memory_space<vmem>>
      %swap3A_445 = tpu.memref_squeeze %swap3A_444 : memref<1x32x384xf32, #tpu.memory_space<vmem>> -> memref<32x384xf32, #tpu.memory_space<vmem>>
      %swap3A_446 = arith.index_cast %add3A_246 : i32 to index
      %swap3A_447 = arith.constant 256 : index
      %swap3A_448 = tpu.vector_load %swap3A_445[%swap3A_446, %swap3A_447] {strides = array<i32>} : memref<32x384xf32, #tpu.memory_space<vmem>>, vector<16xf32>,
      tpu.vector_store %swap3A_445[%swap3A_446, %swap3A_447], %gather3A_441 {strides = array<i32>} : memref<32x384xf32, #tpu.memory_space<vmem>>, vector<16xf32>,
      %gather3A_449 = arith.constant 0 : i32
      %gather3A_450 = arith.constant 0 : i32
      %gather3A_451 = tpu.memref_slice %arg6[%scan3A_191, %gather3A_449, %gather3A_450] : memref<2x32x384xf32, #tpu.memory_space<vmem>> -> memref<1x32x384xf32, #tpu.memory_space<vmem>>
      %gather3A_452 = tpu.memref_squeeze %gather3A_451 : memref<1x32x384xf32, #tpu.memory_space<vmem>> -> memref<32x384xf32, #tpu.memory_space<vmem>>
      %gather3A_453 = tpu.vector_load_idx %gather3A_452[%broadcast_in_dim3A, %add3A_77] : memref<32x384xf32, #tpu.memory_space<vmem>>[vector<16xi32>, vector<16xi32>], vector<16xf32>,
      %swap3A_454 = arith.constant 0 : i32
      %swap3A_455 = arith.constant 0 : i32
      %swap3A_456 = tpu.memref_slice %arg7[%scan3A_190, %swap3A_454, %swap3A_455] : memref<2x32x384xf32, #tpu.memory_space<vmem>> -> memref<1x32x384xf32, #tpu.memory_space<vmem>>
      %swap3A_457 = tpu.memref_squeeze %swap3A_456 : memref<1x32x384xf32, #tpu.memory_space<vmem>> -> memref<32x384xf32, #tpu.memory_space<vmem>>
      %swap3A_458 = arith.index_cast %add3A_246 : i32 to index
      %swap3A_459 = arith.constant 272 : index
      %swap3A_460 = tpu.vector_load %swap3A_457[%swap3A_458, %swap3A_459] {strides = array<i32>} : memref<32x384xf32, #tpu.memory_space<vmem>>, vector<16xf32>,
      tpu.vector_store %swap3A_457[%swap3A_458, %swap3A_459], %gather3A_453 {strides = array<i32>} : memref<32x384xf32, #tpu.memory_space<vmem>>, vector<16xf32>,
      %gather3A_461 = arith.constant 0 : i32
      %gather3A_462 = arith.constant 0 : i32
      %gather3A_463 = tpu.memref_slice %arg6[%scan3A_191, %gather3A_461, %gather3A_462] : memref<2x32x384xf32, #tpu.memory_space<vmem>> -> memref<1x32x384xf32, #tpu.memory_space<vmem>>
      %gather3A_464 = tpu.memref_squeeze %gather3A_463 : memref<1x32x384xf32, #tpu.memory_space<vmem>> -> memref<32x384xf32, #tpu.memory_space<vmem>>
      %gather3A_465 = tpu.vector_load_idx %gather3A_464[%broadcast_in_dim3A, %add3A_83] : memref<32x384xf32, #tpu.memory_space<vmem>>[vector<16xi32>, vector<16xi32>], vector<16xf32>,
      %swap3A_466 = arith.constant 0 : i32
      %swap3A_467 = arith.constant 0 : i32
      %swap3A_468 = tpu.memref_slice %arg7[%scan3A_190, %swap3A_466, %swap3A_467] : memref<2x32x384xf32, #tpu.memory_space<vmem>> -> memref<1x32x384xf32, #tpu.memory_space<vmem>>
      %swap3A_469 = tpu.memref_squeeze %swap3A_468 : memref<1x32x384xf32, #tpu.memory_space<vmem>> -> memref<32x384xf32, #tpu.memory_space<vmem>>
      %swap3A_470 = arith.index_cast %add3A_246 : i32 to index
      %swap3A_471 = arith.constant 288 : index
      %swap3A_472 = tpu.vector_load %swap3A_469[%swap3A_470, %swap3A_471] {strides = array<i32>} : memref<32x384xf32, #tpu.memory_space<vmem>>, vector<16xf32>,
      tpu.vector_store %swap3A_469[%swap3A_470, %swap3A_471], %gather3A_465 {strides = array<i32>} : memref<32x384xf32, #tpu.memory_space<vmem>>, vector<16xf32>,
      %gather3A_473 = arith.constant 0 : i32
      %gather3A_474 = arith.constant 0 : i32
      %gather3A_475 = tpu.memref_slice %arg6[%scan3A_191, %gather3A_473, %gather3A_474] : memref<2x32x384xf32, #tpu.memory_space<vmem>> -> memref<1x32x384xf32, #tpu.memory_space<vmem>>
      %gather3A_476 = tpu.memref_squeeze %gather3A_475 : memref<1x32x384xf32, #tpu.memory_space<vmem>> -> memref<32x384xf32, #tpu.memory_space<vmem>>
      %gather3A_477 = tpu.vector_load_idx %gather3A_476[%broadcast_in_dim3A, %add3A_89] : memref<32x384xf32, #tpu.memory_space<vmem>>[vector<16xi32>, vector<16xi32>], vector<16xf32>,
      %swap3A_478 = arith.constant 0 : i32
      %swap3A_479 = arith.constant 0 : i32
      %swap3A_480 = tpu.memref_slice %arg7[%scan3A_190, %swap3A_478, %swap3A_479] : memref<2x32x384xf32, #tpu.memory_space<vmem>> -> memref<1x32x384xf32, #tpu.memory_space<vmem>>
      %swap3A_481 = tpu.memref_squeeze %swap3A_480 : memref<1x32x384xf32, #tpu.memory_space<vmem>> -> memref<32x384xf32, #tpu.memory_space<vmem>>
      %swap3A_482 = arith.index_cast %add3A_246 : i32 to index
      %swap3A_483 = arith.constant 304 : index
      %swap3A_484 = tpu.vector_load %swap3A_481[%swap3A_482, %swap3A_483] {strides = array<i32>} : memref<32x384xf32, #tpu.memory_space<vmem>>, vector<16xf32>,
      tpu.vector_store %swap3A_481[%swap3A_482, %swap3A_483], %gather3A_477 {strides = array<i32>} : memref<32x384xf32, #tpu.memory_space<vmem>>, vector<16xf32>,
      %gather3A_485 = arith.constant 0 : i32
      %gather3A_486 = arith.constant 0 : i32
      %gather3A_487 = tpu.memref_slice %arg6[%scan3A_191, %gather3A_485, %gather3A_486] : memref<2x32x384xf32, #tpu.memory_space<vmem>> -> memref<1x32x384xf32, #tpu.memory_space<vmem>>
      %gather3A_488 = tpu.memref_squeeze %gather3A_487 : memref<1x32x384xf32, #tpu.memory_space<vmem>> -> memref<32x384xf32, #tpu.memory_space<vmem>>
      %gather3A_489 = tpu.vector_load_idx %gather3A_488[%broadcast_in_dim3A, %add3A_95] : memref<32x384xf32, #tpu.memory_space<vmem>>[vector<16xi32>, vector<16xi32>], vector<16xf32>,
      %swap3A_490 = arith.constant 0 : i32
      %swap3A_491 = arith.constant 0 : i32
      %swap3A_492 = tpu.memref_slice %arg7[%scan3A_190, %swap3A_490, %swap3A_491] : memref<2x32x384xf32, #tpu.memory_space<vmem>> -> memref<1x32x384xf32, #tpu.memory_space<vmem>>
      %swap3A_493 = tpu.memref_squeeze %swap3A_492 : memref<1x32x384xf32, #tpu.memory_space<vmem>> -> memref<32x384xf32, #tpu.memory_space<vmem>>
      %swap3A_494 = arith.index_cast %add3A_246 : i32 to index
      %swap3A_495 = arith.constant 320 : index
      %swap3A_496 = tpu.vector_load %swap3A_493[%swap3A_494, %swap3A_495] {strides = array<i32>} : memref<32x384xf32, #tpu.memory_space<vmem>>, vector<16xf32>,
      tpu.vector_store %swap3A_493[%swap3A_494, %swap3A_495], %gather3A_489 {strides = array<i32>} : memref<32x384xf32, #tpu.memory_space<vmem>>, vector<16xf32>,
      %gather3A_497 = arith.constant 0 : i32
      %gather3A_498 = arith.constant 0 : i32
      %gather3A_499 = tpu.memref_slice %arg6[%scan3A_191, %gather3A_497, %gather3A_498] : memref<2x32x384xf32, #tpu.memory_space<vmem>> -> memref<1x32x384xf32, #tpu.memory_space<vmem>>
      %gather3A_500 = tpu.memref_squeeze %gather3A_499 : memref<1x32x384xf32, #tpu.memory_space<vmem>> -> memref<32x384xf32, #tpu.memory_space<vmem>>
      %gather3A_501 = tpu.vector_load_idx %gather3A_500[%broadcast_in_dim3A, %add3A_101] : memref<32x384xf32, #tpu.memory_space<vmem>>[vector<16xi32>, vector<16xi32>], vector<16xf32>,
      %swap3A_502 = arith.constant 0 : i32
      %swap3A_503 = arith.constant 0 : i32
      %swap3A_504 = tpu.memref_slice %arg7[%scan3A_190, %swap3A_502, %swap3A_503] : memref<2x32x384xf32, #tpu.memory_space<vmem>> -> memref<1x32x384xf32, #tpu.memory_space<vmem>>
      %swap3A_505 = tpu.memref_squeeze %swap3A_504 : memref<1x32x384xf32, #tpu.memory_space<vmem>> -> memref<32x384xf32, #tpu.memory_space<vmem>>
      %swap3A_506 = arith.index_cast %add3A_246 : i32 to index
      %swap3A_507 = arith.constant 336 : index
      %swap3A_508 = tpu.vector_load %swap3A_505[%swap3A_506, %swap3A_507] {strides = array<i32>} : memref<32x384xf32, #tpu.memory_space<vmem>>, vector<16xf32>,
      tpu.vector_store %swap3A_505[%swap3A_506, %swap3A_507], %gather3A_501 {strides = array<i32>} : memref<32x384xf32, #tpu.memory_space<vmem>>, vector<16xf32>,
      %gather3A_509 = arith.constant 0 : i32
      %gather3A_510 = arith.constant 0 : i32
      %gather3A_511 = tpu.memref_slice %arg6[%scan3A_191, %gather3A_509, %gather3A_510] : memref<2x32x384xf32, #tpu.memory_space<vmem>> -> memref<1x32x384xf32, #tpu.memory_space<vmem>>
      %gather3A_512 = tpu.memref_squeeze %gather3A_511 : memref<1x32x384xf32, #tpu.memory_space<vmem>> -> memref<32x384xf32, #tpu.memory_space<vmem>>
      %gather3A_513 = tpu.vector_load_idx %gather3A_512[%broadcast_in_dim3A, %add3A_107] : memref<32x384xf32, #tpu.memory_space<vmem>>[vector<16xi32>, vector<16xi32>], vector<16xf32>,
      %swap3A_514 = arith.constant 0 : i32
      %swap3A_515 = arith.constant 0 : i32
      %swap3A_516 = tpu.memref_slice %arg7[%scan3A_190, %swap3A_514, %swap3A_515] : memref<2x32x384xf32, #tpu.memory_space<vmem>> -> memref<1x32x384xf32, #tpu.memory_space<vmem>>
      %swap3A_517 = tpu.memref_squeeze %swap3A_516 : memref<1x32x384xf32, #tpu.memory_space<vmem>> -> memref<32x384xf32, #tpu.memory_space<vmem>>
      %swap3A_518 = arith.index_cast %add3A_246 : i32 to index
      %swap3A_519 = arith.constant 352 : index
      %swap3A_520 = tpu.vector_load %swap3A_517[%swap3A_518, %swap3A_519] {strides = array<i32>} : memref<32x384xf32, #tpu.memory_space<vmem>>, vector<16xf32>,
      tpu.vector_store %swap3A_517[%swap3A_518, %swap3A_519], %gather3A_513 {strides = array<i32>} : memref<32x384xf32, #tpu.memory_space<vmem>>, vector<16xf32>,
      %gather3A_521 = arith.constant 0 : i32
      %gather3A_522 = arith.constant 0 : i32
      %gather3A_523 = tpu.memref_slice %arg6[%scan3A_191, %gather3A_521, %gather3A_522] : memref<2x32x384xf32, #tpu.memory_space<vmem>> -> memref<1x32x384xf32, #tpu.memory_space<vmem>>
      %gather3A_524 = tpu.memref_squeeze %gather3A_523 : memref<1x32x384xf32, #tpu.memory_space<vmem>> -> memref<32x384xf32, #tpu.memory_space<vmem>>
      %gather3A_525 = tpu.vector_load_idx %gather3A_524[%broadcast_in_dim3A, %add3A_113] : memref<32x384xf32, #tpu.memory_space<vmem>>[vector<16xi32>, vector<16xi32>], vector<16xf32>,
      %swap3A_526 = arith.constant 0 : i32
      %swap3A_527 = arith.constant 0 : i32
      %swap3A_528 = tpu.memref_slice %arg7[%scan3A_190, %swap3A_526, %swap3A_527] : memref<2x32x384xf32, #tpu.memory_space<vmem>> -> memref<1x32x384xf32, #tpu.memory_space<vmem>>
      %swap3A_529 = tpu.memref_squeeze %swap3A_528 : memref<1x32x384xf32, #tpu.memory_space<vmem>> -> memref<32x384xf32, #tpu.memory_space<vmem>>
      %swap3A_530 = arith.index_cast %add3A_246 : i32 to index
      %swap3A_531 = arith.constant 368 : index
      %swap3A_532 = tpu.vector_load %swap3A_529[%swap3A_530, %swap3A_531] {strides = array<i32>} : memref<32x384xf32, #tpu.memory_space<vmem>>, vector<16xf32>,
      tpu.vector_store %swap3A_529[%swap3A_530, %swap3A_531], %gather3A_525 {strides = array<i32>} : memref<32x384xf32, #tpu.memory_space<vmem>>, vector<16xf32>,
      %mul3A_533 = arith.constant 2 : i32
      %mul3A_534 = arith.muli %mul3A_533, %scan3A_242 : i32
      %add3A_535 = arith.constant 1 : i32
      %add3A_536 = arith.addi %mul3A_534, %add3A_535 : i32
      %broadcast_in_dim3A_537 = vector.broadcast %add3A_536 : i32 to vector<16xi32>
      %gather3A_538 = arith.constant 0 : i32
      %gather3A_539 = arith.constant 0 : i32
      %gather3A_540 = tpu.memref_slice %arg5[%scan3A_189, %gather3A_538, %gather3A_539] : memref<2x32x384xf32, #tpu.memory_space<vmem>> -> memref<1x32x384xf32, #tpu.memory_space<vmem>>
      %gather3A_541 = tpu.memref_squeeze %gather3A_540 : memref<1x32x384xf32, #tpu.memory_space<vmem>> -> memref<32x384xf32, #tpu.memory_space<vmem>>
      %gather3A_542 = tpu.vector_load_idx %gather3A_541[%broadcast_in_dim3A_537, %add3A_8] : memref<32x384xf32, #tpu.memory_space<vmem>>[vector<16xi32>, vector<16xi32>], vector<16xf32>,
      %swap3A_543 = arith.constant 0 : i32
      %swap3A_544 = arith.constant 0 : i32
      %swap3A_545 = tpu.memref_slice %arg7[%scan3A_190, %swap3A_543, %swap3A_544] : memref<2x32x384xf32, #tpu.memory_space<vmem>> -> memref<1x32x384xf32, #tpu.memory_space<vmem>>
      %swap3A_546 = tpu.memref_squeeze %swap3A_545 : memref<1x32x384xf32, #tpu.memory_space<vmem>> -> memref<32x384xf32, #tpu.memory_space<vmem>>
      %swap3A_547 = arith.index_cast %add3A_536 : i32 to index
      %swap3A_548 = arith.constant 0 : index
      %swap3A_549 = tpu.vector_load %swap3A_546[%swap3A_547, %swap3A_548] {strides = array<i32>} : memref<32x384xf32, #tpu.memory_space<vmem>>, vector<16xf32>,
      tpu.vector_store %swap3A_546[%swap3A_547, %swap3A_548], %gather3A_542 {strides = array<i32>} : memref<32x384xf32, #tpu.memory_space<vmem>>, vector<16xf32>,
      %gather3A_550 = arith.constant 0 : i32
      %gather3A_551 = arith.constant 0 : i32
      %gather3A_552 = tpu.memref_slice %arg5[%scan3A_189, %gather3A_550, %gather3A_551] : memref<2x32x384xf32, #tpu.memory_space<vmem>> -> memref<1x32x384xf32, #tpu.memory_space<vmem>>
      %gather3A_553 = tpu.memref_squeeze %gather3A_552 : memref<1x32x384xf32, #tpu.memory_space<vmem>> -> memref<32x384xf32, #tpu.memory_space<vmem>>
      %gather3A_554 = tpu.vector_load_idx %gather3A_553[%broadcast_in_dim3A_537, %add3A_11] : memref<32x384xf32, #tpu.memory_space<vmem>>[vector<16xi32>, vector<16xi32>], vector<16xf32>,
      %swap3A_555 = arith.constant 0 : i32
      %swap3A_556 = arith.constant 0 : i32
      %swap3A_557 = tpu.memref_slice %arg7[%scan3A_190, %swap3A_555, %swap3A_556] : memref<2x32x384xf32, #tpu.memory_space<vmem>> -> memref<1x32x384xf32, #tpu.memory_space<vmem>>
      %swap3A_558 = tpu.memref_squeeze %swap3A_557 : memref<1x32x384xf32, #tpu.memory_space<vmem>> -> memref<32x384xf32, #tpu.memory_space<vmem>>
      %swap3A_559 = arith.index_cast %add3A_536 : i32 to index
      %swap3A_560 = arith.constant 16 : index
      %swap3A_561 = tpu.vector_load %swap3A_558[%swap3A_559, %swap3A_560] {strides = array<i32>} : memref<32x384xf32, #tpu.memory_space<vmem>>, vector<16xf32>,
      tpu.vector_store %swap3A_558[%swap3A_559, %swap3A_560], %gather3A_554 {strides = array<i32>} : memref<32x384xf32, #tpu.memory_space<vmem>>, vector<16xf32>,
      %gather3A_562 = arith.constant 0 : i32
      %gather3A_563 = arith.constant 0 : i32
      %gather3A_564 = tpu.memref_slice %arg5[%scan3A_189, %gather3A_562, %gather3A_563] : memref<2x32x384xf32, #tpu.memory_space<vmem>> -> memref<1x32x384xf32, #tpu.memory_space<vmem>>
      %gather3A_565 = tpu.memref_squeeze %gather3A_564 : memref<1x32x384xf32, #tpu.memory_space<vmem>> -> memref<32x384xf32, #tpu.memory_space<vmem>>
      %gather3A_566 = tpu.vector_load_idx %gather3A_565[%broadcast_in_dim3A_537, %add3A_14] : memref<32x384xf32, #tpu.memory_space<vmem>>[vector<16xi32>, vector<16xi32>], vector<16xf32>,
      %swap3A_567 = arith.constant 0 : i32
      %swap3A_568 = arith.constant 0 : i32
      %swap3A_569 = tpu.memref_slice %arg7[%scan3A_190, %swap3A_567, %swap3A_568] : memref<2x32x384xf32, #tpu.memory_space<vmem>> -> memref<1x32x384xf32, #tpu.memory_space<vmem>>
      %swap3A_570 = tpu.memref_squeeze %swap3A_569 : memref<1x32x384xf32, #tpu.memory_space<vmem>> -> memref<32x384xf32, #tpu.memory_space<vmem>>
      %swap3A_571 = arith.index_cast %add3A_536 : i32 to index
      %swap3A_572 = arith.constant 32 : index
      %swap3A_573 = tpu.vector_load %swap3A_570[%swap3A_571, %swap3A_572] {strides = array<i32>} : memref<32x384xf32, #tpu.memory_space<vmem>>, vector<16xf32>,
      tpu.vector_store %swap3A_570[%swap3A_571, %swap3A_572], %gather3A_566 {strides = array<i32>} : memref<32x384xf32, #tpu.memory_space<vmem>>, vector<16xf32>,
      %gather3A_574 = arith.constant 0 : i32
      %gather3A_575 = arith.constant 0 : i32
      %gather3A_576 = tpu.memref_slice %arg5[%scan3A_189, %gather3A_574, %gather3A_575] : memref<2x32x384xf32, #tpu.memory_space<vmem>> -> memref<1x32x384xf32, #tpu.memory_space<vmem>>
      %gather3A_577 = tpu.memref_squeeze %gather3A_576 : memref<1x32x384xf32, #tpu.memory_space<vmem>> -> memref<32x384xf32, #tpu.memory_space<vmem>>
      %gather3A_578 = tpu.vector_load_idx %gather3A_577[%broadcast_in_dim3A_537, %add3A_17] : memref<32x384xf32, #tpu.memory_space<vmem>>[vector<16xi32>, vector<16xi32>], vector<16xf32>,
      %swap3A_579 = arith.constant 0 : i32
      %swap3A_580 = arith.constant 0 : i32
      %swap3A_581 = tpu.memref_slice %arg7[%scan3A_190, %swap3A_579, %swap3A_580] : memref<2x32x384xf32, #tpu.memory_space<vmem>> -> memref<1x32x384xf32, #tpu.memory_space<vmem>>
      %swap3A_582 = tpu.memref_squeeze %swap3A_581 : memref<1x32x384xf32, #tpu.memory_space<vmem>> -> memref<32x384xf32, #tpu.memory_space<vmem>>
      %swap3A_583 = arith.index_cast %add3A_536 : i32 to index
      %swap3A_584 = arith.constant 48 : index
      %swap3A_585 = tpu.vector_load %swap3A_582[%swap3A_583, %swap3A_584] {strides = array<i32>} : memref<32x384xf32, #tpu.memory_space<vmem>>, vector<16xf32>,
      tpu.vector_store %swap3A_582[%swap3A_583, %swap3A_584], %gather3A_578 {strides = array<i32>} : memref<32x384xf32, #tpu.memory_space<vmem>>, vector<16xf32>,
      %gather3A_586 = arith.constant 0 : i32
      %gather3A_587 = arith.constant 0 : i32
      %gather3A_588 = tpu.memref_slice %arg5[%scan3A_189, %gather3A_586, %gather3A_587] : memref<2x32x384xf32, #tpu.memory_space<vmem>> -> memref<1x32x384xf32, #tpu.memory_space<vmem>>
      %gather3A_589 = tpu.memref_squeeze %gather3A_588 : memref<1x32x384xf32, #tpu.memory_space<vmem>> -> memref<32x384xf32, #tpu.memory_space<vmem>>
      %gather3A_590 = tpu.vector_load_idx %gather3A_589[%broadcast_in_dim3A_537, %add3A_20] : memref<32x384xf32, #tpu.memory_space<vmem>>[vector<16xi32>, vector<16xi32>], vector<16xf32>,
      %swap3A_591 = arith.constant 0 : i32
      %swap3A_592 = arith.constant 0 : i32
      %swap3A_593 = tpu.memref_slice %arg7[%scan3A_190, %swap3A_591, %swap3A_592] : memref<2x32x384xf32, #tpu.memory_space<vmem>> -> memref<1x32x384xf32, #tpu.memory_space<vmem>>
      %swap3A_594 = tpu.memref_squeeze %swap3A_593 : memref<1x32x384xf32, #tpu.memory_space<vmem>> -> memref<32x384xf32, #tpu.memory_space<vmem>>
      %swap3A_595 = arith.index_cast %add3A_536 : i32 to index
      %swap3A_596 = arith.constant 64 : index
      %swap3A_597 = tpu.vector_load %swap3A_594[%swap3A_595, %swap3A_596] {strides = array<i32>} : memref<32x384xf32, #tpu.memory_space<vmem>>, vector<16xf32>,
      tpu.vector_store %swap3A_594[%swap3A_595, %swap3A_596], %gather3A_590 {strides = array<i32>} : memref<32x384xf32, #tpu.memory_space<vmem>>, vector<16xf32>,
      %gather3A_598 = arith.constant 0 : i32
      %gather3A_599 = arith.constant 0 : i32
      %gather3A_600 = tpu.memref_slice %arg5[%scan3A_189, %gather3A_598, %gather3A_599] : memref<2x32x384xf32, #tpu.memory_space<vmem>> -> memref<1x32x384xf32, #tpu.memory_space<vmem>>
      %gather3A_601 = tpu.memref_squeeze %gather3A_600 : memref<1x32x384xf32, #tpu.memory_space<vmem>> -> memref<32x384xf32, #tpu.memory_space<vmem>>
      %gather3A_602 = tpu.vector_load_idx %gather3A_601[%broadcast_in_dim3A_537, %add3A_23] : memref<32x384xf32, #tpu.memory_space<vmem>>[vector<16xi32>, vector<16xi32>], vector<16xf32>,
      %swap3A_603 = arith.constant 0 : i32
      %swap3A_604 = arith.constant 0 : i32
      %swap3A_605 = tpu.memref_slice %arg7[%scan3A_190, %swap3A_603, %swap3A_604] : memref<2x32x384xf32, #tpu.memory_space<vmem>> -> memref<1x32x384xf32, #tpu.memory_space<vmem>>
      %swap3A_606 = tpu.memref_squeeze %swap3A_605 : memref<1x32x384xf32, #tpu.memory_space<vmem>> -> memref<32x384xf32, #tpu.memory_space<vmem>>
      %swap3A_607 = arith.index_cast %add3A_536 : i32 to index
      %swap3A_608 = arith.constant 80 : index
      %swap3A_609 = tpu.vector_load %swap3A_606[%swap3A_607, %swap3A_608] {strides = array<i32>} : memref<32x384xf32, #tpu.memory_space<vmem>>, vector<16xf32>,
      tpu.vector_store %swap3A_606[%swap3A_607, %swap3A_608], %gather3A_602 {strides = array<i32>} : memref<32x384xf32, #tpu.memory_space<vmem>>, vector<16xf32>,
      %gather3A_610 = arith.constant 0 : i32
      %gather3A_611 = arith.constant 0 : i32
      %gather3A_612 = tpu.memref_slice %arg5[%scan3A_189, %gather3A_610, %gather3A_611] : memref<2x32x384xf32, #tpu.memory_space<vmem>> -> memref<1x32x384xf32, #tpu.memory_space<vmem>>
      %gather3A_613 = tpu.memref_squeeze %gather3A_612 : memref<1x32x384xf32, #tpu.memory_space<vmem>> -> memref<32x384xf32, #tpu.memory_space<vmem>>
      %gather3A_614 = tpu.vector_load_idx %gather3A_613[%broadcast_in_dim3A_537, %add3A_26] : memref<32x384xf32, #tpu.memory_space<vmem>>[vector<16xi32>, vector<16xi32>], vector<16xf32>,
      %swap3A_615 = arith.constant 0 : i32
      %swap3A_616 = arith.constant 0 : i32
      %swap3A_617 = tpu.memref_slice %arg7[%scan3A_190, %swap3A_615, %swap3A_616] : memref<2x32x384xf32, #tpu.memory_space<vmem>> -> memref<1x32x384xf32, #tpu.memory_space<vmem>>
      %swap3A_618 = tpu.memref_squeeze %swap3A_617 : memref<1x32x384xf32, #tpu.memory_space<vmem>> -> memref<32x384xf32, #tpu.memory_space<vmem>>
      %swap3A_619 = arith.index_cast %add3A_536 : i32 to index
      %swap3A_620 = arith.constant 96 : index
      %swap3A_621 = tpu.vector_load %swap3A_618[%swap3A_619, %swap3A_620] {strides = array<i32>} : memref<32x384xf32, #tpu.memory_space<vmem>>, vector<16xf32>,
      tpu.vector_store %swap3A_618[%swap3A_619, %swap3A_620], %gather3A_614 {strides = array<i32>} : memref<32x384xf32, #tpu.memory_space<vmem>>, vector<16xf32>,
      %gather3A_622 = arith.constant 0 : i32
      %gather3A_623 = arith.constant 0 : i32
      %gather3A_624 = tpu.memref_slice %arg5[%scan3A_189, %gather3A_622, %gather3A_623] : memref<2x32x384xf32, #tpu.memory_space<vmem>> -> memref<1x32x384xf32, #tpu.memory_space<vmem>>
      %gather3A_625 = tpu.memref_squeeze %gather3A_624 : memref<1x32x384xf32, #tpu.memory_space<vmem>> -> memref<32x384xf32, #tpu.memory_space<vmem>>
      %gather3A_626 = tpu.vector_load_idx %gather3A_625[%broadcast_in_dim3A_537, %add3A_29] : memref<32x384xf32, #tpu.memory_space<vmem>>[vector<16xi32>, vector<16xi32>], vector<16xf32>,
      %swap3A_627 = arith.constant 0 : i32
      %swap3A_628 = arith.constant 0 : i32
      %swap3A_629 = tpu.memref_slice %arg7[%scan3A_190, %swap3A_627, %swap3A_628] : memref<2x32x384xf32, #tpu.memory_space<vmem>> -> memref<1x32x384xf32, #tpu.memory_space<vmem>>
      %swap3A_630 = tpu.memref_squeeze %swap3A_629 : memref<1x32x384xf32, #tpu.memory_space<vmem>> -> memref<32x384xf32, #tpu.memory_space<vmem>>
      %swap3A_631 = arith.index_cast %add3A_536 : i32 to index
      %swap3A_632 = arith.constant 112 : index
      %swap3A_633 = tpu.vector_load %swap3A_630[%swap3A_631, %swap3A_632] {strides = array<i32>} : memref<32x384xf32, #tpu.memory_space<vmem>>, vector<16xf32>,
      tpu.vector_store %swap3A_630[%swap3A_631, %swap3A_632], %gather3A_626 {strides = array<i32>} : memref<32x384xf32, #tpu.memory_space<vmem>>, vector<16xf32>,
      %gather3A_634 = arith.constant 0 : i32
      %gather3A_635 = arith.constant 0 : i32
      %gather3A_636 = tpu.memref_slice %arg5[%scan3A_189, %gather3A_634, %gather3A_635] : memref<2x32x384xf32, #tpu.memory_space<vmem>> -> memref<1x32x384xf32, #tpu.memory_space<vmem>>
      %gather3A_637 = tpu.memref_squeeze %gather3A_636 : memref<1x32x384xf32, #tpu.memory_space<vmem>> -> memref<32x384xf32, #tpu.memory_space<vmem>>
      %gather3A_638 = tpu.vector_load_idx %gather3A_637[%broadcast_in_dim3A_537, %add3A_32] : memref<32x384xf32, #tpu.memory_space<vmem>>[vector<16xi32>, vector<16xi32>], vector<16xf32>,
      %swap3A_639 = arith.constant 0 : i32
      %swap3A_640 = arith.constant 0 : i32
      %swap3A_641 = tpu.memref_slice %arg7[%scan3A_190, %swap3A_639, %swap3A_640] : memref<2x32x384xf32, #tpu.memory_space<vmem>> -> memref<1x32x384xf32, #tpu.memory_space<vmem>>
      %swap3A_642 = tpu.memref_squeeze %swap3A_641 : memref<1x32x384xf32, #tpu.memory_space<vmem>> -> memref<32x384xf32, #tpu.memory_space<vmem>>
      %swap3A_643 = arith.index_cast %add3A_536 : i32 to index
      %swap3A_644 = arith.constant 128 : index
      %swap3A_645 = tpu.vector_load %swap3A_642[%swap3A_643, %swap3A_644] {strides = array<i32>} : memref<32x384xf32, #tpu.memory_space<vmem>>, vector<16xf32>,
      tpu.vector_store %swap3A_642[%swap3A_643, %swap3A_644], %gather3A_638 {strides = array<i32>} : memref<32x384xf32, #tpu.memory_space<vmem>>, vector<16xf32>,
      %gather3A_646 = arith.constant 0 : i32
      %gather3A_647 = arith.constant 0 : i32
      %gather3A_648 = tpu.memref_slice %arg5[%scan3A_189, %gather3A_646, %gather3A_647] : memref<2x32x384xf32, #tpu.memory_space<vmem>> -> memref<1x32x384xf32, #tpu.memory_space<vmem>>
      %gather3A_649 = tpu.memref_squeeze %gather3A_648 : memref<1x32x384xf32, #tpu.memory_space<vmem>> -> memref<32x384xf32, #tpu.memory_space<vmem>>
      %gather3A_650 = tpu.vector_load_idx %gather3A_649[%broadcast_in_dim3A_537, %add3A_35] : memref<32x384xf32, #tpu.memory_space<vmem>>[vector<16xi32>, vector<16xi32>], vector<16xf32>,
      %swap3A_651 = arith.constant 0 : i32
      %swap3A_652 = arith.constant 0 : i32
      %swap3A_653 = tpu.memref_slice %arg7[%scan3A_190, %swap3A_651, %swap3A_652] : memref<2x32x384xf32, #tpu.memory_space<vmem>> -> memref<1x32x384xf32, #tpu.memory_space<vmem>>
      %swap3A_654 = tpu.memref_squeeze %swap3A_653 : memref<1x32x384xf32, #tpu.memory_space<vmem>> -> memref<32x384xf32, #tpu.memory_space<vmem>>
      %swap3A_655 = arith.index_cast %add3A_536 : i32 to index
      %swap3A_656 = arith.constant 144 : index
      %swap3A_657 = tpu.vector_load %swap3A_654[%swap3A_655, %swap3A_656] {strides = array<i32>} : memref<32x384xf32, #tpu.memory_space<vmem>>, vector<16xf32>,
      tpu.vector_store %swap3A_654[%swap3A_655, %swap3A_656], %gather3A_650 {strides = array<i32>} : memref<32x384xf32, #tpu.memory_space<vmem>>, vector<16xf32>,
      %gather3A_658 = arith.constant 0 : i32
      %gather3A_659 = arith.constant 0 : i32
      %gather3A_660 = tpu.memref_slice %arg5[%scan3A_189, %gather3A_658, %gather3A_659] : memref<2x32x384xf32, #tpu.memory_space<vmem>> -> memref<1x32x384xf32, #tpu.memory_space<vmem>>
      %gather3A_661 = tpu.memref_squeeze %gather3A_660 : memref<1x32x384xf32, #tpu.memory_space<vmem>> -> memref<32x384xf32, #tpu.memory_space<vmem>>
      %gather3A_662 = tpu.vector_load_idx %gather3A_661[%broadcast_in_dim3A_537, %add3A_38] : memref<32x384xf32, #tpu.memory_space<vmem>>[vector<16xi32>, vector<16xi32>], vector<16xf32>,
      %swap3A_663 = arith.constant 0 : i32
      %swap3A_664 = arith.constant 0 : i32
      %swap3A_665 = tpu.memref_slice %arg7[%scan3A_190, %swap3A_663, %swap3A_664] : memref<2x32x384xf32, #tpu.memory_space<vmem>> -> memref<1x32x384xf32, #tpu.memory_space<vmem>>
      %swap3A_666 = tpu.memref_squeeze %swap3A_665 : memref<1x32x384xf32, #tpu.memory_space<vmem>> -> memref<32x384xf32, #tpu.memory_space<vmem>>
      %swap3A_667 = arith.index_cast %add3A_536 : i32 to index
      %swap3A_668 = arith.constant 160 : index
      %swap3A_669 = tpu.vector_load %swap3A_666[%swap3A_667, %swap3A_668] {strides = array<i32>} : memref<32x384xf32, #tpu.memory_space<vmem>>, vector<16xf32>,
      tpu.vector_store %swap3A_666[%swap3A_667, %swap3A_668], %gather3A_662 {strides = array<i32>} : memref<32x384xf32, #tpu.memory_space<vmem>>, vector<16xf32>,
      %gather3A_670 = arith.constant 0 : i32
      %gather3A_671 = arith.constant 0 : i32
      %gather3A_672 = tpu.memref_slice %arg5[%scan3A_189, %gather3A_670, %gather3A_671] : memref<2x32x384xf32, #tpu.memory_space<vmem>> -> memref<1x32x384xf32, #tpu.memory_space<vmem>>
      %gather3A_673 = tpu.memref_squeeze %gather3A_672 : memref<1x32x384xf32, #tpu.memory_space<vmem>> -> memref<32x384xf32, #tpu.memory_space<vmem>>
      %gather3A_674 = tpu.vector_load_idx %gather3A_673[%broadcast_in_dim3A_537, %add3A_41] : memref<32x384xf32, #tpu.memory_space<vmem>>[vector<16xi32>, vector<16xi32>], vector<16xf32>,
      %swap3A_675 = arith.constant 0 : i32
      %swap3A_676 = arith.constant 0 : i32
      %swap3A_677 = tpu.memref_slice %arg7[%scan3A_190, %swap3A_675, %swap3A_676] : memref<2x32x384xf32, #tpu.memory_space<vmem>> -> memref<1x32x384xf32, #tpu.memory_space<vmem>>
      %swap3A_678 = tpu.memref_squeeze %swap3A_677 : memref<1x32x384xf32, #tpu.memory_space<vmem>> -> memref<32x384xf32, #tpu.memory_space<vmem>>
      %swap3A_679 = arith.index_cast %add3A_536 : i32 to index
      %swap3A_680 = arith.constant 176 : index
      %swap3A_681 = tpu.vector_load %swap3A_678[%swap3A_679, %swap3A_680] {strides = array<i32>} : memref<32x384xf32, #tpu.memory_space<vmem>>, vector<16xf32>,
      tpu.vector_store %swap3A_678[%swap3A_679, %swap3A_680], %gather3A_674 {strides = array<i32>} : memref<32x384xf32, #tpu.memory_space<vmem>>, vector<16xf32>,
      %gather3A_682 = arith.constant 0 : i32
      %gather3A_683 = arith.constant 0 : i32
      %gather3A_684 = tpu.memref_slice %arg6[%scan3A_191, %gather3A_682, %gather3A_683] : memref<2x32x384xf32, #tpu.memory_space<vmem>> -> memref<1x32x384xf32, #tpu.memory_space<vmem>>
      %gather3A_685 = tpu.memref_squeeze %gather3A_684 : memref<1x32x384xf32, #tpu.memory_space<vmem>> -> memref<32x384xf32, #tpu.memory_space<vmem>>
      %gather3A_686 = tpu.vector_load_idx %gather3A_685[%broadcast_in_dim3A_537, %add3A_47] : memref<32x384xf32, #tpu.memory_space<vmem>>[vector<16xi32>, vector<16xi32>], vector<16xf32>,
      %swap3A_687 = arith.constant 0 : i32
      %swap3A_688 = arith.constant 0 : i32
      %swap3A_689 = tpu.memref_slice %arg7[%scan3A_190, %swap3A_687, %swap3A_688] : memref<2x32x384xf32, #tpu.memory_space<vmem>> -> memref<1x32x384xf32, #tpu.memory_space<vmem>>
      %swap3A_690 = tpu.memref_squeeze %swap3A_689 : memref<1x32x384xf32, #tpu.memory_space<vmem>> -> memref<32x384xf32, #tpu.memory_space<vmem>>
      %swap3A_691 = arith.index_cast %add3A_536 : i32 to index
      %swap3A_692 = arith.constant 192 : index
      %swap3A_693 = tpu.vector_load %swap3A_690[%swap3A_691, %swap3A_692] {strides = array<i32>} : memref<32x384xf32, #tpu.memory_space<vmem>>, vector<16xf32>,
      tpu.vector_store %swap3A_690[%swap3A_691, %swap3A_692], %gather3A_686 {strides = array<i32>} : memref<32x384xf32, #tpu.memory_space<vmem>>, vector<16xf32>,
      %gather3A_694 = arith.constant 0 : i32
      %gather3A_695 = arith.constant 0 : i32
      %gather3A_696 = tpu.memref_slice %arg6[%scan3A_191, %gather3A_694, %gather3A_695] : memref<2x32x384xf32, #tpu.memory_space<vmem>> -> memref<1x32x384xf32, #tpu.memory_space<vmem>>
      %gather3A_697 = tpu.memref_squeeze %gather3A_696 : memref<1x32x384xf32, #tpu.memory_space<vmem>> -> memref<32x384xf32, #tpu.memory_space<vmem>>
      %gather3A_698 = tpu.vector_load_idx %gather3A_697[%broadcast_in_dim3A_537, %add3A_53] : memref<32x384xf32, #tpu.memory_space<vmem>>[vector<16xi32>, vector<16xi32>], vector<16xf32>,
      %swap3A_699 = arith.constant 0 : i32
      %swap3A_700 = arith.constant 0 : i32
      %swap3A_701 = tpu.memref_slice %arg7[%scan3A_190, %swap3A_699, %swap3A_700] : memref<2x32x384xf32, #tpu.memory_space<vmem>> -> memref<1x32x384xf32, #tpu.memory_space<vmem>>
      %swap3A_702 = tpu.memref_squeeze %swap3A_701 : memref<1x32x384xf32, #tpu.memory_space<vmem>> -> memref<32x384xf32, #tpu.memory_space<vmem>>
      %swap3A_703 = arith.index_cast %add3A_536 : i32 to index
      %swap3A_704 = arith.constant 208 : index
      %swap3A_705 = tpu.vector_load %swap3A_702[%swap3A_703, %swap3A_704] {strides = array<i32>} : memref<32x384xf32, #tpu.memory_space<vmem>>, vector<16xf32>,
      tpu.vector_store %swap3A_702[%swap3A_703, %swap3A_704], %gather3A_698 {strides = array<i32>} : memref<32x384xf32, #tpu.memory_space<vmem>>, vector<16xf32>,
      %gather3A_706 = arith.constant 0 : i32
      %gather3A_707 = arith.constant 0 : i32
      %gather3A_708 = tpu.memref_slice %arg6[%scan3A_191, %gather3A_706, %gather3A_707] : memref<2x32x384xf32, #tpu.memory_space<vmem>> -> memref<1x32x384xf32, #tpu.memory_space<vmem>>
      %gather3A_709 = tpu.memref_squeeze %gather3A_708 : memref<1x32x384xf32, #tpu.memory_space<vmem>> -> memref<32x384xf32, #tpu.memory_space<vmem>>
      %gather3A_710 = tpu.vector_load_idx %gather3A_709[%broadcast_in_dim3A_537, %add3A_59] : memref<32x384xf32, #tpu.memory_space<vmem>>[vector<16xi32>, vector<16xi32>], vector<16xf32>,
      %swap3A_711 = arith.constant 0 : i32
      %swap3A_712 = arith.constant 0 : i32
      %swap3A_713 = tpu.memref_slice %arg7[%scan3A_190, %swap3A_711, %swap3A_712] : memref<2x32x384xf32, #tpu.memory_space<vmem>> -> memref<1x32x384xf32, #tpu.memory_space<vmem>>
      %swap3A_714 = tpu.memref_squeeze %swap3A_713 : memref<1x32x384xf32, #tpu.memory_space<vmem>> -> memref<32x384xf32, #tpu.memory_space<vmem>>
      %swap3A_715 = arith.index_cast %add3A_536 : i32 to index
      %swap3A_716 = arith.constant 224 : index
      %swap3A_717 = tpu.vector_load %swap3A_714[%swap3A_715, %swap3A_716] {strides = array<i32>} : memref<32x384xf32, #tpu.memory_space<vmem>>, vector<16xf32>,
      tpu.vector_store %swap3A_714[%swap3A_715, %swap3A_716], %gather3A_710 {strides = array<i32>} : memref<32x384xf32, #tpu.memory_space<vmem>>, vector<16xf32>,
      %gather3A_718 = arith.constant 0 : i32
      %gather3A_719 = arith.constant 0 : i32
      %gather3A_720 = tpu.memref_slice %arg6[%scan3A_191, %gather3A_718, %gather3A_719] : memref<2x32x384xf32, #tpu.memory_space<vmem>> -> memref<1x32x384xf32, #tpu.memory_space<vmem>>
      %gather3A_721 = tpu.memref_squeeze %gather3A_720 : memref<1x32x384xf32, #tpu.memory_space<vmem>> -> memref<32x384xf32, #tpu.memory_space<vmem>>
      %gather3A_722 = tpu.vector_load_idx %gather3A_721[%broadcast_in_dim3A_537, %add3A_65] : memref<32x384xf32, #tpu.memory_space<vmem>>[vector<16xi32>, vector<16xi32>], vector<16xf32>,
      %swap3A_723 = arith.constant 0 : i32
      %swap3A_724 = arith.constant 0 : i32
      %swap3A_725 = tpu.memref_slice %arg7[%scan3A_190, %swap3A_723, %swap3A_724] : memref<2x32x384xf32, #tpu.memory_space<vmem>> -> memref<1x32x384xf32, #tpu.memory_space<vmem>>
      %swap3A_726 = tpu.memref_squeeze %swap3A_725 : memref<1x32x384xf32, #tpu.memory_space<vmem>> -> memref<32x384xf32, #tpu.memory_space<vmem>>
      %swap3A_727 = arith.index_cast %add3A_536 : i32 to index
      %swap3A_728 = arith.constant 240 : index
      %swap3A_729 = tpu.vector_load %swap3A_726[%swap3A_727, %swap3A_728] {strides = array<i32>} : memref<32x384xf32, #tpu.memory_space<vmem>>, vector<16xf32>,
      tpu.vector_store %swap3A_726[%swap3A_727, %swap3A_728], %gather3A_722 {strides = array<i32>} : memref<32x384xf32, #tpu.memory_space<vmem>>, vector<16xf32>,
      %gather3A_730 = arith.constant 0 : i32
      %gather3A_731 = arith.constant 0 : i32
      %gather3A_732 = tpu.memref_slice %arg6[%scan3A_191, %gather3A_730, %gather3A_731] : memref<2x32x384xf32, #tpu.memory_space<vmem>> -> memref<1x32x384xf32, #tpu.memory_space<vmem>>
      %gather3A_733 = tpu.memref_squeeze %gather3A_732 : memref<1x32x384xf32, #tpu.memory_space<vmem>> -> memref<32x384xf32, #tpu.memory_space<vmem>>
      %gather3A_734 = tpu.vector_load_idx %gather3A_733[%broadcast_in_dim3A_537, %add3A_71] : memref<32x384xf32, #tpu.memory_space<vmem>>[vector<16xi32>, vector<16xi32>], vector<16xf32>,
      %swap3A_735 = arith.constant 0 : i32
      %swap3A_736 = arith.constant 0 : i32
      %swap3A_737 = tpu.memref_slice %arg7[%scan3A_190, %swap3A_735, %swap3A_736] : memref<2x32x384xf32, #tpu.memory_space<vmem>> -> memref<1x32x384xf32, #tpu.memory_space<vmem>>
      %swap3A_738 = tpu.memref_squeeze %swap3A_737 : memref<1x32x384xf32, #tpu.memory_space<vmem>> -> memref<32x384xf32, #tpu.memory_space<vmem>>
      %swap3A_739 = arith.index_cast %add3A_536 : i32 to index
      %swap3A_740 = arith.constant 256 : index
      %swap3A_741 = tpu.vector_load %swap3A_738[%swap3A_739, %swap3A_740] {strides = array<i32>} : memref<32x384xf32, #tpu.memory_space<vmem>>, vector<16xf32>,
      tpu.vector_store %swap3A_738[%swap3A_739, %swap3A_740], %gather3A_734 {strides = array<i32>} : memref<32x384xf32, #tpu.memory_space<vmem>>, vector<16xf32>,
      %gather3A_742 = arith.constant 0 : i32
      %gather3A_743 = arith.constant 0 : i32
      %gather3A_744 = tpu.memref_slice %arg6[%scan3A_191, %gather3A_742, %gather3A_743] : memref<2x32x384xf32, #tpu.memory_space<vmem>> -> memref<1x32x384xf32, #tpu.memory_space<vmem>>
      %gather3A_745 = tpu.memref_squeeze %gather3A_744 : memref<1x32x384xf32, #tpu.memory_space<vmem>> -> memref<32x384xf32, #tpu.memory_space<vmem>>
      %gather3A_746 = tpu.vector_load_idx %gather3A_745[%broadcast_in_dim3A_537, %add3A_77] : memref<32x384xf32, #tpu.memory_space<vmem>>[vector<16xi32>, vector<16xi32>], vector<16xf32>,
      %swap3A_747 = arith.constant 0 : i32
      %swap3A_748 = arith.constant 0 : i32
      %swap3A_749 = tpu.memref_slice %arg7[%scan3A_190, %swap3A_747, %swap3A_748] : memref<2x32x384xf32, #tpu.memory_space<vmem>> -> memref<1x32x384xf32, #tpu.memory_space<vmem>>
      %swap3A_750 = tpu.memref_squeeze %swap3A_749 : memref<1x32x384xf32, #tpu.memory_space<vmem>> -> memref<32x384xf32, #tpu.memory_space<vmem>>
      %swap3A_751 = arith.index_cast %add3A_536 : i32 to index
      %swap3A_752 = arith.constant 272 : index
      %swap3A_753 = tpu.vector_load %swap3A_750[%swap3A_751, %swap3A_752] {strides = array<i32>} : memref<32x384xf32, #tpu.memory_space<vmem>>, vector<16xf32>,
      tpu.vector_store %swap3A_750[%swap3A_751, %swap3A_752], %gather3A_746 {strides = array<i32>} : memref<32x384xf32, #tpu.memory_space<vmem>>, vector<16xf32>,
      %gather3A_754 = arith.constant 0 : i32
      %gather3A_755 = arith.constant 0 : i32
      %gather3A_756 = tpu.memref_slice %arg6[%scan3A_191, %gather3A_754, %gather3A_755] : memref<2x32x384xf32, #tpu.memory_space<vmem>> -> memref<1x32x384xf32, #tpu.memory_space<vmem>>
      %gather3A_757 = tpu.memref_squeeze %gather3A_756 : memref<1x32x384xf32, #tpu.memory_space<vmem>> -> memref<32x384xf32, #tpu.memory_space<vmem>>
      %gather3A_758 = tpu.vector_load_idx %gather3A_757[%broadcast_in_dim3A_537, %add3A_83] : memref<32x384xf32, #tpu.memory_space<vmem>>[vector<16xi32>, vector<16xi32>], vector<16xf32>,
      %swap3A_759 = arith.constant 0 : i32
      %swap3A_760 = arith.constant 0 : i32
      %swap3A_761 = tpu.memref_slice %arg7[%scan3A_190, %swap3A_759, %swap3A_760] : memref<2x32x384xf32, #tpu.memory_space<vmem>> -> memref<1x32x384xf32, #tpu.memory_space<vmem>>
      %swap3A_762 = tpu.memref_squeeze %swap3A_761 : memref<1x32x384xf32, #tpu.memory_space<vmem>> -> memref<32x384xf32, #tpu.memory_space<vmem>>
      %swap3A_763 = arith.index_cast %add3A_536 : i32 to index
      %swap3A_764 = arith.constant 288 : index
      %swap3A_765 = tpu.vector_load %swap3A_762[%swap3A_763, %swap3A_764] {strides = array<i32>} : memref<32x384xf32, #tpu.memory_space<vmem>>, vector<16xf32>,
      tpu.vector_store %swap3A_762[%swap3A_763, %swap3A_764], %gather3A_758 {strides = array<i32>} : memref<32x384xf32, #tpu.memory_space<vmem>>, vector<16xf32>,
      %gather3A_766 = arith.constant 0 : i32
      %gather3A_767 = arith.constant 0 : i32
      %gather3A_768 = tpu.memref_slice %arg6[%scan3A_191, %gather3A_766, %gather3A_767] : memref<2x32x384xf32, #tpu.memory_space<vmem>> -> memref<1x32x384xf32, #tpu.memory_space<vmem>>
      %gather3A_769 = tpu.memref_squeeze %gather3A_768 : memref<1x32x384xf32, #tpu.memory_space<vmem>> -> memref<32x384xf32, #tpu.memory_space<vmem>>
      %gather3A_770 = tpu.vector_load_idx %gather3A_769[%broadcast_in_dim3A_537, %add3A_89] : memref<32x384xf32, #tpu.memory_space<vmem>>[vector<16xi32>, vector<16xi32>], vector<16xf32>,
      %swap3A_771 = arith.constant 0 : i32
      %swap3A_772 = arith.constant 0 : i32
      %swap3A_773 = tpu.memref_slice %arg7[%scan3A_190, %swap3A_771, %swap3A_772] : memref<2x32x384xf32, #tpu.memory_space<vmem>> -> memref<1x32x384xf32, #tpu.memory_space<vmem>>
      %swap3A_774 = tpu.memref_squeeze %swap3A_773 : memref<1x32x384xf32, #tpu.memory_space<vmem>> -> memref<32x384xf32, #tpu.memory_space<vmem>>
      %swap3A_775 = arith.index_cast %add3A_536 : i32 to index
      %swap3A_776 = arith.constant 304 : index
      %swap3A_777 = tpu.vector_load %swap3A_774[%swap3A_775, %swap3A_776] {strides = array<i32>} : memref<32x384xf32, #tpu.memory_space<vmem>>, vector<16xf32>,
      tpu.vector_store %swap3A_774[%swap3A_775, %swap3A_776], %gather3A_770 {strides = array<i32>} : memref<32x384xf32, #tpu.memory_space<vmem>>, vector<16xf32>,
      %gather3A_778 = arith.constant 0 : i32
      %gather3A_779 = arith.constant 0 : i32
      %gather3A_780 = tpu.memref_slice %arg6[%scan3A_191, %gather3A_778, %gather3A_779] : memref<2x32x384xf32, #tpu.memory_space<vmem>> -> memref<1x32x384xf32, #tpu.memory_space<vmem>>
      %gather3A_781 = tpu.memref_squeeze %gather3A_780 : memref<1x32x384xf32, #tpu.memory_space<vmem>> -> memref<32x384xf32, #tpu.memory_space<vmem>>
      %gather3A_782 = tpu.vector_load_idx %gather3A_781[%broadcast_in_dim3A_537, %add3A_95] : memref<32x384xf32, #tpu.memory_space<vmem>>[vector<16xi32>, vector<16xi32>], vector<16xf32>,
      %swap3A_783 = arith.constant 0 : i32
      %swap3A_784 = arith.constant 0 : i32
      %swap3A_785 = tpu.memref_slice %arg7[%scan3A_190, %swap3A_783, %swap3A_784] : memref<2x32x384xf32, #tpu.memory_space<vmem>> -> memref<1x32x384xf32, #tpu.memory_space<vmem>>
      %swap3A_786 = tpu.memref_squeeze %swap3A_785 : memref<1x32x384xf32, #tpu.memory_space<vmem>> -> memref<32x384xf32, #tpu.memory_space<vmem>>
      %swap3A_787 = arith.index_cast %add3A_536 : i32 to index
      %swap3A_788 = arith.constant 320 : index
      %swap3A_789 = tpu.vector_load %swap3A_786[%swap3A_787, %swap3A_788] {strides = array<i32>} : memref<32x384xf32, #tpu.memory_space<vmem>>, vector<16xf32>,
      tpu.vector_store %swap3A_786[%swap3A_787, %swap3A_788], %gather3A_782 {strides = array<i32>} : memref<32x384xf32, #tpu.memory_space<vmem>>, vector<16xf32>,
      %gather3A_790 = arith.constant 0 : i32
      %gather3A_791 = arith.constant 0 : i32
      %gather3A_792 = tpu.memref_slice %arg6[%scan3A_191, %gather3A_790, %gather3A_791] : memref<2x32x384xf32, #tpu.memory_space<vmem>> -> memref<1x32x384xf32, #tpu.memory_space<vmem>>
      %gather3A_793 = tpu.memref_squeeze %gather3A_792 : memref<1x32x384xf32, #tpu.memory_space<vmem>> -> memref<32x384xf32, #tpu.memory_space<vmem>>
      %gather3A_794 = tpu.vector_load_idx %gather3A_793[%broadcast_in_dim3A_537, %add3A_101] : memref<32x384xf32, #tpu.memory_space<vmem>>[vector<16xi32>, vector<16xi32>], vector<16xf32>,
      %swap3A_795 = arith.constant 0 : i32
      %swap3A_796 = arith.constant 0 : i32
      %swap3A_797 = tpu.memref_slice %arg7[%scan3A_190, %swap3A_795, %swap3A_796] : memref<2x32x384xf32, #tpu.memory_space<vmem>> -> memref<1x32x384xf32, #tpu.memory_space<vmem>>
      %swap3A_798 = tpu.memref_squeeze %swap3A_797 : memref<1x32x384xf32, #tpu.memory_space<vmem>> -> memref<32x384xf32, #tpu.memory_space<vmem>>
      %swap3A_799 = arith.index_cast %add3A_536 : i32 to index
      %swap3A_800 = arith.constant 336 : index
      %swap3A_801 = tpu.vector_load %swap3A_798[%swap3A_799, %swap3A_800] {strides = array<i32>} : memref<32x384xf32, #tpu.memory_space<vmem>>, vector<16xf32>,
      tpu.vector_store %swap3A_798[%swap3A_799, %swap3A_800], %gather3A_794 {strides = array<i32>} : memref<32x384xf32, #tpu.memory_space<vmem>>, vector<16xf32>,
      %gather3A_802 = arith.constant 0 : i32
      %gather3A_803 = arith.constant 0 : i32
      %gather3A_804 = tpu.memref_slice %arg6[%scan3A_191, %gather3A_802, %gather3A_803] : memref<2x32x384xf32, #tpu.memory_space<vmem>> -> memref<1x32x384xf32, #tpu.memory_space<vmem>>
      %gather3A_805 = tpu.memref_squeeze %gather3A_804 : memref<1x32x384xf32, #tpu.memory_space<vmem>> -> memref<32x384xf32, #tpu.memory_space<vmem>>
      %gather3A_806 = tpu.vector_load_idx %gather3A_805[%broadcast_in_dim3A_537, %add3A_107] : memref<32x384xf32, #tpu.memory_space<vmem>>[vector<16xi32>, vector<16xi32>], vector<16xf32>,
      %swap3A_807 = arith.constant 0 : i32
      %swap3A_808 = arith.constant 0 : i32
      %swap3A_809 = tpu.memref_slice %arg7[%scan3A_190, %swap3A_807, %swap3A_808] : memref<2x32x384xf32, #tpu.memory_space<vmem>> -> memref<1x32x384xf32, #tpu.memory_space<vmem>>
      %swap3A_810 = tpu.memref_squeeze %swap3A_809 : memref<1x32x384xf32, #tpu.memory_space<vmem>> -> memref<32x384xf32, #tpu.memory_space<vmem>>
      %swap3A_811 = arith.index_cast %add3A_536 : i32 to index
      %swap3A_812 = arith.constant 352 : index
      %swap3A_813 = tpu.vector_load %swap3A_810[%swap3A_811, %swap3A_812] {strides = array<i32>} : memref<32x384xf32, #tpu.memory_space<vmem>>, vector<16xf32>,
      tpu.vector_store %swap3A_810[%swap3A_811, %swap3A_812], %gather3A_806 {strides = array<i32>} : memref<32x384xf32, #tpu.memory_space<vmem>>, vector<16xf32>,
      %gather3A_814 = arith.constant 0 : i32
      %gather3A_815 = arith.constant 0 : i32
      %gather3A_816 = tpu.memref_slice %arg6[%scan3A_191, %gather3A_814, %gather3A_815] : memref<2x32x384xf32, #tpu.memory_space<vmem>> -> memref<1x32x384xf32, #tpu.memory_space<vmem>>
      %gather3A_817 = tpu.memref_squeeze %gather3A_816 : memref<1x32x384xf32, #tpu.memory_space<vmem>> -> memref<32x384xf32, #tpu.memory_space<vmem>>
      %gather3A_818 = tpu.vector_load_idx %gather3A_817[%broadcast_in_dim3A_537, %add3A_113] : memref<32x384xf32, #tpu.memory_space<vmem>>[vector<16xi32>, vector<16xi32>], vector<16xf32>,
      %swap3A_819 = arith.constant 0 : i32
      %swap3A_820 = arith.constant 0 : i32
      %swap3A_821 = tpu.memref_slice %arg7[%scan3A_190, %swap3A_819, %swap3A_820] : memref<2x32x384xf32, #tpu.memory_space<vmem>> -> memref<1x32x384xf32, #tpu.memory_space<vmem>>
      %swap3A_822 = tpu.memref_squeeze %swap3A_821 : memref<1x32x384xf32, #tpu.memory_space<vmem>> -> memref<32x384xf32, #tpu.memory_space<vmem>>
      %swap3A_823 = arith.index_cast %add3A_536 : i32 to index
      %swap3A_824 = arith.constant 368 : index
      %swap3A_825 = tpu.vector_load %swap3A_822[%swap3A_823, %swap3A_824] {strides = array<i32>} : memref<32x384xf32, #tpu.memory_space<vmem>>, vector<16xf32>,
      tpu.vector_store %swap3A_822[%swap3A_823, %swap3A_824], %gather3A_818 {strides = array<i32>} : memref<32x384xf32, #tpu.memory_space<vmem>>, vector<16xf32>,
    }
    %scan3A_196 = arith.constant 16 : i32
    %add3A_197 = arith.constant 1536 : i32
    %add3A_198 = arith.addi %mul3A_2, %add3A_197 : i32
    %dma_start3A_199 = arith.constant 0 : i32
    %dma_start3A_200 = arith.constant 0 : i32
    %dma_start3A_201 = arith.constant 0 : i32
    %dma_start3A_202 = tpu.memref_slice %arg7[%dma_start3A_199, %dma_start3A_200, %dma_start3A_201] : memref<2x32x384xf32, #tpu.memory_space<vmem>> -> memref<1x32x384xf32, #tpu.memory_space<vmem>>
    %dma_start3A_203 = tpu.memref_squeeze %dma_start3A_202 : memref<1x32x384xf32, #tpu.memory_space<vmem>> -> memref<32x384xf32, #tpu.memory_space<vmem>>
    %dma_start3A_204 = arith.constant 0 : i32
    %dma_start3A_205 = tpu.memref_slice %arg4[%add3A_198, %dma_start3A_204] : memref<50176x384xf32, #tpu.memory_space<hbm>> -> memref<32x384xf32, #tpu.memory_space<hbm>>
    %dma_start3A_206 = arith.constant 0 : i32
    %dma_start3A_207 = tpu.memref_slice %arg4[%add3A_198, %dma_start3A_206] : memref<50176x384xf32, #tpu.memory_space<hbm>> -> memref<32x384xf32, #tpu.memory_space<hbm>>
    %dma_start3A_208 = arith.constant 0 : i32
    %dma_start3A_209 = arith.constant 0 : i32
    %dma_start3A_210 = tpu.memref_slice %arg7[%dma_start3A_199, %dma_start3A_208, %dma_start3A_209] : memref<2x32x384xf32, #tpu.memory_space<vmem>> -> memref<1x32x384xf32, #tpu.memory_space<vmem>>
    %dma_start3A_211 = tpu.memref_squeeze %dma_start3A_210 : memref<1x32x384xf32, #tpu.memory_space<vmem>> -> memref<32x384xf32, #tpu.memory_space<vmem>>
    tpu.enqueue_dma source(%dma_start3A_211 : memref<32x384xf32, #tpu.memory_space<vmem>>) target(%dma_start3A_207 : memref<32x384xf32, #tpu.memory_space<hbm>>) target_semaphore(%arg12 : memref<!tpu.dma_semaphore, #tpu.memory_space<semaphore_mem>>)
    %add3A_212 = arith.constant 1504 : i32
    %add3A_213 = arith.addi %mul3A_2, %add3A_212 : i32
    %dma_wait3A_214 = arith.constant 1 : i32
    %dma_wait3A_215 = arith.constant 0 : i32
    %dma_wait3A_216 = arith.constant 0 : i32
    %dma_wait3A_217 = tpu.memref_slice %arg7[%dma_wait3A_214, %dma_wait3A_215, %dma_wait3A_216] : memref<2x32x384xf32, #tpu.memory_space<vmem>> -> memref<1x32x384xf32, #tpu.memory_space<vmem>>
    %dma_wait3A_218 = tpu.memref_squeeze %dma_wait3A_217 : memref<1x32x384xf32, #tpu.memory_space<vmem>> -> memref<32x384xf32, #tpu.memory_space<vmem>>
    %dma_wait3A_219 = arith.constant 0 : i32
    %dma_wait3A_220 = tpu.memref_slice %arg4[%add3A_213, %dma_wait3A_219] : memref<50176x384xf32, #tpu.memory_space<hbm>> -> memref<32x384xf32, #tpu.memory_space<hbm>>
    %dma_wait3A_221 = arith.constant 0 : i32
    %dma_wait3A_222 = tpu.memref_slice %arg4[%add3A_213, %dma_wait3A_221] : memref<50176x384xf32, #tpu.memory_space<hbm>> -> memref<32x384xf32, #tpu.memory_space<hbm>>
    %dma_wait3A_223 = arith.constant 0 : i32
    %dma_wait3A_224 = arith.constant 0 : i32
    %dma_wait3A_225 = tpu.memref_slice %arg7[%dma_wait3A_214, %dma_wait3A_223, %dma_wait3A_224] : memref<2x32x384xf32, #tpu.memory_space<vmem>> -> memref<1x32x384xf32, #tpu.memory_space<vmem>>
    %dma_wait3A_226 = tpu.memref_squeeze %dma_wait3A_225 : memref<1x32x384xf32, #tpu.memory_space<vmem>> -> memref<32x384xf32, #tpu.memory_space<vmem>>
    tpu.wait_dma2 semaphore(%arg13 : memref<!tpu.dma_semaphore, #tpu.memory_space<semaphore_mem>>) src(%dma_wait3A_226 : memref<32x384xf32, #tpu.memory_space<vmem>>) dst(%dma_wait3A_222 : memref<32x384xf32, #tpu.memory_space<hbm>>)
    %add3A_227 = arith.constant 1536 : i32
    %add3A_228 = arith.addi %mul3A_2, %add3A_227 : i32
    %dma_wait3A_229 = arith.constant 0 : i32
    %dma_wait3A_230 = arith.constant 0 : i32
    %dma_wait3A_231 = arith.constant 0 : i32
    %dma_wait3A_232 = tpu.memref_slice %arg7[%dma_wait3A_229, %dma_wait3A_230, %dma_wait3A_231] : memref<2x32x384xf32, #tpu.memory_space<vmem>> -> memref<1x32x384xf32, #tpu.memory_space<vmem>>
    %dma_wait3A_233 = tpu.memref_squeeze %dma_wait3A_232 : memref<1x32x384xf32, #tpu.memory_space<vmem>> -> memref<32x384xf32, #tpu.memory_space<vmem>>
    %dma_wait3A_234 = arith.constant 0 : i32
    %dma_wait3A_235 = tpu.memref_slice %arg4[%add3A_228, %dma_wait3A_234] : memref<50176x384xf32, #tpu.memory_space<hbm>> -> memref<32x384xf32, #tpu.memory_space<hbm>>
    %dma_wait3A_236 = arith.constant 0 : i32
    %dma_wait3A_237 = tpu.memref_slice %arg4[%add3A_228, %dma_wait3A_236] : memref<50176x384xf32, #tpu.memory_space<hbm>> -> memref<32x384xf32, #tpu.memory_space<hbm>>
    %dma_wait3A_238 = arith.constant 0 : i32
    %dma_wait3A_239 = arith.constant 0 : i32
    %dma_wait3A_240 = tpu.memref_slice %arg7[%dma_wait3A_229, %dma_wait3A_238, %dma_wait3A_239] : memref<2x32x384xf32, #tpu.memory_space<vmem>> -> memref<1x32x384xf32, #tpu.memory_space<vmem>>
    %dma_wait3A_241 = tpu.memref_squeeze %dma_wait3A_240 : memref<1x32x384xf32, #tpu.memory_space<vmem>> -> memref<32x384xf32, #tpu.memory_space<vmem>>
    tpu.wait_dma2 semaphore(%arg12 : memref<!tpu.dma_semaphore, #tpu.memory_space<semaphore_mem>>) src(%dma_wait3A_241 : memref<32x384xf32, #tpu.memory_space<vmem>>) dst(%dma_wait3A_237 : memref<32x384xf32, #tpu.memory_space<hbm>>)
    return
  }
}

</mosaic_0001>

<sc_bundles>
// kernel: _frozen_adder.3.cloned.1.call-start
scs
__scs_entry_jumppad:
0x0: {  	(pc) =	sbr.rel $0x88, $3  }
0x1: {  	(tag) =	ssettag $0x0;
	lr =	simm.s32 $0x1  }
0x2: {  	[smem:$0x3F9F] =	sst lr;
	_ =	strace $0xD0000000  }
0x3: {  	_ = 	snop  }
0x4: {  	_ = 	snop  }
0x5: {  	_ = 	snop  }
0x6: {  	_ = 	snop  }
0x7: {  	_ = 	snop  }
__scs_overlays_trampoline_lowered:
0x8: {  	[smem:$0x3FAE] =	sst s0  }
0x9: {  	[smem:$0x3FAF] =	sst s1  }
0xa: {  	[smem:$0x3FB0] =	sst s2  }
0xb: {  	[smem:$0x3FB1] =	sst s3  }
0xc: {  	[smem:$0x3FB2] =	sst s4  }
0xd: {  	[smem:$0x3FB3] =	sst s5  }
0xe: {  	[smem:$0x3FB4] =	sst s6  }
0xf: {  	[smem:$0x3FB5] =	sst s7  }
0x10: {  	[smem:$0x3FB6] =	sst s8  }
0x11: {  	[smem:$0x3FB7] =	sst s9;
	s0 =	simm.s32 @!p0 $0x0  }
0x12: {  	s1 =	sld [smem:$0x3F9D];
	s0 =	simm.s32 @p0 $0x1  }
0x13: {  	[smem:$0x3FB8] =	sst s0;
	s0 =	simm.s32 @!p1 $0x0  }
0x14: {  	s2 =	sld [smem:$0x3F9C];
	s0 =	simm.s32 @p1 $0x1  }
0x15: {  	[smem:$0x3FB9] =	sst s0;
	s0 =	simm.s32 @!p2 $0x0  }
0x16: {  	s3 =	sld [smem:$0x3FDB];
	s0 =	simm.s32 @p2 $0x1  }
0x17: {  	s4 =	simm.s32 $0x1BF5;
	[smem:$0x3FBB] =	sst s0  }
0x18: {  	s0 =	sld [smem:$0x3F9E];
	_ =	swait.ge [sflag:s4], $0x0  }
0x19: {  	s7 =	sld [smem:$0x3F9F]  }
0x1a: {  	s8 =	sadd.s32 $0xFFFFE003, lr  }
0x1b: {  	s9 =	sadd.s32 $0xFFFFFEF7, lr;
	s5 =	simm.s32 $0xFFFFFFFF;
	p2 =	slt.u32 s8, $0xFFFFF086  }
0x1c: {  	p1 =	slt.u32 s9, $0xF7A;
	s5 =	simm.s32 @!p2 $0x0  }
0x1d: {  	s5 =	simm.s32 @p1 $0x1;
	p0 =	seq.s32 s7, s2  }
0x1e: {  	s7 =	smul.u32 @!p0 $0xF7A, s2;
	p2 =	seq.s32 @!p0 s5, $0x0  }
0x1f: {  	s9 =	smul.u32 $0xF7A, s1;
	s8 =	simm.s32 @!p0 $0x1BF5;
	p2 =	por !p2, p0  }
0x20: {  	[sflag:s8] =	ssyncset.s32 @!p0 $0xFFFFF086;
	s6 =	sadd.s32 @!p0 s3, s7;
	s7 =	simm.s32 @!p0 $0x108  }
0x21: {  	s3 =	sadd.s32 s3, s9;
	s6 =	sadd.s32 @!p0 $0x88, s6;
	s7 =	simm.s32 @p2 $0x1082  }
0x22: {  	[simem:s7], [sflag:s8] =	dma.local @!p0 [hbm:s6], $0xF7A  }
0x23: {  	s9 =	sor.u32 $0xD0000000, s2;
	s6 =	simm.s32 $0x108;
	_ =	swait.ge @!p0 [sflag:s8], $0x0  }
0x24: {  	s3 =	sadd.s32 $0x88, s3;
	s6 =	simm.s32 @!p1 $0x1082;
	[sflag:s4] =	ssyncset.s32 $0xFFFFF086  }
0x25: {  	[simem:s6], [sflag:s4] =	dma.local [hbm:s3], $0xF7A  }
0x26: {  	[smem:$0x3F9F] =	sst s1;
	(tag) =	ssettag s2;
	_ =	strace s9  }
0x27: {  	s1 =	sld [smem:$0x3FAF]  }
0x28: {  	s2 =	sld [smem:$0x3FB0]  }
0x29: {  	s4 =	sld [smem:$0x3FB2]  }
0x2a: {  	p0 =	seq.s32 s5, $0x0;
	s5 =	sld [smem:$0x3FB3]  }
0x2b: {  	s6 =	sld [smem:$0x3FB4]  }
0x2c: {  	s7 =	sld [smem:$0x3FB5]  }
0x2d: {  	s3 =	simm.s32 $0x108;
	s8 =	sld [smem:$0x3FB6]  }
0x2e: {  	s3 =	simm.s32 @!p0 $0x1082;
	s9 =	sld [smem:$0x3FB7]  }
0x2f: {  	lr =	sadd.s32 s0, s3;
	s0 =	sld [smem:$0x3FAE]  }
0x30: {  	s3 =	sld [smem:$0x3FB1]  }
0x31: {  	[smem:$0x3FBA] =	sst s10  }
0x32: {  	s10 =	sld [smem:$0x3FB8];
	_ =	sdelay $0x3  }
0x33: {  	p0 =	seq.s32 s10, $0x1;
	s10 =	sld [smem:$0x3FBA];
	_ =	sdelay $0x3  }
0x34: {  	[smem:$0x3FBA] =	sst s10  }
0x35: {  	s10 =	sld [smem:$0x3FB9];
	_ =	sdelay $0x3  }
0x36: {  	p1 =	seq.s32 s10, $0x1;
	s10 =	sld [smem:$0x3FBA];
	_ =	sdelay $0x3  }
0x37: {  	[smem:$0x3FBA] =	sst s10  }
0x38: {  	s10 =	sld [smem:$0x3FBB]  }
0x39: {  	_ = 	snop;
	(pc) =	sbr.ind lr, $3  }
0x3a: {  	_ = 	snop  }
0x3b: {  	_ = 	snop  }
0x3c: {  	p2 =	seq.s32 s10, $0x1;
	s10 =	sld [smem:$0x3FBA]  }
0x3d: {  	_ =	shalt  }
0x3e: {  	_ =	shalt  }
0x3f: {  	_ =	shalt  }
0x40: {  	_ =	shalt  }
0x41: {  	_ =	shalt  }
0x42: {  	_ =	shalt  }
0x43: {  	_ =	shalt  }
0x44: {  	_ =	shalt  }
0x45: {  	_ =	shalt  }
0x46: {  	_ =	shalt  }
0x47: {  	_ =	shalt  }
0x48: {  	_ =	shalt  }
0x49: {  	_ =	shalt  }
0x4a: {  	_ =	shalt  }
0x4b: {  	_ =	shalt  }
0x4c: {  	_ =	shalt  }
0x4d: {  	_ =	shalt  }
0x4e: {  	_ =	shalt  }
0x4f: {  	_ =	shalt  }
0x50: {  	_ =	shalt  }
0x51: {  	_ =	shalt  }
0x52: {  	_ =	shalt  }
0x53: {  	_ =	shalt  }
0x54: {  	_ =	shalt  }
0x55: {  	_ =	shalt  }
0x56: {  	_ =	shalt  }
0x57: {  	_ =	shalt  }
0x58: {  	_ =	shalt  }
0x59: {  	_ =	shalt  }
0x5a: {  	_ =	shalt  }
0x5b: {  	_ =	shalt  }
0x5c: {  	_ =	shalt  }
0x5d: {  	_ =	shalt  }
0x5e: {  	_ =	shalt  }
0x5f: {  	_ =	shalt  }
0x60: {  	_ =	shalt  }
0x61: {  	_ =	shalt  }
0x62: {  	_ =	shalt  }
0x63: {  	_ =	shalt  }
0x64: {  	_ =	shalt  }
0x65: {  	_ =	shalt  }
0x66: {  	_ =	shalt  }
0x67: {  	_ =	shalt  }
0x68: {  	_ =	shalt  }
0x69: {  	_ =	shalt  }
0x6a: {  	_ =	shalt  }
0x6b: {  	_ =	shalt  }
0x6c: {  	_ =	shalt  }
0x6d: {  	_ =	shalt  }
0x6e: {  	_ =	shalt  }
0x6f: {  	_ =	shalt  }
0x70: {  	_ =	shalt  }
0x71: {  	_ =	shalt  }
0x72: {  	_ =	shalt  }
0x73: {  	_ =	shalt  }
0x74: {  	_ =	shalt  }
0x75: {  	_ =	shalt  }
0x76: {  	_ =	shalt  }
0x77: {  	_ =	shalt  }
0x78: {  	_ =	shalt  }
0x79: {  	_ =	shalt  }
0x7a: {  	_ =	shalt  }
0x7b: {  	_ =	shalt  }
0x7c: {  	_ =	shalt  }
0x7d: {  	_ =	shalt  }
0x7e: {  	_ =	shalt  }
0x7f: {  	_ =	shalt  }
0x80: {  	_ =	shalt  }
0x81: {  	_ =	shalt  }
0x82: {  	_ =	shalt  }
0x83: {  	_ =	shalt  }
0x84: {  	_ =	shalt  }
0x85: {  	_ =	shalt  }
0x86: {  	_ =	shalt  }
0x87: {  	_ =	shalt  }
.Lfunc_end0:
.L_simem_size_0:
called_computation_lowered:
.L_overlay_start_0:
0x88: {  	s2 =	sld [smem:$0x3FD9]  }
0x89: {  	s3 =	sld [smem:$0x3FFE];
	_ =	sdelay $0x1  }
0x8a: {  	s1 =	srdreg.scid  }
0x8b: {  	s0 =	sand.u32 $0x1, s1  }
0x8c: {  	s18 =	sshll.u32 s0, $0xA;
	s2 =	sadd.s32 s3, s2  }
0x8d: {  	s2 =	sadd.s32 s2, s18  }
0x8e: {  	[smem:$0x3FC6] =	sst s2  }
0x8f: {  	_ = 	snop  }
0x90: {  	s2 =	sld [smem:$0x3FC9]  }
0x91: {  	s19 =	sld [smem:$0x3FC8]  }
0x92: {  	s4 =	sld [smem:$0x3FD0];
	(tm) =	ssettm $0x1  }
0x93: {  	s5 =	sld [smem:$0x3FFB];
	_ =	sdelay $0x3  }
0x94: {  	_ =	strace s5  }
0x95: {  	s5 =	sld [smem:$0x3FFC];
	_ =	sdelay $0x3  }
0x96: {  	_ =	strace s5  }
0x97: {  	s5 =	sld [smem:$0x3FFD];
	_ =	sdelay $0x3  }
0x98: {  	_ =	strace s5  }
0x99: {  	_ =	strace $0x8FFFFFFF  }
0x9a: {  	s20 =	sld [smem:$0x3FDB];
	_ =	sdelay $0x1  }
0x9b: {  	s6 =	simm.s32 $_scs_section_size  }
0x9c: {  	s7 =	simm.s32 $_size__tile_overlayer_lowered;
	s8 =	simm.s32 $_tile_overlayer_lowered  }
0x9d: {  	s23 =	simm.s32 $0x1BFF;
	s22 =	sshll.u32 s8, $0x1;
	s5 =	sadd.s32 s6, s20  }
0x9e: {  	s9 =	simm.s32 $0x0;
	s21 =	sshll.u32 s7, $0x1;
	s7 =	sadd.s32 s22, s5  }
0x9f: {  	[timem:s9], [sflag:s23] =	dma.local [hbm:s7], s21  }
0xa0: {  	_ =	swait.ge [sflag:s23], s21  }
0xa1: {  	s6 =	ssub.s32 $0x0, s21;
	[sflag:s23] =	ssyncset.done $0x0  }
0xa2: {  	[sflag:s23] =	ssyncadd.s32 s6;
	_ =	sdelay $0x1  }
0xa3: {  	s24 =	simm.s32 $0x1B8B  }
0xa4: {  	_ =	swait.ge [sflag:s24], $0x1  }
0xa5: {  	[sflag:s24] =	ssyncset.done $0x0  }
0xa6: {  	s25 =	simm.s32 $0x1B8E;
	[sflag:s24] =	ssyncadd.s32 $0xFFFFFFFF  }
0xa7: {  	s26 =	simm.s32 $execute0_lowered;
	[smem:$0x3FD2] =	sst s25  }
0xa8: {  	s6 =	sshll.u32 s26, $0x1;
	_ =	strace $0x80000046;
	[dreg:$0x1] =	wrdreg $0xFFFFFFFF  }
0xa9: {  	s28 =	simm.s32 $_size_execute0_lowered;
	s5 =	sadd.s32 s5, s6;
	[dreg:$0x0] =	wrdreg $0x0  }
0xaa: {  	s6 =	sshll.u32 s28, $0x1;
	[dreg:$0x2] =	wrdreg s5  }
0xab: {  	[dreg:$0x3] =	wrdreg s6  }
0xac: {  	[dreg:$0x4] =	wrdreg $0xC0  }
0xad: {  	_ =	task [dreg:s9], $0x5FFFF  }
0xae: {  	[dreg:$0x1] =	wrdreg $0xFFFFFFFF  }
0xaf: {  	[dreg:$0x0] =	wrdreg $0x60  }
0xb0: {  	[dreg:$0x2] =	wrdreg s2  }
0xb1: {  	[dreg:$0x3] =	wrdreg s19  }
0xb2: {  	[dreg:$0x4] =	wrdreg s4  }
0xb3: {  	[dreg:$0x5] =	wrdreg $0x9  }
0xb4: {  	_ =	task.clear_ibuf [dreg:s9], $0x6FFFF;
	_ =	strace $0x90000046  }
0xb5: {  	s29 =	simm.s32 $0x9;
	_ =	strace $0x80000048  }
0xb6: {  	_ =	swait.ge [sflag:s29], $0x1  }
0xb7: {  	[sflag:s29] =	ssyncadd.s32 $0xFFFFFFFF  }
0xb8: {  	_ =	strace $0x90000048  }
0xb9: {  	_ =	sfence  }
0xba: {  	s30 =	sld [smem:$0x0];
	_ =	sdelay $0x2  }
0xbb: {  	s31 =	sshll.u32 s1, $0xD;
	s1 =	sshrl.u32 s1, $0x2  }
0xbc: {  	s3 =	sand.u32 $0x4000, s31;
	s1 =	sadd.s32 s1, s30  }
0xbd: {  	s0 =	sor.u32 s3, s0;
	s1 =	sshll.u32 s1, $0x11  }
0xbe: {  	s0 =	sor.u32 s1, s0  }
0xbf: {  	s0 =	sadd.s32 $0x8F2B, s0  }
0xc0: {  	[sflag:s0] =	ssyncadd.remote.s32 $0x1  }
0xc1: {  	_ =	sfence.sel $0xFFFF  }
0xc2: {  	[dreg:$0x0] =	wrdreg $0xFFFFFFFF;
	(pc) =	sbr.abs _section_cstart, $3  }
0xc3: {  	[dreg:$0x1] =	wrdreg $0xFFFFFFFF  }
0xc4: {  	_ =	task.clear_ibuf [dreg:s9], $0x2FFFF;
	_ =	strace $0x9FFFFFFF  }
0xc5: {  	(tm) =	ssettm $0x7FFFFFFF  }
tec
execute0_lowered:
.L_overlay_start_1:
0x0: {  	(tag) =	ssettag $0x1  }
0x1: {  	s0 =	srdreg.scid;
	s1 =	rddreg [dreg:$0x0]  }
0x2: {  	s4 =	stileid.u32;
	s3 =	rddreg [dreg:$0x1];
	s0 =	sand.u32 $0x1, s0  }
0x3: {  	v0 =	vlaneseq.u32;
	s6 =	simm.s32 $0x0;
	s12 =	simm.s32 $0x6000;
	s2 =	sshll.u32 s0, $0x4  }
0x4: {  	s13 =	simm.s32 $0x1;
	s14 =	simm.s32 $0x3;
	v0 =	vmul.u32 $0x2, v0;
	s2 =	sor.u32 s4, s2  }
0x5: {  	s15 =	simm.s32 $0x3000;
	s16 =	simm.s32 $0x9000;
	s5 =	smul.u32 $0x620, s2  }
0x6: {  	s17 =	simm.s32 $0xC000;
	s18 =	simm.s32 $0x2;
	s19 =	simm.s32 $0x4;
	v1 =	vor.u32 $0x20, v0;
	v2 =	vor.u32 $0x40, v0  }
0x7: {  	s20 =	simm.s32 $0xF000;
	s21 =	simm.s32 $0x5;
	v3 =	vor.u32 $0x60, v0;
	v4 =	vor.u32 $0x400, v0;
	v5 =	vor.u32 $0x420, v0;
	s2 =	sshrl.u32 s5, $0x3  }
0x8: {  	s22 =	simm.s32 $0x6;
	[smem:$0x7FF] =	sst s6;
	v6 =	vor.u32 $0x440, v0;
	v7 =	vor.u32 $0x460, v0;
	v8 =	vor.u32 $0x800, v0;
	s2 =	smul.u32 $0x180, s2  }
0x9: {  	s23 =	simm.s32 $0x0;
	s0 =	ssub.s32 $0x2, s0;
	s4 =	rddreg [dreg:$0x2];
	v9 =	vor.u32 $0x820, v0;
	v10 =	vor.u32 $0x840, v0;
	v11 =	vor.u32 $0x860, v0  }
0xa: {  	s7 =	sshrl.u32 s0, $0x1;
	_ =	strace $0x80000047;
	v12 =	vor.u32 $0x1, v0;
	v13 =	vor.u32 $0x21, v0;
	v14 =	vor.u32 $0x41, v0;
	s30 =	sadd.s32 s1, s2  }
0xb: {  	v15 =	vor.u32 $0x61, v0;
	v16 =	vor.u32 $0x401, v0;
	v17 =	vor.u32 $0x421, v0;
	s31 =	sadd.s32 s3, s2;
	s2 =	sadd.s32 s4, s2;
	[dreg:$0x4] =	wrdreg s30  }
0xc: {  	v18 =	vor.u32 $0x441, v0;
	v19 =	vor.u32 $0x461, v0;
	v20 =	vor.u32 $0x801, v0;
	s0 =	ssub.s32 s0, s7;
	[dreg:$0x5] =	wrdreg s31;
	s2 =	sadd.s32 $0x12000, s2  }
0xd: {  	v21 =	vor.u32 $0x821, v0;
	v22 =	vor.u32 $0x841, v0;
	v23 =	vor.u32 $0x861, v0;
	s11 =	smax.u32 s0, $0x1;
	s9 =	sadd.s32 $0x40, s5;
	[dreg:$0x6] =	wrdreg s2  }
.LBB2_1:
0xe: {  	s0 =	rddreg [dreg:$0x4]  }
0xf: {  	[tilespmem:s6], [sflag:$0x1] =	stream.linear.gather [hbm4b:s0+s6], $0x3000, $0x38;
	[tilespmem:$0x12000] =	vst v63  }
0x10: {  	s31 =	rddreg [dreg:$0x5];
	s24 =	simm.s32 $0x0  }
0x11: {  	[tilespmem:s12], [sflag:$0x3] =	stream.linear.gather [hbm4b:s31+s6], $0x3000, $0x38;
	[tilespmem:$0x12000] =	vst v63  }
.LBB2_2:
0x12: {  	s26 =	sshll.u32 s24, $0x6  }
0x13: {  	_ =	swait.ge [sflag:s13], $0x3000;
	s28 =	sadd.s32 s5, s26  }
0x14: {  	[sflag:s13] =	ssyncset.done $0x0;
	s0 =	sadd.s32 $0x20, s28  }
0x15: {  	[sflag:s13] =	ssyncadd.s32 $0xFFFFD000;
	s0 =	sshrl.u32 s0, $0x3  }
0x16: {  	_ =	swait.ge [sflag:s14], $0x3000;
	s25 =	smul.u32 $0x180, s0  }
0x17: {  	[sflag:s14] =	ssyncset.done $0x0  }
0x18: {  	p0 =	seq.s32 s24, $0x0;
	[sflag:s14] =	ssyncadd.s32 $0xFFFFD000;
	s0 =	sadd.s32 s1, s25  }
0x19: {  	[tilespmem:s15], [sflag:$0x2] =	stream.linear.gather [hbm4b:s0+s6], $0x3000, $0x38;
	[tilespmem:$0x12000] =	vst v63  }
0x1a: {  	s10 =	sadd.s32 s3, s25;
	s0 =	simm.s32 @!p0 $0x5  }
0x1b: {  	[tilespmem:s16], [sflag:$0x4] =	stream.linear.gather [hbm4b:s10+s6], $0x3000, $0x38;
	[tilespmem:$0x12000] =	vst v63  }
0x1c: {  	_ =	swait.ge @!p0 [sflag:s0], $0x3000  }
0x1d: {  	s29 =	simm.s32 $0x0;
	[sflag:s0] =	ssyncset.done @!p0 $0x0  }
0x1e: {  	s30 =	simm.s32 $0x0;
	s31 =	simm.s32 $0x0;
	[sflag:s0] =	ssyncadd.s32 @!p0 $0xFFFFD000  }
.LBB2_3:
0x1f: {  	v24 =	vmov s29  }
0x20: {  	v25 =	vshrl.u32 v24, $0x3  }
0x21: {  	v24 =	vshll.u32 v24, $0x7;
	v25 =	vmul.u32 $0xC00, v25  }
0x22: {  	v24 =	vand.u32 $0x300, v24  }
0x23: {  	v24 =	vor.u32 v24, v25  }
0x24: {  	v25 =	vor.u32 v0, v24;
	_ =	sdelay $0x3  }
0x25: {  	s0 =	sshrl.u32 s31, $0x2  }
0x26: {  	s0 =	smul.u32 $0x3000, s0;
	v25 =	vld.idx.msk [tilespmem:v25+s6+$0x0], $0xffff  }
0x27: {  	v26 =	vor.u32 v1, v24  }
0x28: {  	s7 =	sshra.s32 s0, $0x2  }
0x29: {  	s8 =	sand.u32 $0x300, s30;
	s2 =	sadd.s32 $0xC000, s7  }
0x2a: {  	s10 =	sor.u32 s8, s2  }
0x2b: {  	[tilespmem:s10+$0x0] =	vst v25  }
0x2c: {  	v25 =	vld.idx.msk [tilespmem:v26+s6+$0x0], $0xffff  }
0x2d: {  	v54 =	vor.u32 v2, v24;
	_ =	sdelay $0x3  }
0x2e: {  	[tilespmem:s10+$0x10] =	vst v25  }
0x2f: {  	v25 =	vld.idx.msk [tilespmem:v54+s6+$0x0], $0xffff  }
0x30: {  	v55 =	vor.u32 v3, v24;
	_ =	sdelay $0x3  }
0x31: {  	[tilespmem:s10+$0x20] =	vst v25  }
0x32: {  	v25 =	vld.idx.msk [tilespmem:v55+s6+$0x0], $0xffff  }
0x33: {  	v56 =	vadd.s32 v4, v24;
	_ =	sdelay $0x3  }
0x34: {  	[tilespmem:s10+$0x30] =	vst v25  }
0x35: {  	v25 =	vld.idx.msk [tilespmem:v56+s6+$0x0], $0xffff  }
0x36: {  	v57 =	vadd.s32 v5, v24;
	_ =	sdelay $0x3  }
0x37: {  	[tilespmem:s10+$0x40] =	vst v25  }
0x38: {  	v25 =	vld.idx.msk [tilespmem:v57+s6+$0x0], $0xffff  }
0x39: {  	v58 =	vadd.s32 v6, v24;
	_ =	sdelay $0x3  }
0x3a: {  	[tilespmem:s10+$0x50] =	vst v25  }
0x3b: {  	v25 =	vld.idx.msk [tilespmem:v58+s6+$0x0], $0xffff  }
0x3c: {  	v59 =	vadd.s32 v7, v24;
	_ =	sdelay $0x3  }
0x3d: {  	[tilespmem:s10+$0x60] =	vst v25  }
0x3e: {  	v25 =	vld.idx.msk [tilespmem:v59+s6+$0x0], $0xffff  }
0x3f: {  	v60 =	vadd.s32 v8, v24;
	_ =	sdelay $0x3  }
0x40: {  	[tilespmem:s10+$0x70] =	vst v25  }
0x41: {  	v25 =	vld.idx.msk [tilespmem:v60+s6+$0x0], $0xffff  }
0x42: {  	v61 =	vadd.s32 v9, v24;
	_ =	sdelay $0x1  }
0x43: {  	s0 =	sadd.s32 $0xC400, s7  }
0x44: {  	s10 =	sor.u32 s8, s0  }
0x45: {  	[tilespmem:s10+$0x0] =	vst v25  }
0x46: {  	v25 =	vld.idx.msk [tilespmem:v61+s6+$0x0], $0xffff  }
0x47: {  	v62 =	vadd.s32 v10, v24;
	_ =	sdelay $0x3  }
0x48: {  	[tilespmem:s10+$0x10] =	vst v25  }
0x49: {  	v25 =	vld.idx.msk [tilespmem:v62+s6+$0x0], $0xffff  }
0x4a: {  	v63 =	vadd.s32 v11, v24;
	_ =	sdelay $0x3  }
0x4b: {  	[tilespmem:s10+$0x20] =	vst v25  }
0x4c: {  	v25 =	vld.idx.msk [tilespmem:v63+s6+$0x0], $0xffff  }
0x4d: {  	v28 =	vor.u32 v12, v24;
	_ =	sdelay $0x3  }
0x4e: {  	[tilespmem:s10+$0x30] =	vst v25  }
0x4f: {  	v25 =	vld.idx.msk [tilespmem:v28+s12+$0x0], $0xffff  }
0x50: {  	v29 =	vor.u32 v13, v24;
	_ =	sdelay $0x3  }
0x51: {  	[tilespmem:s10+$0x40] =	vst v25  }
0x52: {  	v25 =	vld.idx.msk [tilespmem:v29+s12+$0x0], $0xffff  }
0x53: {  	v30 =	vor.u32 v14, v24;
	_ =	sdelay $0x3  }
0x54: {  	[tilespmem:s10+$0x50] =	vst v25  }
0x55: {  	v25 =	vld.idx.msk [tilespmem:v30+s12+$0x0], $0xffff  }
0x56: {  	v31 =	vor.u32 v15, v24;
	_ =	sdelay $0x3  }
0x57: {  	[tilespmem:s10+$0x60] =	vst v25  }
0x58: {  	v32 =	vadd.s32 $0x400, v24;
	v26 =	vld.idx.msk [tilespmem:v31+s12+$0x0], $0xffff  }
0x59: {  	v27 =	vor.u32 v12, v32;
	_ =	sdelay $0x3  }
0x5a: {  	[tilespmem:s10+$0x70] =	vst v26  }
0x5b: {  	v26 =	vld.idx.msk [tilespmem:v27+s12+$0x0], $0xffff  }
0x5c: {  	v33 =	vor.u32 v13, v32;
	_ =	sdelay $0x1  }
0x5d: {  	s7 =	sadd.s32 $0xC800, s7  }
0x5e: {  	s8 =	sor.u32 s8, s7  }
0x5f: {  	[tilespmem:s8+$0x0] =	vst v26  }
0x60: {  	v26 =	vld.idx.msk [tilespmem:v33+s12+$0x0], $0xffff  }
0x61: {  	v34 =	vor.u32 v14, v32;
	_ =	sdelay $0x3  }
0x62: {  	[tilespmem:s8+$0x10] =	vst v26  }
0x63: {  	v26 =	vld.idx.msk [tilespmem:v34+s12+$0x0], $0xffff  }
0x64: {  	v25 =	vor.u32 v15, v32;
	_ =	sdelay $0x3  }
0x65: {  	[tilespmem:s8+$0x20] =	vst v26  }
0x66: {  	v24 =	vadd.s32 $0x800, v24;
	v25 =	vld.idx.msk [tilespmem:v25+s12+$0x0], $0xffff  }
0x67: {  	v35 =	vor.u32 v12, v24;
	_ =	sdelay $0x3  }
0x68: {  	[tilespmem:s8+$0x30] =	vst v25  }
0x69: {  	v25 =	vld.idx.msk [tilespmem:v35+s12+$0x0], $0xffff  }
0x6a: {  	v36 =	vor.u32 v13, v24;
	_ =	sdelay $0x3  }
0x6b: {  	[tilespmem:s8+$0x40] =	vst v25  }
0x6c: {  	v25 =	vld.idx.msk [tilespmem:v36+s12+$0x0], $0xffff  }
0x6d: {  	v37 =	vor.u32 v14, v24;
	_ =	sdelay $0x3  }
0x6e: {  	[tilespmem:s8+$0x50] =	vst v25  }
0x6f: {  	v25 =	vld.idx.msk [tilespmem:v37+s12+$0x0], $0xffff  }
0x70: {  	v24 =	vor.u32 v15, v24;
	s10 =	sadd.s32 $0x1, s29  }
0x71: {  	v38 =	vmov s10  }
0x72: {  	v39 =	vshrl.u32 v38, $0x3  }
0x73: {  	v27 =	vmul.u32 $0xC00, v39;
	v26 =	vshll.u32 v38, $0x7  }
0x74: {  	v40 =	vand.u32 $0x380, v26;
	[tilespmem:s8+$0x60] =	vst v25  }
0x75: {  	v25 =	vor.u32 v40, v27;
	v24 =	vld.idx.msk [tilespmem:v24+s12+$0x0], $0xffff  }
0x76: {  	v41 =	vor.u32 v0, v25;
	_ =	sdelay $0x3  }
0x77: {  	[tilespmem:s8+$0x70] =	vst v24  }
0x78: {  	v24 =	vld.idx.msk [tilespmem:v41+s6+$0x0], $0xffff  }
0x79: {  	v42 =	vor.u32 v1, v25  }
0x7a: {  	s10 =	sadd.s32 $0x80, s30  }
0x7b: {  	s8 =	sand.u32 $0x380, s10  }
0x7c: {  	s2 =	sor.u32 s8, s2  }
0x7d: {  	[tilespmem:s2+$0x0] =	vst v24  }
0x7e: {  	v24 =	vld.idx.msk [tilespmem:v42+s6+$0x0], $0xffff  }
0x7f: {  	v43 =	vor.u32 v2, v25;
	_ =	sdelay $0x3  }
0x80: {  	[tilespmem:s2+$0x10] =	vst v24  }
0x81: {  	v24 =	vld.idx.msk [tilespmem:v43+s6+$0x0], $0xffff  }
0x82: {  	v44 =	vor.u32 v3, v25;
	_ =	sdelay $0x3  }
0x83: {  	[tilespmem:s2+$0x20] =	vst v24  }
0x84: {  	v24 =	vld.idx.msk [tilespmem:v44+s6+$0x0], $0xffff  }
0x85: {  	v45 =	vadd.s32 v4, v25;
	_ =	sdelay $0x3  }
0x86: {  	[tilespmem:s2+$0x30] =	vst v24  }
0x87: {  	v24 =	vld.idx.msk [tilespmem:v45+s6+$0x0], $0xffff  }
0x88: {  	v46 =	vadd.s32 v5, v25;
	_ =	sdelay $0x3  }
0x89: {  	[tilespmem:s2+$0x40] =	vst v24  }
0x8a: {  	v24 =	vld.idx.msk [tilespmem:v46+s6+$0x0], $0xffff  }
0x8b: {  	v47 =	vadd.s32 v6, v25;
	_ =	sdelay $0x3  }
0x8c: {  	[tilespmem:s2+$0x50] =	vst v24  }
0x8d: {  	v24 =	vld.idx.msk [tilespmem:v47+s6+$0x0], $0xffff  }
0x8e: {  	v48 =	vadd.s32 v7, v25;
	_ =	sdelay $0x3  }
0x8f: {  	[tilespmem:s2+$0x60] =	vst v24  }
0x90: {  	v24 =	vld.idx.msk [tilespmem:v48+s6+$0x0], $0xffff  }
0x91: {  	v49 =	vadd.s32 v8, v25;
	_ =	sdelay $0x3  }
0x92: {  	[tilespmem:s2+$0x70] =	vst v24  }
0x93: {  	v24 =	vld.idx.msk [tilespmem:v49+s6+$0x0], $0xffff  }
0x94: {  	v50 =	vadd.s32 v9, v25;
	_ =	sdelay $0x2  }
0x95: {  	s0 =	sor.u32 s8, s0  }
0x96: {  	[tilespmem:s0+$0x0] =	vst v24  }
0x97: {  	v24 =	vld.idx.msk [tilespmem:v50+s6+$0x0], $0xffff  }
0x98: {  	v51 =	vadd.s32 v10, v25;
	_ =	sdelay $0x3  }
0x99: {  	[tilespmem:s0+$0x10] =	vst v24  }
0x9a: {  	v24 =	vld.idx.msk [tilespmem:v51+s6+$0x0], $0xffff  }
0x9b: {  	v52 =	vadd.s32 v11, v25;
	_ =	sdelay $0x3  }
0x9c: {  	[tilespmem:s0+$0x20] =	vst v24  }
0x9d: {  	v24 =	vld.idx.msk [tilespmem:v52+s6+$0x0], $0xffff  }
0x9e: {  	v53 =	vor.u32 v12, v25;
	_ =	sdelay $0x3  }
0x9f: {  	[tilespmem:s0+$0x30] =	vst v24  }
0xa0: {  	v24 =	vld.idx.msk [tilespmem:v53+s12+$0x0], $0xffff  }
0xa1: {  	v54 =	vor.u32 v13, v25;
	_ =	sdelay $0x3  }
0xa2: {  	[tilespmem:s0+$0x40] =	vst v24  }
0xa3: {  	v24 =	vld.idx.msk [tilespmem:v54+s12+$0x0], $0xffff  }
0xa4: {  	v55 =	vor.u32 v14, v25;
	_ =	sdelay $0x3  }
0xa5: {  	[tilespmem:s0+$0x50] =	vst v24  }
0xa6: {  	v24 =	vld.idx.msk [tilespmem:v55+s12+$0x0], $0xffff  }
0xa7: {  	v56 =	vor.u32 v15, v25;
	_ =	sdelay $0x3  }
0xa8: {  	[tilespmem:s0+$0x60] =	vst v24  }
0xa9: {  	v24 =	vld.idx.msk [tilespmem:v56+s12+$0x0], $0xffff  }
0xaa: {  	v57 =	vadd.s32 v16, v25;
	_ =	sdelay $0x3  }
0xab: {  	[tilespmem:s0+$0x70] =	vst v24  }
0xac: {  	v24 =	vld.idx.msk [tilespmem:v57+s12+$0x0], $0xffff  }
0xad: {  	v58 =	vadd.s32 v17, v25;
	_ =	sdelay $0x2  }
0xae: {  	s10 =	sor.u32 s8, s7  }
0xaf: {  	[tilespmem:s10+$0x0] =	vst v24  }
0xb0: {  	v24 =	vld.idx.msk [tilespmem:v58+s12+$0x0], $0xffff  }
0xb1: {  	v59 =	vadd.s32 v18, v25;
	_ =	sdelay $0x3  }
0xb2: {  	[tilespmem:s10+$0x10] =	vst v24  }
0xb3: {  	v24 =	vld.idx.msk [tilespmem:v59+s12+$0x0], $0xffff  }
0xb4: {  	v60 =	vadd.s32 v19, v25;
	_ =	sdelay $0x3  }
0xb5: {  	[tilespmem:s10+$0x20] =	vst v24  }
0xb6: {  	v24 =	vld.idx.msk [tilespmem:v60+s12+$0x0], $0xffff  }
0xb7: {  	v61 =	vadd.s32 v20, v25;
	_ =	sdelay $0x3  }
0xb8: {  	[tilespmem:s10+$0x30] =	vst v24  }
0xb9: {  	v24 =	vld.idx.msk [tilespmem:v61+s12+$0x0], $0xffff  }
0xba: {  	v62 =	vadd.s32 v21, v25;
	_ =	sdelay $0x3  }
0xbb: {  	[tilespmem:s10+$0x40] =	vst v24  }
0xbc: {  	v24 =	vld.idx.msk [tilespmem:v62+s12+$0x0], $0xffff  }
0xbd: {  	v63 =	vadd.s32 v22, v25;
	_ =	sdelay $0x3  }
0xbe: {  	[tilespmem:s10+$0x50] =	vst v24  }
0xbf: {  	v24 =	vld.idx.msk [tilespmem:v63+s12+$0x0], $0xffff  }
0xc0: {  	v25 =	vadd.s32 v23, v25;
	_ =	sdelay $0x3  }
0xc1: {  	[tilespmem:s10+$0x60] =	vst v24  }
0xc2: {  	p1 =	sne.s32 s31, $0xF;
	v24 =	vld.idx.msk [tilespmem:v25+s12+$0x0], $0xffff  }
.Ltmp0:
0xc3: {  	_ = 	snop;
	(pc) =	sbr.rel @p1 .LBB2_3-.Ltmp0, $2  }
0xc4: {  	_ =	sdelay $0x2  }
0xc5: {  	s31 =	sadd.s32 $0x1, s31;
	s29 =	sadd.s32 $0x2, s29;
	s30 =	sadd.s32 $0x100, s30;
	[tilespmem:s10+$0x70] =	vst v24  }
0xc6: {  	s0 =	sshrl.u32 s28, $0x3  }
0xc7: {  	s0 =	smul.u32 $0x180, s0;
	_ =	sdelay $0x1  }
0xc8: {  	s0 =	sadd.s32 s4, s0  }
0xc9: {  	[hbm4b:s0+s6] =	stream.linear.scatter [tilespmem:s17], [sflag:$0x5], $0x3000, $0x38;
	[tilespmem:$0x12000] =	vst v63  }
0xca: {  	_ =	swait.ge [sflag:s18], $0x3000  }
0xcb: {  	s31 =	sadd.s32 s26, s9;
	[sflag:s18] =	ssyncset.done $0x0  }
0xcc: {  	s0 =	sshrl.u32 s31, $0x3;
	[sflag:s18] =	ssyncadd.s32 $0xFFFFD000  }
0xcd: {  	s0 =	smul.u32 $0x180, s0;
	_ =	swait.ge [sflag:s19], $0x3000  }
0xce: {  	[sflag:s19] =	ssyncset.done $0x0  }
0xcf: {  	s2 =	sadd.s32 s1, s0;
	[sflag:s19] =	ssyncadd.s32 $0xFFFFD000  }
0xd0: {  	[tilespmem:s6], [sflag:$0x1] =	stream.linear.gather [hbm4b:s2+s6], $0x3000, $0x38;
	[tilespmem:$0x12000] =	vst v63  }
0xd1: {  	s0 =	sadd.s32 s3, s0  }
0xd2: {  	[tilespmem:s12], [sflag:$0x3] =	stream.linear.gather [hbm4b:s0+s6], $0x3000, $0x38;
	[tilespmem:$0x12000] =	vst v63  }
0xd3: {  	s0 =	simm.s32 @!p0 $0x6  }
0xd4: {  	_ =	swait.ge @!p0 [sflag:s0], $0x3000  }
0xd5: {  	s26 =	simm.s32 $0x0;
	[sflag:s0] =	ssyncset.done @!p0 $0x0  }
0xd6: {  	s28 =	simm.s32 $0x0;
	s29 =	simm.s32 $0x0;
	[sflag:s0] =	ssyncadd.s32 @!p0 $0xFFFFD000  }
.LBB2_5:
0xd7: {  	v24 =	vmov s26  }
0xd8: {  	v25 =	vshrl.u32 v24, $0x3  }
0xd9: {  	v24 =	vshll.u32 v24, $0x7;
	v25 =	vmul.u32 $0xC00, v25  }
0xda: {  	v24 =	vand.u32 $0x300, v24  }
0xdb: {  	v24 =	vor.u32 v24, v25  }
0xdc: {  	v25 =	vor.u32 v0, v24;
	_ =	sdelay $0x3  }
0xdd: {  	s0 =	sshrl.u32 s29, $0x2  }
0xde: {  	s0 =	smul.u32 $0x3000, s0;
	v25 =	vld.idx.msk [tilespmem:v25+s15+$0x0], $0xffff  }
0xdf: {  	v26 =	vor.u32 v1, v24  }
0xe0: {  	s7 =	sshra.s32 s0, $0x2  }
0xe1: {  	s8 =	sand.u32 $0x300, s28;
	s2 =	sadd.s32 $0xF000, s7  }
0xe2: {  	s30 =	sor.u32 s8, s2  }
0xe3: {  	[tilespmem:s30+$0x0] =	vst v25  }
0xe4: {  	v25 =	vld.idx.msk [tilespmem:v26+s15+$0x0], $0xffff  }
0xe5: {  	v54 =	vor.u32 v2, v24;
	_ =	sdelay $0x3  }
0xe6: {  	[tilespmem:s30+$0x10] =	vst v25  }
0xe7: {  	v25 =	vld.idx.msk [tilespmem:v54+s15+$0x0], $0xffff  }
0xe8: {  	v55 =	vor.u32 v3, v24;
	_ =	sdelay $0x3  }
0xe9: {  	[tilespmem:s30+$0x20] =	vst v25  }
0xea: {  	v25 =	vld.idx.msk [tilespmem:v55+s15+$0x0], $0xffff  }
0xeb: {  	v56 =	vadd.s32 v4, v24;
	_ =	sdelay $0x3  }
0xec: {  	[tilespmem:s30+$0x30] =	vst v25  }
0xed: {  	v25 =	vld.idx.msk [tilespmem:v56+s15+$0x0], $0xffff  }
0xee: {  	v57 =	vadd.s32 v5, v24;
	_ =	sdelay $0x3  }
0xef: {  	[tilespmem:s30+$0x40] =	vst v25  }
0xf0: {  	v25 =	vld.idx.msk [tilespmem:v57+s15+$0x0], $0xffff  }
0xf1: {  	v58 =	vadd.s32 v6, v24;
	_ =	sdelay $0x3  }
0xf2: {  	[tilespmem:s30+$0x50] =	vst v25  }
0xf3: {  	v25 =	vld.idx.msk [tilespmem:v58+s15+$0x0], $0xffff  }
0xf4: {  	v59 =	vadd.s32 v7, v24;
	_ =	sdelay $0x3  }
0xf5: {  	[tilespmem:s30+$0x60] =	vst v25  }
0xf6: {  	v25 =	vld.idx.msk [tilespmem:v59+s15+$0x0], $0xffff  }
0xf7: {  	v60 =	vadd.s32 v8, v24;
	_ =	sdelay $0x3  }
0xf8: {  	[tilespmem:s30+$0x70] =	vst v25  }
0xf9: {  	v25 =	vld.idx.msk [tilespmem:v60+s15+$0x0], $0xffff  }
0xfa: {  	v61 =	vadd.s32 v9, v24;
	_ =	sdelay $0x1  }
0xfb: {  	s0 =	sadd.s32 $0xF400, s7  }
0xfc: {  	s10 =	sor.u32 s8, s0  }
0xfd: {  	[tilespmem:s10+$0x0] =	vst v25  }
0xfe: {  	v25 =	vld.idx.msk [tilespmem:v61+s15+$0x0], $0xffff  }
0xff: {  	v62 =	vadd.s32 v10, v24;
	_ =	sdelay $0x3  }
0x100: {  	[tilespmem:s10+$0x10] =	vst v25  }
0x101: {  	v25 =	vld.idx.msk [tilespmem:v62+s15+$0x0], $0xffff  }
0x102: {  	v63 =	vadd.s32 v11, v24;
	_ =	sdelay $0x3  }
0x103: {  	[tilespmem:s10+$0x20] =	vst v25  }
0x104: {  	v25 =	vld.idx.msk [tilespmem:v63+s15+$0x0], $0xffff  }
0x105: {  	v28 =	vor.u32 v12, v24;
	_ =	sdelay $0x3  }
0x106: {  	[tilespmem:s10+$0x30] =	vst v25  }
0x107: {  	v25 =	vld.idx.msk [tilespmem:v28+s16+$0x0], $0xffff  }
0x108: {  	v29 =	vor.u32 v13, v24;
	_ =	sdelay $0x3  }
0x109: {  	[tilespmem:s10+$0x40] =	vst v25  }
0x10a: {  	v25 =	vld.idx.msk [tilespmem:v29+s16+$0x0], $0xffff  }
0x10b: {  	v30 =	vor.u32 v14, v24;
	_ =	sdelay $0x3  }
0x10c: {  	[tilespmem:s10+$0x50] =	vst v25  }
0x10d: {  	v25 =	vld.idx.msk [tilespmem:v30+s16+$0x0], $0xffff  }
0x10e: {  	v31 =	vor.u32 v15, v24;
	_ =	sdelay $0x3  }
0x10f: {  	[tilespmem:s10+$0x60] =	vst v25  }
0x110: {  	v32 =	vadd.s32 $0x400, v24;
	v26 =	vld.idx.msk [tilespmem:v31+s16+$0x0], $0xffff  }
0x111: {  	v27 =	vor.u32 v12, v32;
	_ =	sdelay $0x3  }
0x112: {  	[tilespmem:s10+$0x70] =	vst v26  }
0x113: {  	v26 =	vld.idx.msk [tilespmem:v27+s16+$0x0], $0xffff  }
0x114: {  	v33 =	vor.u32 v13, v32;
	_ =	sdelay $0x1  }
0x115: {  	s7 =	sadd.s32 $0xF800, s7  }
0x116: {  	s8 =	sor.u32 s8, s7  }
0x117: {  	[tilespmem:s8+$0x0] =	vst v26  }
0x118: {  	v26 =	vld.idx.msk [tilespmem:v33+s16+$0x0], $0xffff  }
0x119: {  	v34 =	vor.u32 v14, v32;
	_ =	sdelay $0x3  }
0x11a: {  	[tilespmem:s8+$0x10] =	vst v26  }
0x11b: {  	v26 =	vld.idx.msk [tilespmem:v34+s16+$0x0], $0xffff  }
0x11c: {  	v25 =	vor.u32 v15, v32;
	_ =	sdelay $0x3  }
0x11d: {  	[tilespmem:s8+$0x20] =	vst v26  }
0x11e: {  	v24 =	vadd.s32 $0x800, v24;
	v25 =	vld.idx.msk [tilespmem:v25+s16+$0x0], $0xffff  }
0x11f: {  	v35 =	vor.u32 v12, v24;
	_ =	sdelay $0x3  }
0x120: {  	[tilespmem:s8+$0x30] =	vst v25  }
0x121: {  	v25 =	vld.idx.msk [tilespmem:v35+s16+$0x0], $0xffff  }
0x122: {  	v36 =	vor.u32 v13, v24;
	_ =	sdelay $0x3  }
0x123: {  	[tilespmem:s8+$0x40] =	vst v25  }
0x124: {  	v25 =	vld.idx.msk [tilespmem:v36+s16+$0x0], $0xffff  }
0x125: {  	v37 =	vor.u32 v14, v24;
	_ =	sdelay $0x3  }
0x126: {  	[tilespmem:s8+$0x50] =	vst v25  }
0x127: {  	v25 =	vld.idx.msk [tilespmem:v37+s16+$0x0], $0xffff  }
0x128: {  	s31 =	sadd.s32 $0x1, s26;
	v24 =	vor.u32 v15, v24  }
0x129: {  	v38 =	vmov s31  }
0x12a: {  	v39 =	vshrl.u32 v38, $0x3  }
0x12b: {  	v27 =	vmul.u32 $0xC00, v39;
	v26 =	vshll.u32 v38, $0x7  }
0x12c: {  	v40 =	vand.u32 $0x380, v26;
	[tilespmem:s8+$0x60] =	vst v25  }
0x12d: {  	v25 =	vor.u32 v40, v27;
	v24 =	vld.idx.msk [tilespmem:v24+s16+$0x0], $0xffff  }
0x12e: {  	v41 =	vor.u32 v0, v25;
	_ =	sdelay $0x3  }
0x12f: {  	[tilespmem:s8+$0x70] =	vst v24  }
0x130: {  	v24 =	vld.idx.msk [tilespmem:v41+s15+$0x0], $0xffff  }
0x131: {  	v42 =	vor.u32 v1, v25  }
0x132: {  	s30 =	sadd.s32 $0x80, s28  }
0x133: {  	s8 =	sand.u32 $0x380, s30  }
0x134: {  	s2 =	sor.u32 s8, s2  }
0x135: {  	[tilespmem:s2+$0x0] =	vst v24  }
0x136: {  	v24 =	vld.idx.msk [tilespmem:v42+s15+$0x0], $0xffff  }
0x137: {  	v43 =	vor.u32 v2, v25;
	_ =	sdelay $0x3  }
0x138: {  	[tilespmem:s2+$0x10] =	vst v24  }
0x139: {  	v24 =	vld.idx.msk [tilespmem:v43+s15+$0x0], $0xffff  }
0x13a: {  	v44 =	vor.u32 v3, v25;
	_ =	sdelay $0x3  }
0x13b: {  	[tilespmem:s2+$0x20] =	vst v24  }
0x13c: {  	v24 =	vld.idx.msk [tilespmem:v44+s15+$0x0], $0xffff  }
0x13d: {  	v45 =	vadd.s32 v4, v25;
	_ =	sdelay $0x3  }
0x13e: {  	[tilespmem:s2+$0x30] =	vst v24  }
0x13f: {  	v24 =	vld.idx.msk [tilespmem:v45+s15+$0x0], $0xffff  }
0x140: {  	v46 =	vadd.s32 v5, v25;
	_ =	sdelay $0x3  }
0x141: {  	[tilespmem:s2+$0x40] =	vst v24  }
0x142: {  	v24 =	vld.idx.msk [tilespmem:v46+s15+$0x0], $0xffff  }
0x143: {  	v47 =	vadd.s32 v6, v25;
	_ =	sdelay $0x3  }
0x144: {  	[tilespmem:s2+$0x50] =	vst v24  }
0x145: {  	v24 =	vld.idx.msk [tilespmem:v47+s15+$0x0], $0xffff  }
0x146: {  	v48 =	vadd.s32 v7, v25;
	_ =	sdelay $0x3  }
0x147: {  	[tilespmem:s2+$0x60] =	vst v24  }
0x148: {  	v24 =	vld.idx.msk [tilespmem:v48+s15+$0x0], $0xffff  }
0x149: {  	v49 =	vadd.s32 v8, v25;
	_ =	sdelay $0x3  }
0x14a: {  	[tilespmem:s2+$0x70] =	vst v24  }
0x14b: {  	v24 =	vld.idx.msk [tilespmem:v49+s15+$0x0], $0xffff  }
0x14c: {  	v50 =	vadd.s32 v9, v25;
	_ =	sdelay $0x2  }
0x14d: {  	s0 =	sor.u32 s8, s0  }
0x14e: {  	[tilespmem:s0+$0x0] =	vst v24  }
0x14f: {  	v24 =	vld.idx.msk [tilespmem:v50+s15+$0x0], $0xffff  }
0x150: {  	v51 =	vadd.s32 v10, v25;
	_ =	sdelay $0x3  }
0x151: {  	[tilespmem:s0+$0x10] =	vst v24  }
0x152: {  	v24 =	vld.idx.msk [tilespmem:v51+s15+$0x0], $0xffff  }
0x153: {  	v52 =	vadd.s32 v11, v25;
	_ =	sdelay $0x3  }
0x154: {  	[tilespmem:s0+$0x20] =	vst v24  }
0x155: {  	v24 =	vld.idx.msk [tilespmem:v52+s15+$0x0], $0xffff  }
0x156: {  	v53 =	vor.u32 v12, v25;
	_ =	sdelay $0x3  }
0x157: {  	[tilespmem:s0+$0x30] =	vst v24  }
0x158: {  	v24 =	vld.idx.msk [tilespmem:v53+s16+$0x0], $0xffff  }
0x159: {  	v54 =	vor.u32 v13, v25;
	_ =	sdelay $0x3  }
0x15a: {  	[tilespmem:s0+$0x40] =	vst v24  }
0x15b: {  	v24 =	vld.idx.msk [tilespmem:v54+s16+$0x0], $0xffff  }
0x15c: {  	v55 =	vor.u32 v14, v25;
	_ =	sdelay $0x3  }
0x15d: {  	[tilespmem:s0+$0x50] =	vst v24  }
0x15e: {  	v24 =	vld.idx.msk [tilespmem:v55+s16+$0x0], $0xffff  }
0x15f: {  	v56 =	vor.u32 v15, v25;
	_ =	sdelay $0x3  }
0x160: {  	[tilespmem:s0+$0x60] =	vst v24  }
0x161: {  	v24 =	vld.idx.msk [tilespmem:v56+s16+$0x0], $0xffff  }
0x162: {  	v57 =	vadd.s32 v16, v25;
	_ =	sdelay $0x3  }
0x163: {  	[tilespmem:s0+$0x70] =	vst v24  }
0x164: {  	v24 =	vld.idx.msk [tilespmem:v57+s16+$0x0], $0xffff  }
0x165: {  	v58 =	vadd.s32 v17, v25;
	_ =	sdelay $0x2  }
0x166: {  	s31 =	sor.u32 s8, s7  }
0x167: {  	[tilespmem:s31+$0x0] =	vst v24  }
0x168: {  	v24 =	vld.idx.msk [tilespmem:v58+s16+$0x0], $0xffff  }
0x169: {  	v59 =	vadd.s32 v18, v25;
	_ =	sdelay $0x3  }
0x16a: {  	[tilespmem:s31+$0x10] =	vst v24  }
0x16b: {  	v24 =	vld.idx.msk [tilespmem:v59+s16+$0x0], $0xffff  }
0x16c: {  	v60 =	vadd.s32 v19, v25;
	_ =	sdelay $0x3  }
0x16d: {  	[tilespmem:s31+$0x20] =	vst v24  }
0x16e: {  	v24 =	vld.idx.msk [tilespmem:v60+s16+$0x0], $0xffff  }
0x16f: {  	v61 =	vadd.s32 v20, v25;
	_ =	sdelay $0x3  }
0x170: {  	[tilespmem:s31+$0x30] =	vst v24  }
0x171: {  	v24 =	vld.idx.msk [tilespmem:v61+s16+$0x0], $0xffff  }
0x172: {  	v62 =	vadd.s32 v21, v25;
	_ =	sdelay $0x3  }
0x173: {  	[tilespmem:s31+$0x40] =	vst v24  }
0x174: {  	v24 =	vld.idx.msk [tilespmem:v62+s16+$0x0], $0xffff  }
0x175: {  	v63 =	vadd.s32 v22, v25;
	_ =	sdelay $0x3  }
0x176: {  	[tilespmem:s31+$0x50] =	vst v24  }
0x177: {  	v24 =	vld.idx.msk [tilespmem:v63+s16+$0x0], $0xffff  }
0x178: {  	v25 =	vadd.s32 v23, v25;
	_ =	sdelay $0x3  }
0x179: {  	[tilespmem:s31+$0x60] =	vst v24  }
0x17a: {  	p0 =	sne.s32 s29, $0xF;
	v24 =	vld.idx.msk [tilespmem:v25+s16+$0x0], $0xffff  }
.Ltmp1:
0x17b: {  	_ = 	snop;
	(pc) =	sbr.rel @p0 .LBB2_5-.Ltmp1, $2  }
0x17c: {  	_ =	sdelay $0x2  }
0x17d: {  	s26 =	sadd.s32 $0x2, s26;
	s29 =	sadd.s32 $0x1, s29;
	s28 =	sadd.s32 $0x100, s28;
	[tilespmem:s31+$0x70] =	vst v24  }
0x17e: {  	s24 =	sadd.s32 $0x1, s24  }
0x17f: {  	p0 =	sne.s32 s24, $0x18  }
.Ltmp2:
0x180: {  	_ = 	snop;
	(pc) =	sbr.rel @p0 .LBB2_2-.Ltmp2, $3  }
0x181: {  	_ =	sdelay $0x1  }
0x182: {  	s0 =	sadd.s32 s4, s25  }
0x183: {  	[hbm4b:s0+s6] =	stream.linear.scatter [tilespmem:s20], [sflag:$0x6], $0x3000, $0x38;
	[tilespmem:$0x12000] =	vst v63  }
0x184: {  	_ =	swait.ge [sflag:s13], $0x3000  }
0x185: {  	[sflag:s13] =	ssyncset.done $0x0  }
0x186: {  	[sflag:s13] =	ssyncadd.s32 $0xFFFFD000  }
0x187: {  	_ =	swait.ge [sflag:s14], $0x3000  }
0x188: {  	[sflag:s14] =	ssyncset.done $0x0  }
0x189: {  	[sflag:s14] =	ssyncadd.s32 $0xFFFFD000  }
0x18a: {  	_ =	swait.ge [sflag:s21], $0x3000  }
0x18b: {  	s24 =	simm.s32 $0x0;
	[sflag:s21] =	ssyncset.done $0x0  }
0x18c: {  	s25 =	simm.s32 $0x0;
	s26 =	simm.s32 $0x0;
	[sflag:s21] =	ssyncadd.s32 $0xFFFFD000  }
.LBB2_8:
0x18d: {  	v24 =	vmov s24  }
0x18e: {  	v25 =	vshrl.u32 v24, $0x3  }
0x18f: {  	v24 =	vshll.u32 v24, $0x7;
	v25 =	vmul.u32 $0xC00, v25  }
0x190: {  	v24 =	vand.u32 $0x300, v24  }
0x191: {  	v24 =	vor.u32 v24, v25  }
0x192: {  	v25 =	vor.u32 v0, v24;
	_ =	sdelay $0x3  }
0x193: {  	s0 =	sshrl.u32 s26, $0x2  }
0x194: {  	s0 =	smul.u32 $0x3000, s0;
	v25 =	vld.idx.msk [tilespmem:v25+s6+$0x0], $0xffff  }
0x195: {  	v26 =	vor.u32 v1, v24  }
0x196: {  	s7 =	sshra.s32 s0, $0x2  }
0x197: {  	s8 =	sand.u32 $0x300, s25;
	s2 =	sadd.s32 $0xC000, s7  }
0x198: {  	s10 =	sor.u32 s8, s2  }
0x199: {  	[tilespmem:s10+$0x0] =	vst v25  }
0x19a: {  	v25 =	vld.idx.msk [tilespmem:v26+s6+$0x0], $0xffff  }
0x19b: {  	v54 =	vor.u32 v2, v24;
	_ =	sdelay $0x3  }
0x19c: {  	[tilespmem:s10+$0x10] =	vst v25  }
0x19d: {  	v25 =	vld.idx.msk [tilespmem:v54+s6+$0x0], $0xffff  }
0x19e: {  	v55 =	vor.u32 v3, v24;
	_ =	sdelay $0x3  }
0x19f: {  	[tilespmem:s10+$0x20] =	vst v25  }
0x1a0: {  	v25 =	vld.idx.msk [tilespmem:v55+s6+$0x0], $0xffff  }
0x1a1: {  	v56 =	vadd.s32 v4, v24;
	_ =	sdelay $0x3  }
0x1a2: {  	[tilespmem:s10+$0x30] =	vst v25  }
0x1a3: {  	v25 =	vld.idx.msk [tilespmem:v56+s6+$0x0], $0xffff  }
0x1a4: {  	v57 =	vadd.s32 v5, v24;
	_ =	sdelay $0x3  }
0x1a5: {  	[tilespmem:s10+$0x40] =	vst v25  }
0x1a6: {  	v25 =	vld.idx.msk [tilespmem:v57+s6+$0x0], $0xffff  }
0x1a7: {  	v58 =	vadd.s32 v6, v24;
	_ =	sdelay $0x3  }
0x1a8: {  	[tilespmem:s10+$0x50] =	vst v25  }
0x1a9: {  	v25 =	vld.idx.msk [tilespmem:v58+s6+$0x0], $0xffff  }
0x1aa: {  	v59 =	vadd.s32 v7, v24;
	_ =	sdelay $0x3  }
0x1ab: {  	[tilespmem:s10+$0x60] =	vst v25  }
0x1ac: {  	v25 =	vld.idx.msk [tilespmem:v59+s6+$0x0], $0xffff  }
0x1ad: {  	v60 =	vadd.s32 v8, v24;
	_ =	sdelay $0x3  }
0x1ae: {  	[tilespmem:s10+$0x70] =	vst v25  }
0x1af: {  	v25 =	vld.idx.msk [tilespmem:v60+s6+$0x0], $0xffff  }
0x1b0: {  	v61 =	vadd.s32 v9, v24;
	_ =	sdelay $0x1  }
0x1b1: {  	s28 =	sadd.s32 $0xC400, s7  }
0x1b2: {  	s10 =	sor.u32 s8, s28  }
0x1b3: {  	[tilespmem:s10+$0x0] =	vst v25  }
0x1b4: {  	v25 =	vld.idx.msk [tilespmem:v61+s6+$0x0], $0xffff  }
0x1b5: {  	v62 =	vadd.s32 v10, v24;
	_ =	sdelay $0x3  }
0x1b6: {  	[tilespmem:s10+$0x10] =	vst v25  }
0x1b7: {  	v25 =	vld.idx.msk [tilespmem:v62+s6+$0x0], $0xffff  }
0x1b8: {  	v63 =	vadd.s32 v11, v24;
	_ =	sdelay $0x3  }
0x1b9: {  	[tilespmem:s10+$0x20] =	vst v25  }
0x1ba: {  	v25 =	vld.idx.msk [tilespmem:v63+s6+$0x0], $0xffff  }
0x1bb: {  	v28 =	vor.u32 v12, v24;
	_ =	sdelay $0x3  }
0x1bc: {  	[tilespmem:s10+$0x30] =	vst v25  }
0x1bd: {  	v25 =	vld.idx.msk [tilespmem:v28+s12+$0x0], $0xffff  }
0x1be: {  	v29 =	vor.u32 v13, v24;
	_ =	sdelay $0x3  }
0x1bf: {  	[tilespmem:s10+$0x40] =	vst v25  }
0x1c0: {  	v25 =	vld.idx.msk [tilespmem:v29+s12+$0x0], $0xffff  }
0x1c1: {  	v30 =	vor.u32 v14, v24;
	_ =	sdelay $0x3  }
0x1c2: {  	[tilespmem:s10+$0x50] =	vst v25  }
0x1c3: {  	v25 =	vld.idx.msk [tilespmem:v30+s12+$0x0], $0xffff  }
0x1c4: {  	v31 =	vor.u32 v15, v24;
	_ =	sdelay $0x3  }
0x1c5: {  	[tilespmem:s10+$0x60] =	vst v25  }
0x1c6: {  	v32 =	vadd.s32 $0x400, v24;
	v26 =	vld.idx.msk [tilespmem:v31+s12+$0x0], $0xffff  }
0x1c7: {  	v27 =	vor.u32 v12, v32;
	_ =	sdelay $0x3  }
0x1c8: {  	[tilespmem:s10+$0x70] =	vst v26  }
0x1c9: {  	v26 =	vld.idx.msk [tilespmem:v27+s12+$0x0], $0xffff  }
0x1ca: {  	v33 =	vor.u32 v13, v32;
	_ =	sdelay $0x1  }
0x1cb: {  	s7 =	sadd.s32 $0xC800, s7  }
0x1cc: {  	s8 =	sor.u32 s8, s7  }
0x1cd: {  	[tilespmem:s8+$0x0] =	vst v26  }
0x1ce: {  	v26 =	vld.idx.msk [tilespmem:v33+s12+$0x0], $0xffff  }
0x1cf: {  	v34 =	vor.u32 v14, v32;
	_ =	sdelay $0x3  }
0x1d0: {  	[tilespmem:s8+$0x10] =	vst v26  }
0x1d1: {  	v26 =	vld.idx.msk [tilespmem:v34+s12+$0x0], $0xffff  }
0x1d2: {  	v25 =	vor.u32 v15, v32;
	_ =	sdelay $0x3  }
0x1d3: {  	[tilespmem:s8+$0x20] =	vst v26  }
0x1d4: {  	v24 =	vadd.s32 $0x800, v24;
	v25 =	vld.idx.msk [tilespmem:v25+s12+$0x0], $0xffff  }
0x1d5: {  	v35 =	vor.u32 v12, v24;
	_ =	sdelay $0x3  }
0x1d6: {  	[tilespmem:s8+$0x30] =	vst v25  }
0x1d7: {  	v25 =	vld.idx.msk [tilespmem:v35+s12+$0x0], $0xffff  }
0x1d8: {  	v36 =	vor.u32 v13, v24;
	_ =	sdelay $0x3  }
0x1d9: {  	[tilespmem:s8+$0x40] =	vst v25  }
0x1da: {  	v25 =	vld.idx.msk [tilespmem:v36+s12+$0x0], $0xffff  }
0x1db: {  	v37 =	vor.u32 v14, v24;
	_ =	sdelay $0x3  }
0x1dc: {  	[tilespmem:s8+$0x50] =	vst v25  }
0x1dd: {  	v25 =	vld.idx.msk [tilespmem:v37+s12+$0x0], $0xffff  }
0x1de: {  	s29 =	sadd.s32 $0x1, s24;
	v24 =	vor.u32 v15, v24  }
0x1df: {  	v38 =	vmov s29  }
0x1e0: {  	v39 =	vshrl.u32 v38, $0x3  }
0x1e1: {  	v27 =	vmul.u32 $0xC00, v39;
	v26 =	vshll.u32 v38, $0x7  }
0x1e2: {  	v40 =	vand.u32 $0x380, v26;
	[tilespmem:s8+$0x60] =	vst v25  }
0x1e3: {  	v25 =	vor.u32 v40, v27;
	v24 =	vld.idx.msk [tilespmem:v24+s12+$0x0], $0xffff  }
0x1e4: {  	v41 =	vor.u32 v0, v25;
	_ =	sdelay $0x3  }
0x1e5: {  	[tilespmem:s8+$0x70] =	vst v24  }
0x1e6: {  	v24 =	vld.idx.msk [tilespmem:v41+s6+$0x0], $0xffff  }
0x1e7: {  	v42 =	vor.u32 v1, v25  }
0x1e8: {  	s30 =	sadd.s32 $0x80, s25  }
0x1e9: {  	s8 =	sand.u32 $0x380, s30  }
0x1ea: {  	s2 =	sor.u32 s8, s2  }
0x1eb: {  	[tilespmem:s2+$0x0] =	vst v24  }
0x1ec: {  	v24 =	vld.idx.msk [tilespmem:v42+s6+$0x0], $0xffff  }
0x1ed: {  	v43 =	vor.u32 v2, v25;
	_ =	sdelay $0x3  }
0x1ee: {  	[tilespmem:s2+$0x10] =	vst v24  }
0x1ef: {  	v24 =	vld.idx.msk [tilespmem:v43+s6+$0x0], $0xffff  }
0x1f0: {  	v44 =	vor.u32 v3, v25;
	_ =	sdelay $0x3  }
0x1f1: {  	[tilespmem:s2+$0x20] =	vst v24  }
0x1f2: {  	v24 =	vld.idx.msk [tilespmem:v44+s6+$0x0], $0xffff  }
0x1f3: {  	v45 =	vadd.s32 v4, v25;
	_ =	sdelay $0x3  }
0x1f4: {  	[tilespmem:s2+$0x30] =	vst v24  }
0x1f5: {  	v24 =	vld.idx.msk [tilespmem:v45+s6+$0x0], $0xffff  }
0x1f6: {  	v46 =	vadd.s32 v5, v25;
	_ =	sdelay $0x3  }
0x1f7: {  	[tilespmem:s2+$0x40] =	vst v24  }
0x1f8: {  	v24 =	vld.idx.msk [tilespmem:v46+s6+$0x0], $0xffff  }
0x1f9: {  	v47 =	vadd.s32 v6, v25;
	_ =	sdelay $0x3  }
0x1fa: {  	[tilespmem:s2+$0x50] =	vst v24  }
0x1fb: {  	v24 =	vld.idx.msk [tilespmem:v47+s6+$0x0], $0xffff  }
0x1fc: {  	v48 =	vadd.s32 v7, v25;
	_ =	sdelay $0x3  }
0x1fd: {  	[tilespmem:s2+$0x60] =	vst v24  }
0x1fe: {  	v24 =	vld.idx.msk [tilespmem:v48+s6+$0x0], $0xffff  }
0x1ff: {  	v49 =	vadd.s32 v8, v25;
	_ =	sdelay $0x3  }
0x200: {  	[tilespmem:s2+$0x70] =	vst v24  }
0x201: {  	v24 =	vld.idx.msk [tilespmem:v49+s6+$0x0], $0xffff  }
0x202: {  	v50 =	vadd.s32 v9, v25;
	_ =	sdelay $0x2  }
0x203: {  	s0 =	sor.u32 s8, s28  }
0x204: {  	[tilespmem:s0+$0x0] =	vst v24  }
0x205: {  	v24 =	vld.idx.msk [tilespmem:v50+s6+$0x0], $0xffff  }
0x206: {  	v51 =	vadd.s32 v10, v25;
	_ =	sdelay $0x3  }
0x207: {  	[tilespmem:s0+$0x10] =	vst v24  }
0x208: {  	v24 =	vld.idx.msk [tilespmem:v51+s6+$0x0], $0xffff  }
0x209: {  	v52 =	vadd.s32 v11, v25;
	_ =	sdelay $0x3  }
0x20a: {  	[tilespmem:s0+$0x20] =	vst v24  }
0x20b: {  	v24 =	vld.idx.msk [tilespmem:v52+s6+$0x0], $0xffff  }
0x20c: {  	v53 =	vor.u32 v12, v25;
	_ =	sdelay $0x3  }
0x20d: {  	[tilespmem:s0+$0x30] =	vst v24  }
0x20e: {  	v24 =	vld.idx.msk [tilespmem:v53+s12+$0x0], $0xffff  }
0x20f: {  	v54 =	vor.u32 v13, v25;
	_ =	sdelay $0x3  }
0x210: {  	[tilespmem:s0+$0x40] =	vst v24  }
0x211: {  	v24 =	vld.idx.msk [tilespmem:v54+s12+$0x0], $0xffff  }
0x212: {  	v55 =	vor.u32 v14, v25;
	_ =	sdelay $0x3  }
0x213: {  	[tilespmem:s0+$0x50] =	vst v24  }
0x214: {  	v24 =	vld.idx.msk [tilespmem:v55+s12+$0x0], $0xffff  }
0x215: {  	v56 =	vor.u32 v15, v25;
	_ =	sdelay $0x3  }
0x216: {  	[tilespmem:s0+$0x60] =	vst v24  }
0x217: {  	v24 =	vld.idx.msk [tilespmem:v56+s12+$0x0], $0xffff  }
0x218: {  	v57 =	vadd.s32 v16, v25;
	_ =	sdelay $0x3  }
0x219: {  	[tilespmem:s0+$0x70] =	vst v24  }
0x21a: {  	v24 =	vld.idx.msk [tilespmem:v57+s12+$0x0], $0xffff  }
0x21b: {  	v58 =	vadd.s32 v17, v25;
	_ =	sdelay $0x2  }
0x21c: {  	s31 =	sor.u32 s8, s7  }
0x21d: {  	[tilespmem:s31+$0x0] =	vst v24  }
0x21e: {  	v24 =	vld.idx.msk [tilespmem:v58+s12+$0x0], $0xffff  }
0x21f: {  	v59 =	vadd.s32 v18, v25;
	_ =	sdelay $0x3  }
0x220: {  	[tilespmem:s31+$0x10] =	vst v24  }
0x221: {  	v24 =	vld.idx.msk [tilespmem:v59+s12+$0x0], $0xffff  }
0x222: {  	v60 =	vadd.s32 v19, v25;
	_ =	sdelay $0x3  }
0x223: {  	[tilespmem:s31+$0x20] =	vst v24  }
0x224: {  	v24 =	vld.idx.msk [tilespmem:v60+s12+$0x0], $0xffff  }
0x225: {  	v61 =	vadd.s32 v20, v25;
	_ =	sdelay $0x3  }
0x226: {  	[tilespmem:s31+$0x30] =	vst v24  }
0x227: {  	v24 =	vld.idx.msk [tilespmem:v61+s12+$0x0], $0xffff  }
0x228: {  	v62 =	vadd.s32 v21, v25;
	_ =	sdelay $0x3  }
0x229: {  	[tilespmem:s31+$0x40] =	vst v24  }
0x22a: {  	v24 =	vld.idx.msk [tilespmem:v62+s12+$0x0], $0xffff  }
0x22b: {  	v63 =	vadd.s32 v22, v25;
	_ =	sdelay $0x3  }
0x22c: {  	[tilespmem:s31+$0x50] =	vst v24  }
0x22d: {  	v24 =	vld.idx.msk [tilespmem:v63+s12+$0x0], $0xffff  }
0x22e: {  	v25 =	vadd.s32 v23, v25;
	_ =	sdelay $0x3  }
0x22f: {  	[tilespmem:s31+$0x60] =	vst v24  }
0x230: {  	p0 =	sne.s32 s26, $0xF;
	v24 =	vld.idx.msk [tilespmem:v25+s12+$0x0], $0xffff  }
.Ltmp3:
0x231: {  	_ = 	snop;
	(pc) =	sbr.rel @p0 .LBB2_8-.Ltmp3, $2  }
0x232: {  	_ =	sdelay $0x2  }
0x233: {  	s25 =	sadd.s32 $0x100, s25;
	s24 =	sadd.s32 $0x2, s24;
	s26 =	sadd.s32 $0x1, s26;
	[tilespmem:s31+$0x70] =	vst v24  }
0x234: {  	s0 =	rddreg [dreg:$0x6];
	s23 =	sadd.s32 $0x1, s23  }
0x235: {  	[hbm4b:s0+s6] =	stream.linear.scatter [tilespmem:s17], [sflag:$0x5], $0x3000, $0x38;
	[tilespmem:$0x12000] =	vst v63  }
0x236: {  	p0 =	sne.s32 s23, s11;
	_ =	swait.ge [sflag:s22], $0x3000  }
.Ltmp4:
0x237: {  	[sflag:s22] =	ssyncset.done $0x0;
	(pc) =	sbr.rel @p0 .LBB2_1-.Ltmp4, $4  }
0x238: {  	[sflag:s22] =	ssyncadd.s32 $0xFFFFD000  }
0x239: {  	_ =	swait.ge [sflag:s21], $0x3000  }
0x23a: {  	[sflag:s21] =	ssyncset.done $0x0  }
0x23b: {  	[sflag:s21] =	ssyncadd.s32 $0xFFFFD000  }
0x23c: {  	_ =	sfence.sel $0x180000  }
0x23d: {  	[bflag:$0x0] =	sbarrier.arrive $0xFFFF  }
0x23e: {  	_ =	strace $0x90000047  }
0x23f: {  	s0 =	stileid.u32;
	[bflag:$0x2] =	sbarrier.arrive $0xFFFF  }
0x240: {  	p0 =	sne.s32 s0, $0x0;
	s0 =	rddreg [dreg:$0x3]  }
0x241: {  	s0 =	sadd.s32 @!p0 $0x100000, s0  }
0x242: {  	[sflag:s0] =	ssyncadd.tile.s32 @!p0 $0x1;
	_ =	shalt  }
.Lfunc_end2:
_tile_overlayer_lowered:
.L_overlay_start_2:
0x243: {  	(tag) =	ssettag $0x2  }
0x244: {  	s0 =	rddreg [dreg:$0x0];
	s2 =	stileid.u32  }
0x245: {  	s1 =	rddreg [dreg:$0x1];
	p0 =	sne.s32 s2, $0x0  }
0x246: {  	s3 =	rddreg [dreg:$0x2];
	[bflag:$0x3] =	sbarrier.arrive $0xFFFF;
	s2 =	simm.s32 @!p0 $0x1C07  }
0x247: {  	[timem:s3], [sflag:s2] =	dma.local @!p0 [hbm:s0], s1  }
0x248: {  	s0 =	simm.s32 @!p0 $0x7  }
0x249: {  	_ =	swait.ge @!p0 [sflag:s0], s1  }
0x24a: {  	s1 =	ssub.s32 @!p0 $0x0, s1;
	[sflag:s0] =	ssyncset.done @!p0 $0x0  }
0x24b: {  	[sflag:s0] =	ssyncadd.s32 @!p0 s1  }
0x24c: {  	[bflag:$0x3] =	sbarrier.arrive $0xFFFF  }
0x24d: {  	_ =	shalt  }

</sc_bundles>
